<compile_context>
chip_gen: v7x
topology: tpu7x:2x2x1
jax: 0.10.2.dev20260603
libtpu: 0.0.44.dev20260713+nightly
codegen_flags: <defaults>
</compile_context>

<pallas_src>
import functools

import jax
import jax.numpy as jnp
from jax import lax
from jax.experimental import pallas as pl
from jax.experimental.pallas import tpu as pltpu
from jax.experimental.pallas import tpu_sc as plsc

N_EXPERTS = 16
N_SLOTS = 8
W13_ROWS = 4096
D_MODEL = 1024
D_FF = 2048

_NC = 2
_NS = 16
_NW = _NC * _NS
_WPS = _NW // N_SLOTS
_B2 = 16
_NB2 = 3

_BR13 = 1024
_NB13 = 8
_CPS13 = W13_ROWS // _BR13


def _sc_copy_w2(w2_weight, expert_ids):
    mesh = plsc.VectorSubcoreMesh(core_axis_name="c", subcore_axis_name="s")

    @functools.partial(
        pl.kernel,
        mesh=mesh,
        compiler_params=pltpu.CompilerParams(needs_layout_passes=False),
        out_type=jax.ShapeDtypeStruct((N_SLOTS, D_MODEL, D_FF),
                                      jnp.float32),
        scratch_types=(
            [pltpu.VMEM((16,), jnp.int32)]
            + [pltpu.VMEM((_B2, D_FF), jnp.float32) for _ in range(_NB2)]
            + [pltpu.SemaphoreType.DMA for _ in range(2 * _NB2)]
        ),
    )
    def k(w2_hbm, ids_hbm, out2_hbm, ids_v, *rest):
        bufs = rest[:_NB2]
        sems_in = rest[_NB2:2 * _NB2]
        sems_out = rest[2 * _NB2:]
        wid = lax.axis_index("s") * _NC + lax.axis_index("c")
        slot = wid // _WPS
        part = wid % _WPS
        pltpu.sync_copy(ids_hbm, ids_v.at[pl.ds(0, N_SLOTS)])
        slot_lane = jnp.full((16,), slot, jnp.int32)
        e = jnp.max(plsc.load_gather(ids_v, [slot_lane]))

        rows = D_MODEL // _WPS
        row0 = part * rows

        def gather(c, b):
            return pltpu.make_async_copy(
                w2_hbm.at[e, pl.ds(row0 + c * _B2, _B2)],
                bufs[b], sems_in[b])

        def scatter(c, b):
            return pltpu.make_async_copy(
                bufs[b], out2_hbm.at[slot, pl.ds(row0 + c * _B2, _B2)],
                sems_out[b])

        chunks = rows // _B2
        full = chunks // _NB2
        rem = chunks % _NB2

        for b in range(_NB2):
            gather(b, b).start()

        @pl.loop(0, full - 1)
        def _(r):
            base = r * _NB2
            scs = []
            for b in range(_NB2):
                gather(base + b, b).wait()
                sc = scatter(base + b, b)
                sc.start()
                scs.append(sc)
            for b in range(_NB2):
                scs[b].wait()
                gather(base + _NB2 + b, b).start()

        base = (full - 1) * _NB2
        scs = []
        for b in range(_NB2):
            gather(base + b, b).wait()
            sc = scatter(base + b, b)
            sc.start()
            scs.append(sc)
        for b in range(rem):
            scs[b].wait()
            gather(base + _NB2 + b, b).start()
        for b in range(rem, _NB2):
            scs[b].wait()
        scs = []
        for b in range(rem):
            gather(full * _NB2 + b, b).wait()
            sc = scatter(full * _NB2 + b, b)
            sc.start()
            scs.append(sc)
        for sc in scs:
            sc.wait()

    return k(w2_weight, expert_ids)


def _tc_copy_w13(w13_weight, expert_ids):
    def body(ids_s, w13_hbm, out13_hbm, buf, sin, sout):
        def gather(i, b):
            slot, c = divmod(i, _CPS13)
            e = ids_s[slot]
            return pltpu.make_async_copy(
                w13_hbm.at[e, pl.ds(c * _BR13, _BR13)], buf.at[b], sin.at[b])

        def scatter(i, b):
            slot, c = divmod(i, _CPS13)
            return pltpu.make_async_copy(
                buf.at[b], out13_hbm.at[slot, pl.ds(c * _BR13, _BR13)],
                sout.at[b])

        chunks = N_SLOTS * _CPS13
        rounds = chunks // _NB13
        for b in range(_NB13):
            gather(b, b).start()
        for r in range(rounds):
            base = r * _NB13
            scs = []
            for b in range(_NB13):
                gather(base + b, b).wait()
                sc = scatter(base + b, b)
                sc.start()
                scs.append(sc)
            for b in range(_NB13):
                scs[b].wait()
                if base + _NB13 + b < chunks:
                    gather(base + _NB13 + b, b).start()

    return pl.pallas_call(
        body,
        out_shape=jax.ShapeDtypeStruct((N_SLOTS, W13_ROWS, D_MODEL),
                                       jnp.float32),
        in_specs=[
            pl.BlockSpec(memory_space=pltpu.SMEM),
            pl.BlockSpec(memory_space=pltpu.HBM),
        ],
        out_specs=pl.BlockSpec(memory_space=pltpu.HBM),
        scratch_shapes=[
            pltpu.VMEM((_NB13, _BR13, D_MODEL), jnp.float32),
            pltpu.SemaphoreType.DMA((_NB13,)),
            pltpu.SemaphoreType.DMA((_NB13,)),
        ],
    )(expert_ids, w13_weight)


def kernel(w13_weight, w2_weight, expert_ids, slot_ids):
    del slot_ids
    ids = expert_ids.reshape(-1)
    o2 = _sc_copy_w2(w2_weight, ids)
    o13 = _tc_copy_w13(w13_weight, ids)
    return (o13, o2)

# --- scband reference (transcript-rebuilt; emitter-appended) ---
"""Pipeline reference for scband-expert-buffer-24833500906107 (READ-ONLY COPY).

The authoritative reference and input builder live on the scoring server;
editing this copy changes nothing except your own understanding.
"""

import jax, jax.numpy as jnp
import numpy as np

NUM_SOURCE_EXPERTS = 16
NUM_CACHED_SLOTS = 8
W13_ROWS = 4096  # 2 * d_ff (fused gate+up)
D_MODEL = 1024
D_FF = 2048


def setup_inputs(seed: int = 0) -> dict:
    key = jax.random.key(seed)
    k1, k2, k3 = jax.random.split(key, 3)
    w13_weight = jax.random.normal(k1, (NUM_SOURCE_EXPERTS, W13_ROWS, D_MODEL), dtype=jnp.float32)
    w2_weight = jax.random.normal(k2, (NUM_SOURCE_EXPERTS, D_MODEL, D_FF), dtype=jnp.float32)
    expert_ids = jax.random.randint(k3, (NUM_CACHED_SLOTS,), 0, NUM_SOURCE_EXPERTS, dtype=jnp.int32)
    slot_ids = jnp.arange(NUM_CACHED_SLOTS, dtype=jnp.int32)
    return {
        "w13_weight": w13_weight,
        "w2_weight": w2_weight,
        "expert_ids": expert_ids,
        "slot_ids": slot_ids,
    }


def reference(w13_weight, w2_weight, expert_ids, slot_ids):
    # Faithful translation of ExpertBuffer.fetch_on_demand:
    # for each (slot_id, expert_id) pair, copy the expert's weight row from the
    # source layer parameter into the cache buffer at slot_id.
    # Gather rows by expert id, then scatter-overwrite into the zero-initialized
    # cache buffers (create_buffer allocates zeros of shape [num_experts, *src.shape[1:]]).
    expert_ids = jnp.reshape(expert_ids, (-1,))
    slot_ids = jnp.reshape(slot_ids, (-1,))

    cache_w13 = jnp.zeros((NUM_CACHED_SLOTS, W13_ROWS, D_MODEL), dtype=w13_weight.dtype)
    cache_w2 = jnp.zeros((NUM_CACHED_SLOTS, D_MODEL, D_FF), dtype=w2_weight.dtype)

    gathered_w13 = jnp.take(w13_weight, expert_ids, axis=0)  # gather
    gathered_w2 = jnp.take(w2_weight, expert_ids, axis=0)

    cache_w13 = cache_w13.at[slot_ids].set(gathered_w13)  # scatter-overwrite
    cache_w2 = cache_w2.at[slot_ids].set(gathered_w2)

    return cache_w13, cache_w2

if __name__ == "__main__":
    import jax
    _d = setup_inputs()
    print(jax.jit(kernel)(*tuple(_d.values())))

</pallas_src>

<mosaic_0001>
#map = affine_map<(d0, d1) -> (0, 0, 0)>
#map1 = affine_map<(d0, d1) -> (0)>
module attributes {stable_mosaic.version = 14 : i64} {
  func.func @k(%arg0: i32, %arg1: i32, %arg2: memref<16x1024x2048xf32, #tpu.memory_space<hbm>>, %arg3: memref<8xi32, #tpu.memory_space<hbm>>, %arg4: memref<8x1024x2048xf32, #tpu.memory_space<hbm>>, %arg5: memref<16xi32, #tpu.memory_space<vmem>>, %arg6: memref<16x2048xf32, #tpu.memory_space<vmem>>, %arg7: memref<16x2048xf32, #tpu.memory_space<vmem>>, %arg8: memref<16x2048xf32, #tpu.memory_space<vmem>>, %arg9: memref<!tpu.dma_semaphore, #tpu.memory_space<semaphore_mem>>, %arg10: memref<!tpu.dma_semaphore, #tpu.memory_space<semaphore_mem>>, %arg11: memref<!tpu.dma_semaphore, #tpu.memory_space<semaphore_mem>>, %arg12: memref<!tpu.dma_semaphore, #tpu.memory_space<semaphore_mem>>, %arg13: memref<!tpu.dma_semaphore, #tpu.memory_space<semaphore_mem>>, %arg14: memref<!tpu.dma_semaphore, #tpu.memory_space<semaphore_mem>>) attributes {dimension_semantics = [#tpu.dimension_semantics<core_parallel>, #tpu.dimension_semantics<subcore_parallel>], iteration_bounds = array<i64: 2, 16>, scalar_prefetch = 0 : i64, scratch_operands = 10 : i64, tpu.core_type = #tpu.core_type<sc_vector_subcore>, window_params = [{transform_indices = #map}, {transform_indices = #map1}, {transform_indices = #map}]} {
    %mul3A = arith.constant 2 : i32
    %mul3A_0 = arith.muli %arg1, %mul3A : i32
    %add3A = arith.addi %mul3A_0, %arg0 : i32
    %jit3A = arith.constant 4 : i32
    %div3A = arith.divsi %add3A, %jit3A : i32
    %sign3A = arith.constant 0 : i32
    %sign3A_1 = arith.cmpi sgt, %add3A, %sign3A : i32
    %sign3A_2 = arith.extui %sign3A_1 : i1 to i32
    %sign3A_3 = arith.constant 0 : i32
    %sign3A_4 = arith.cmpi slt, %add3A, %sign3A_3 : i32
    %sign3A_5 = arith.extui %sign3A_4 : i1 to i32
    %sign3A_6 = arith.subi %sign3A_2, %sign3A_5 : i32
    %sign3A_7 = arith.constant 0 : i32
    %sign3A_8 = arith.cmpi sgt, %jit3A, %sign3A_7 : i32
    %sign3A_9 = arith.extui %sign3A_8 : i1 to i32
    %sign3A_10 = arith.constant 0 : i32
    %sign3A_11 = arith.cmpi slt, %jit3A, %sign3A_10 : i32
    %sign3A_12 = arith.extui %sign3A_11 : i1 to i32
    %sign3A_13 = arith.subi %sign3A_9, %sign3A_12 : i32
    %ne3A = arith.cmpi ne, %sign3A_6, %sign3A_13 : i32
    %rem3A = arith.remsi %add3A, %jit3A : i32
    %ne3A_14 = arith.constant 0 : i32
    %ne3A_15 = arith.cmpi ne, %rem3A, %ne3A_14 : i32
    %and3A = arith.andi %ne3A, %ne3A_15 : i1
    %sub3A = arith.constant 1 : i32
    %sub3A_16 = arith.subi %div3A, %sub3A : i32
    %select_n3A = arith.select %and3A, %sub3A_16, %div3A : i32
    %jit3A_17 = arith.constant 4 : i32
    %eq3A = arith.constant 0 : i32
    %eq3A_18 = arith.cmpi eq, %jit3A_17, %eq3A : i32
    %jit3A_19 = arith.constant 1 : i32
    %select_n3A_20 = arith.select %eq3A_18, %jit3A_19, %jit3A_17 : i32
    %rem3A_21 = arith.remsi %add3A, %select_n3A_20 : i32
    %ne3A_22 = arith.constant 0 : i32
    %ne3A_23 = arith.cmpi ne, %rem3A_21, %ne3A_22 : i32
    %lt3A = arith.constant 0 : i32
    %lt3A_24 = arith.cmpi slt, %rem3A_21, %lt3A : i32
    %lt3A_25 = arith.constant 0 : i32
    %lt3A_26 = arith.cmpi slt, %select_n3A_20, %lt3A_25 : i32
    %ne3A_27 = arith.xori %lt3A_24, %lt3A_26 : i1
    %and3A_28 = arith.andi %ne3A_27, %ne3A_23 : i1
    %add3A_29 = arith.addi %rem3A_21, %select_n3A_20 : i32
    %select_n3A_30 = arith.select %and3A_28, %add3A_29, %rem3A_21 : i32
    "tpu.region"() ({
      %run_scoped3A = tpu.sem_alloc : memref<!tpu.dma_semaphore, #tpu.memory_space<semaphore_mem>>
      %dma_start3A_162 = arith.constant 0 : i32
      %dma_start3A_163 = tpu.memref_slice %arg5[%dma_start3A_162] : memref<16xi32, #tpu.memory_space<vmem>> -> memref<8xi32, #tpu.memory_space<vmem>>
      %dma_start3A_164 = arith.constant 0 : i32
      %dma_start3A_165 = tpu.memref_slice %arg5[%dma_start3A_164] : memref<16xi32, #tpu.memory_space<vmem>> -> memref<8xi32, #tpu.memory_space<vmem>>
      tpu.enqueue_dma source(%arg3 : memref<8xi32, #tpu.memory_space<hbm>>) target(%dma_start3A_165 : memref<8xi32, #tpu.memory_space<vmem>>) target_semaphore(%run_scoped3A : memref<!tpu.dma_semaphore, #tpu.memory_space<semaphore_mem>>)
      %dma_wait3A_166 = arith.constant 0 : i32
      %dma_wait3A_167 = tpu.memref_slice %arg5[%dma_wait3A_166] : memref<16xi32, #tpu.memory_space<vmem>> -> memref<8xi32, #tpu.memory_space<vmem>>
      %dma_wait3A_168 = arith.constant 0 : i32
      %dma_wait3A_169 = tpu.memref_slice %arg5[%dma_wait3A_168] : memref<16xi32, #tpu.memory_space<vmem>> -> memref<8xi32, #tpu.memory_space<vmem>>
      tpu.wait_dma2 semaphore(%run_scoped3A : memref<!tpu.dma_semaphore, #tpu.memory_space<semaphore_mem>>) src(%arg3 : memref<8xi32, #tpu.memory_space<hbm>>) dst(%dma_wait3A_169 : memref<8xi32, #tpu.memory_space<vmem>>)
      tpu.yield
    }) : () -> ()
    %broadcast_in_dim3A = vector.broadcast %select_n3A : i32 to vector<16xi32>
    %gather3A = tpu.vector_load_idx %arg5[%broadcast_in_dim3A] : memref<16xi32, #tpu.memory_space<vmem>>[vector<16xi32>], vector<16xi32>,
    %reduce_max3A = arith.constant true
    %reduce_max3A_31 = vector.broadcast %reduce_max3A : i1 to vector<16xi1>
    %reduce_max3A_32 = arith.constant -2147483648 : i32
    %reduce_max3A_33 = vector.broadcast %reduce_max3A_32 : i32 to vector<16xi32>
    %reduce_max3A_34 = arith.xori %gather3A, %reduce_max3A_33 : vector<16xi32>
    %reduce_max3A_35 = tpu.scan <max>, %reduce_max3A_34 masked %reduce_max3A_31 : vector<16xi32>, vector<16xi1> -> vector<16xi32>
    %reduce_max3A_36 = arith.xori %reduce_max3A_35, %reduce_max3A_33 : vector<16xi32>
    %reduce_max3A_37 = vector.extract %reduce_max3A_36[15] : i32 from vector<16xi32>
    %mul3A_38 = arith.constant 256 : i32
    %mul3A_39 = arith.muli %select_n3A_30, %mul3A_38 : i32
    %add3A_40 = arith.constant 0 : i32
    %add3A_41 = arith.addi %mul3A_39, %add3A_40 : i32
    %dma_start3A = arith.constant 0 : i32
    %dma_start3A_42 = tpu.memref_slice %arg2[%reduce_max3A_37, %add3A_41, %dma_start3A] : memref<16x1024x2048xf32, #tpu.memory_space<hbm>> -> memref<1x16x2048xf32, #tpu.memory_space<hbm>>
    %dma_start3A_43 = tpu.memref_squeeze %dma_start3A_42 : memref<1x16x2048xf32, #tpu.memory_space<hbm>> -> memref<16x2048xf32, #tpu.memory_space<hbm>>
    %dma_start3A_44 = arith.constant 0 : i32
    %dma_start3A_45 = tpu.memref_slice %arg2[%reduce_max3A_37, %add3A_41, %dma_start3A_44] : memref<16x1024x2048xf32, #tpu.memory_space<hbm>> -> memref<1x16x2048xf32, #tpu.memory_space<hbm>>
    %dma_start3A_46 = tpu.memref_squeeze %dma_start3A_45 : memref<1x16x2048xf32, #tpu.memory_space<hbm>> -> memref<16x2048xf32, #tpu.memory_space<hbm>>
    tpu.enqueue_dma source(%dma_start3A_46 : memref<16x2048xf32, #tpu.memory_space<hbm>>) target(%arg6 : memref<16x2048xf32, #tpu.memory_space<vmem>>) target_semaphore(%arg9 : memref<!tpu.dma_semaphore, #tpu.memory_space<semaphore_mem>>)
    %add3A_47 = arith.constant 16 : i32
    %add3A_48 = arith.addi %mul3A_39, %add3A_47 : i32
    %dma_start3A_49 = arith.constant 0 : i32
    %dma_start3A_50 = tpu.memref_slice %arg2[%reduce_max3A_37, %add3A_48, %dma_start3A_49] : memref<16x1024x2048xf32, #tpu.memory_space<hbm>> -> memref<1x16x2048xf32, #tpu.memory_space<hbm>>
    %dma_start3A_51 = tpu.memref_squeeze %dma_start3A_50 : memref<1x16x2048xf32, #tpu.memory_space<hbm>> -> memref<16x2048xf32, #tpu.memory_space<hbm>>
    %dma_start3A_52 = arith.constant 0 : i32
    %dma_start3A_53 = tpu.memref_slice %arg2[%reduce_max3A_37, %add3A_48, %dma_start3A_52] : memref<16x1024x2048xf32, #tpu.memory_space<hbm>> -> memref<1x16x2048xf32, #tpu.memory_space<hbm>>
    %dma_start3A_54 = tpu.memref_squeeze %dma_start3A_53 : memref<1x16x2048xf32, #tpu.memory_space<hbm>> -> memref<16x2048xf32, #tpu.memory_space<hbm>>
    tpu.enqueue_dma source(%dma_start3A_54 : memref<16x2048xf32, #tpu.memory_space<hbm>>) target(%arg7 : memref<16x2048xf32, #tpu.memory_space<vmem>>) target_semaphore(%arg10 : memref<!tpu.dma_semaphore, #tpu.memory_space<semaphore_mem>>)
    %add3A_55 = arith.constant 32 : i32
    %add3A_56 = arith.addi %mul3A_39, %add3A_55 : i32
    %dma_start3A_57 = arith.constant 0 : i32
    %dma_start3A_58 = tpu.memref_slice %arg2[%reduce_max3A_37, %add3A_56, %dma_start3A_57] : memref<16x1024x2048xf32, #tpu.memory_space<hbm>> -> memref<1x16x2048xf32, #tpu.memory_space<hbm>>
    %dma_start3A_59 = tpu.memref_squeeze %dma_start3A_58 : memref<1x16x2048xf32, #tpu.memory_space<hbm>> -> memref<16x2048xf32, #tpu.memory_space<hbm>>
    %dma_start3A_60 = arith.constant 0 : i32
    %dma_start3A_61 = tpu.memref_slice %arg2[%reduce_max3A_37, %add3A_56, %dma_start3A_60] : memref<16x1024x2048xf32, #tpu.memory_space<hbm>> -> memref<1x16x2048xf32, #tpu.memory_space<hbm>>
    %dma_start3A_62 = tpu.memref_squeeze %dma_start3A_61 : memref<1x16x2048xf32, #tpu.memory_space<hbm>> -> memref<16x2048xf32, #tpu.memory_space<hbm>>
    tpu.enqueue_dma source(%dma_start3A_62 : memref<16x2048xf32, #tpu.memory_space<hbm>>) target(%arg8 : memref<16x2048xf32, #tpu.memory_space<vmem>>) target_semaphore(%arg11 : memref<!tpu.dma_semaphore, #tpu.memory_space<semaphore_mem>>)
    %scan3A = arith.constant 0 : i32
    %scan3A_63 = arith.constant 4 : i32
    %scan3A_64 = arith.addi %scan3A, %scan3A_63 : i32
    %scan3A_65 = arith.constant 1 : i32
    scf.for %scan3A_162 = %scan3A to %scan3A_64 step %scan3A_65  : i32 {
      %mul3A_163 = arith.constant 1 : i32
      %mul3A_164 = arith.muli %scan3A_162, %mul3A_163 : i32
      %add3A_165 = arith.constant 0 : i32
      %add3A_166 = arith.addi %add3A_165, %mul3A_164 : i32
      %mul3A_167 = arith.constant 3 : i32
      %mul3A_168 = arith.muli %add3A_166, %mul3A_167 : i32
      %add3A_169 = arith.constant 0 : i32
      %add3A_170 = arith.addi %mul3A_168, %add3A_169 : i32
      %mul3A_171 = arith.constant 16 : i32
      %mul3A_172 = arith.muli %add3A_170, %mul3A_171 : i32
      %add3A_173 = arith.addi %mul3A_39, %mul3A_172 : i32
      %dma_wait3A_174 = arith.constant 0 : i32
      %dma_wait3A_175 = tpu.memref_slice %arg2[%reduce_max3A_37, %add3A_173, %dma_wait3A_174] : memref<16x1024x2048xf32, #tpu.memory_space<hbm>> -> memref<1x16x2048xf32, #tpu.memory_space<hbm>>
      %dma_wait3A_176 = tpu.memref_squeeze %dma_wait3A_175 : memref<1x16x2048xf32, #tpu.memory_space<hbm>> -> memref<16x2048xf32, #tpu.memory_space<hbm>>
      %dma_wait3A_177 = arith.constant 0 : i32
      %dma_wait3A_178 = tpu.memref_slice %arg2[%reduce_max3A_37, %add3A_173, %dma_wait3A_177] : memref<16x1024x2048xf32, #tpu.memory_space<hbm>> -> memref<1x16x2048xf32, #tpu.memory_space<hbm>>
      %dma_wait3A_179 = tpu.memref_squeeze %dma_wait3A_178 : memref<1x16x2048xf32, #tpu.memory_space<hbm>> -> memref<16x2048xf32, #tpu.memory_space<hbm>>
      tpu.wait_dma2 semaphore(%arg9 : memref<!tpu.dma_semaphore, #tpu.memory_space<semaphore_mem>>) src(%dma_wait3A_179 : memref<16x2048xf32, #tpu.memory_space<hbm>>) dst(%arg6 : memref<16x2048xf32, #tpu.memory_space<vmem>>)
      %add3A_180 = arith.constant 0 : i32
      %add3A_181 = arith.addi %mul3A_168, %add3A_180 : i32
      %mul3A_182 = arith.constant 16 : i32
      %mul3A_183 = arith.muli %add3A_181, %mul3A_182 : i32
      %add3A_184 = arith.addi %mul3A_39, %mul3A_183 : i32
      %dma_start3A_185 = arith.constant 0 : i32
      %dma_start3A_186 = tpu.memref_slice %arg4[%select_n3A, %add3A_184, %dma_start3A_185] : memref<8x1024x2048xf32, #tpu.memory_space<hbm>> -> memref<1x16x2048xf32, #tpu.memory_space<hbm>>
      %dma_start3A_187 = tpu.memref_squeeze %dma_start3A_186 : memref<1x16x2048xf32, #tpu.memory_space<hbm>> -> memref<16x2048xf32, #tpu.memory_space<hbm>>
      %dma_start3A_188 = arith.constant 0 : i32
      %dma_start3A_189 = tpu.memref_slice %arg4[%select_n3A, %add3A_184, %dma_start3A_188] : memref<8x1024x2048xf32, #tpu.memory_space<hbm>> -> memref<1x16x2048xf32, #tpu.memory_space<hbm>>
      %dma_start3A_190 = tpu.memref_squeeze %dma_start3A_189 : memref<1x16x2048xf32, #tpu.memory_space<hbm>> -> memref<16x2048xf32, #tpu.memory_space<hbm>>
      tpu.enqueue_dma source(%arg6 : memref<16x2048xf32, #tpu.memory_space<vmem>>) target(%dma_start3A_190 : memref<16x2048xf32, #tpu.memory_space<hbm>>) target_semaphore(%arg12 : memref<!tpu.dma_semaphore, #tpu.memory_space<semaphore_mem>>)
      %add3A_191 = arith.constant 1 : i32
      %add3A_192 = arith.addi %mul3A_168, %add3A_191 : i32
      %mul3A_193 = arith.constant 16 : i32
      %mul3A_194 = arith.muli %add3A_192, %mul3A_193 : i32
      %add3A_195 = arith.addi %mul3A_39, %mul3A_194 : i32
      %dma_wait3A_196 = arith.constant 0 : i32
      %dma_wait3A_197 = tpu.memref_slice %arg2[%reduce_max3A_37, %add3A_195, %dma_wait3A_196] : memref<16x1024x2048xf32, #tpu.memory_space<hbm>> -> memref<1x16x2048xf32, #tpu.memory_space<hbm>>
      %dma_wait3A_198 = tpu.memref_squeeze %dma_wait3A_197 : memref<1x16x2048xf32, #tpu.memory_space<hbm>> -> memref<16x2048xf32, #tpu.memory_space<hbm>>
      %dma_wait3A_199 = arith.constant 0 : i32
      %dma_wait3A_200 = tpu.memref_slice %arg2[%reduce_max3A_37, %add3A_195, %dma_wait3A_199] : memref<16x1024x2048xf32, #tpu.memory_space<hbm>> -> memref<1x16x2048xf32, #tpu.memory_space<hbm>>
      %dma_wait3A_201 = tpu.memref_squeeze %dma_wait3A_200 : memref<1x16x2048xf32, #tpu.memory_space<hbm>> -> memref<16x2048xf32, #tpu.memory_space<hbm>>
      tpu.wait_dma2 semaphore(%arg10 : memref<!tpu.dma_semaphore, #tpu.memory_space<semaphore_mem>>) src(%dma_wait3A_201 : memref<16x2048xf32, #tpu.memory_space<hbm>>) dst(%arg7 : memref<16x2048xf32, #tpu.memory_space<vmem>>)
      %add3A_202 = arith.constant 1 : i32
      %add3A_203 = arith.addi %mul3A_168, %add3A_202 : i32
      %mul3A_204 = arith.constant 16 : i32
      %mul3A_205 = arith.muli %add3A_203, %mul3A_204 : i32
      %add3A_206 = arith.addi %mul3A_39, %mul3A_205 : i32
      %dma_start3A_207 = arith.constant 0 : i32
      %dma_start3A_208 = tpu.memref_slice %arg4[%select_n3A, %add3A_206, %dma_start3A_207] : memref<8x1024x2048xf32, #tpu.memory_space<hbm>> -> memref<1x16x2048xf32, #tpu.memory_space<hbm>>
      %dma_start3A_209 = tpu.memref_squeeze %dma_start3A_208 : memref<1x16x2048xf32, #tpu.memory_space<hbm>> -> memref<16x2048xf32, #tpu.memory_space<hbm>>
      %dma_start3A_210 = arith.constant 0 : i32
      %dma_start3A_211 = tpu.memref_slice %arg4[%select_n3A, %add3A_206, %dma_start3A_210] : memref<8x1024x2048xf32, #tpu.memory_space<hbm>> -> memref<1x16x2048xf32, #tpu.memory_space<hbm>>
      %dma_start3A_212 = tpu.memref_squeeze %dma_start3A_211 : memref<1x16x2048xf32, #tpu.memory_space<hbm>> -> memref<16x2048xf32, #tpu.memory_space<hbm>>
      tpu.enqueue_dma source(%arg7 : memref<16x2048xf32, #tpu.memory_space<vmem>>) target(%dma_start3A_212 : memref<16x2048xf32, #tpu.memory_space<hbm>>) target_semaphore(%arg13 : memref<!tpu.dma_semaphore, #tpu.memory_space<semaphore_mem>>)
      %add3A_213 = arith.constant 2 : i32
      %add3A_214 = arith.addi %mul3A_168, %add3A_213 : i32
      %mul3A_215 = arith.constant 16 : i32
      %mul3A_216 = arith.muli %add3A_214, %mul3A_215 : i32
      %add3A_217 = arith.addi %mul3A_39, %mul3A_216 : i32
      %dma_wait3A_218 = arith.constant 0 : i32
      %dma_wait3A_219 = tpu.memref_slice %arg2[%reduce_max3A_37, %add3A_217, %dma_wait3A_218] : memref<16x1024x2048xf32, #tpu.memory_space<hbm>> -> memref<1x16x2048xf32, #tpu.memory_space<hbm>>
      %dma_wait3A_220 = tpu.memref_squeeze %dma_wait3A_219 : memref<1x16x2048xf32, #tpu.memory_space<hbm>> -> memref<16x2048xf32, #tpu.memory_space<hbm>>
      %dma_wait3A_221 = arith.constant 0 : i32
      %dma_wait3A_222 = tpu.memref_slice %arg2[%reduce_max3A_37, %add3A_217, %dma_wait3A_221] : memref<16x1024x2048xf32, #tpu.memory_space<hbm>> -> memref<1x16x2048xf32, #tpu.memory_space<hbm>>
      %dma_wait3A_223 = tpu.memref_squeeze %dma_wait3A_222 : memref<1x16x2048xf32, #tpu.memory_space<hbm>> -> memref<16x2048xf32, #tpu.memory_space<hbm>>
      tpu.wait_dma2 semaphore(%arg11 : memref<!tpu.dma_semaphore, #tpu.memory_space<semaphore_mem>>) src(%dma_wait3A_223 : memref<16x2048xf32, #tpu.memory_space<hbm>>) dst(%arg8 : memref<16x2048xf32, #tpu.memory_space<vmem>>)
      %add3A_224 = arith.constant 2 : i32
      %add3A_225 = arith.addi %mul3A_168, %add3A_224 : i32
      %mul3A_226 = arith.constant 16 : i32
      %mul3A_227 = arith.muli %add3A_225, %mul3A_226 : i32
      %add3A_228 = arith.addi %mul3A_39, %mul3A_227 : i32
      %dma_start3A_229 = arith.constant 0 : i32
      %dma_start3A_230 = tpu.memref_slice %arg4[%select_n3A, %add3A_228, %dma_start3A_229] : memref<8x1024x2048xf32, #tpu.memory_space<hbm>> -> memref<1x16x2048xf32, #tpu.memory_space<hbm>>
      %dma_start3A_231 = tpu.memref_squeeze %dma_start3A_230 : memref<1x16x2048xf32, #tpu.memory_space<hbm>> -> memref<16x2048xf32, #tpu.memory_space<hbm>>
      %dma_start3A_232 = arith.constant 0 : i32
      %dma_start3A_233 = tpu.memref_slice %arg4[%select_n3A, %add3A_228, %dma_start3A_232] : memref<8x1024x2048xf32, #tpu.memory_space<hbm>> -> memref<1x16x2048xf32, #tpu.memory_space<hbm>>
      %dma_start3A_234 = tpu.memref_squeeze %dma_start3A_233 : memref<1x16x2048xf32, #tpu.memory_space<hbm>> -> memref<16x2048xf32, #tpu.memory_space<hbm>>
      tpu.enqueue_dma source(%arg8 : memref<16x2048xf32, #tpu.memory_space<vmem>>) target(%dma_start3A_234 : memref<16x2048xf32, #tpu.memory_space<hbm>>) target_semaphore(%arg14 : memref<!tpu.dma_semaphore, #tpu.memory_space<semaphore_mem>>)
      %dma_wait3A_235 = arith.constant 0 : i32
      %dma_wait3A_236 = tpu.memref_slice %arg4[%select_n3A, %add3A_184, %dma_wait3A_235] : memref<8x1024x2048xf32, #tpu.memory_space<hbm>> -> memref<1x16x2048xf32, #tpu.memory_space<hbm>>
      %dma_wait3A_237 = tpu.memref_squeeze %dma_wait3A_236 : memref<1x16x2048xf32, #tpu.memory_space<hbm>> -> memref<16x2048xf32, #tpu.memory_space<hbm>>
      %dma_wait3A_238 = arith.constant 0 : i32
      %dma_wait3A_239 = tpu.memref_slice %arg4[%select_n3A, %add3A_184, %dma_wait3A_238] : memref<8x1024x2048xf32, #tpu.memory_space<hbm>> -> memref<1x16x2048xf32, #tpu.memory_space<hbm>>
      %dma_wait3A_240 = tpu.memref_squeeze %dma_wait3A_239 : memref<1x16x2048xf32, #tpu.memory_space<hbm>> -> memref<16x2048xf32, #tpu.memory_space<hbm>>
      tpu.wait_dma2 semaphore(%arg12 : memref<!tpu.dma_semaphore, #tpu.memory_space<semaphore_mem>>) src(%arg6 : memref<16x2048xf32, #tpu.memory_space<vmem>>) dst(%dma_wait3A_240 : memref<16x2048xf32, #tpu.memory_space<hbm>>)
      %add3A_241 = arith.constant 3 : i32
      %add3A_242 = arith.addi %mul3A_168, %add3A_241 : i32
      %add3A_243 = arith.constant 0 : i32
      %add3A_244 = arith.addi %add3A_242, %add3A_243 : i32
      %mul3A_245 = arith.constant 16 : i32
      %mul3A_246 = arith.muli %add3A_244, %mul3A_245 : i32
      %add3A_247 = arith.addi %mul3A_39, %mul3A_246 : i32
      %dma_start3A_248 = arith.constant 0 : i32
      %dma_start3A_249 = tpu.memref_slice %arg2[%reduce_max3A_37, %add3A_247, %dma_start3A_248] : memref<16x1024x2048xf32, #tpu.memory_space<hbm>> -> memref<1x16x2048xf32, #tpu.memory_space<hbm>>
      %dma_start3A_250 = tpu.memref_squeeze %dma_start3A_249 : memref<1x16x2048xf32, #tpu.memory_space<hbm>> -> memref<16x2048xf32, #tpu.memory_space<hbm>>
      %dma_start3A_251 = arith.constant 0 : i32
      %dma_start3A_252 = tpu.memref_slice %arg2[%reduce_max3A_37, %add3A_247, %dma_start3A_251] : memref<16x1024x2048xf32, #tpu.memory_space<hbm>> -> memref<1x16x2048xf32, #tpu.memory_space<hbm>>
      %dma_start3A_253 = tpu.memref_squeeze %dma_start3A_252 : memref<1x16x2048xf32, #tpu.memory_space<hbm>> -> memref<16x2048xf32, #tpu.memory_space<hbm>>
      tpu.enqueue_dma source(%dma_start3A_253 : memref<16x2048xf32, #tpu.memory_space<hbm>>) target(%arg6 : memref<16x2048xf32, #tpu.memory_space<vmem>>) target_semaphore(%arg9 : memref<!tpu.dma_semaphore, #tpu.memory_space<semaphore_mem>>)
      %dma_wait3A_254 = arith.constant 0 : i32
      %dma_wait3A_255 = tpu.memref_slice %arg4[%select_n3A, %add3A_206, %dma_wait3A_254] : memref<8x1024x2048xf32, #tpu.memory_space<hbm>> -> memref<1x16x2048xf32, #tpu.memory_space<hbm>>
      %dma_wait3A_256 = tpu.memref_squeeze %dma_wait3A_255 : memref<1x16x2048xf32, #tpu.memory_space<hbm>> -> memref<16x2048xf32, #tpu.memory_space<hbm>>
      %dma_wait3A_257 = arith.constant 0 : i32
      %dma_wait3A_258 = tpu.memref_slice %arg4[%select_n3A, %add3A_206, %dma_wait3A_257] : memref<8x1024x2048xf32, #tpu.memory_space<hbm>> -> memref<1x16x2048xf32, #tpu.memory_space<hbm>>
      %dma_wait3A_259 = tpu.memref_squeeze %dma_wait3A_258 : memref<1x16x2048xf32, #tpu.memory_space<hbm>> -> memref<16x2048xf32, #tpu.memory_space<hbm>>
      tpu.wait_dma2 semaphore(%arg13 : memref<!tpu.dma_semaphore, #tpu.memory_space<semaphore_mem>>) src(%arg7 : memref<16x2048xf32, #tpu.memory_space<vmem>>) dst(%dma_wait3A_259 : memref<16x2048xf32, #tpu.memory_space<hbm>>)
      %add3A_260 = arith.constant 3 : i32
      %add3A_261 = arith.addi %mul3A_168, %add3A_260 : i32
      %add3A_262 = arith.constant 1 : i32
      %add3A_263 = arith.addi %add3A_261, %add3A_262 : i32
      %mul3A_264 = arith.constant 16 : i32
      %mul3A_265 = arith.muli %add3A_263, %mul3A_264 : i32
      %add3A_266 = arith.addi %mul3A_39, %mul3A_265 : i32
      %dma_start3A_267 = arith.constant 0 : i32
      %dma_start3A_268 = tpu.memref_slice %arg2[%reduce_max3A_37, %add3A_266, %dma_start3A_267] : memref<16x1024x2048xf32, #tpu.memory_space<hbm>> -> memref<1x16x2048xf32, #tpu.memory_space<hbm>>
      %dma_start3A_269 = tpu.memref_squeeze %dma_start3A_268 : memref<1x16x2048xf32, #tpu.memory_space<hbm>> -> memref<16x2048xf32, #tpu.memory_space<hbm>>
      %dma_start3A_270 = arith.constant 0 : i32
      %dma_start3A_271 = tpu.memref_slice %arg2[%reduce_max3A_37, %add3A_266, %dma_start3A_270] : memref<16x1024x2048xf32, #tpu.memory_space<hbm>> -> memref<1x16x2048xf32, #tpu.memory_space<hbm>>
      %dma_start3A_272 = tpu.memref_squeeze %dma_start3A_271 : memref<1x16x2048xf32, #tpu.memory_space<hbm>> -> memref<16x2048xf32, #tpu.memory_space<hbm>>
      tpu.enqueue_dma source(%dma_start3A_272 : memref<16x2048xf32, #tpu.memory_space<hbm>>) target(%arg7 : memref<16x2048xf32, #tpu.memory_space<vmem>>) target_semaphore(%arg10 : memref<!tpu.dma_semaphore, #tpu.memory_space<semaphore_mem>>)
      %dma_wait3A_273 = arith.constant 0 : i32
      %dma_wait3A_274 = tpu.memref_slice %arg4[%select_n3A, %add3A_228, %dma_wait3A_273] : memref<8x1024x2048xf32, #tpu.memory_space<hbm>> -> memref<1x16x2048xf32, #tpu.memory_space<hbm>>
      %dma_wait3A_275 = tpu.memref_squeeze %dma_wait3A_274 : memref<1x16x2048xf32, #tpu.memory_space<hbm>> -> memref<16x2048xf32, #tpu.memory_space<hbm>>
      %dma_wait3A_276 = arith.constant 0 : i32
      %dma_wait3A_277 = tpu.memref_slice %arg4[%select_n3A, %add3A_228, %dma_wait3A_276] : memref<8x1024x2048xf32, #tpu.memory_space<hbm>> -> memref<1x16x2048xf32, #tpu.memory_space<hbm>>
      %dma_wait3A_278 = tpu.memref_squeeze %dma_wait3A_277 : memref<1x16x2048xf32, #tpu.memory_space<hbm>> -> memref<16x2048xf32, #tpu.memory_space<hbm>>
      tpu.wait_dma2 semaphore(%arg14 : memref<!tpu.dma_semaphore, #tpu.memory_space<semaphore_mem>>) src(%arg8 : memref<16x2048xf32, #tpu.memory_space<vmem>>) dst(%dma_wait3A_278 : memref<16x2048xf32, #tpu.memory_space<hbm>>)
      %add3A_279 = arith.constant 3 : i32
      %add3A_280 = arith.addi %mul3A_168, %add3A_279 : i32
      %add3A_281 = arith.constant 2 : i32
      %add3A_282 = arith.addi %add3A_280, %add3A_281 : i32
      %mul3A_283 = arith.constant 16 : i32
      %mul3A_284 = arith.muli %add3A_282, %mul3A_283 : i32
      %add3A_285 = arith.addi %mul3A_39, %mul3A_284 : i32
      %dma_start3A_286 = arith.constant 0 : i32
      %dma_start3A_287 = tpu.memref_slice %arg2[%reduce_max3A_37, %add3A_285, %dma_start3A_286] : memref<16x1024x2048xf32, #tpu.memory_space<hbm>> -> memref<1x16x2048xf32, #tpu.memory_space<hbm>>
      %dma_start3A_288 = tpu.memref_squeeze %dma_start3A_287 : memref<1x16x2048xf32, #tpu.memory_space<hbm>> -> memref<16x2048xf32, #tpu.memory_space<hbm>>
      %dma_start3A_289 = arith.constant 0 : i32
      %dma_start3A_290 = tpu.memref_slice %arg2[%reduce_max3A_37, %add3A_285, %dma_start3A_289] : memref<16x1024x2048xf32, #tpu.memory_space<hbm>> -> memref<1x16x2048xf32, #tpu.memory_space<hbm>>
      %dma_start3A_291 = tpu.memref_squeeze %dma_start3A_290 : memref<1x16x2048xf32, #tpu.memory_space<hbm>> -> memref<16x2048xf32, #tpu.memory_space<hbm>>
      tpu.enqueue_dma source(%dma_start3A_291 : memref<16x2048xf32, #tpu.memory_space<hbm>>) target(%arg8 : memref<16x2048xf32, #tpu.memory_space<vmem>>) target_semaphore(%arg11 : memref<!tpu.dma_semaphore, #tpu.memory_space<semaphore_mem>>)
    }
    %scan3A_66 = arith.constant 4 : i32
    %add3A_67 = arith.constant 192 : i32
    %add3A_68 = arith.addi %mul3A_39, %add3A_67 : i32
    %dma_wait3A = arith.constant 0 : i32
    %dma_wait3A_69 = tpu.memref_slice %arg2[%reduce_max3A_37, %add3A_68, %dma_wait3A] : memref<16x1024x2048xf32, #tpu.memory_space<hbm>> -> memref<1x16x2048xf32, #tpu.memory_space<hbm>>
    %dma_wait3A_70 = tpu.memref_squeeze %dma_wait3A_69 : memref<1x16x2048xf32, #tpu.memory_space<hbm>> -> memref<16x2048xf32, #tpu.memory_space<hbm>>
    %dma_wait3A_71 = arith.constant 0 : i32
    %dma_wait3A_72 = tpu.memref_slice %arg2[%reduce_max3A_37, %add3A_68, %dma_wait3A_71] : memref<16x1024x2048xf32, #tpu.memory_space<hbm>> -> memref<1x16x2048xf32, #tpu.memory_space<hbm>>
    %dma_wait3A_73 = tpu.memref_squeeze %dma_wait3A_72 : memref<1x16x2048xf32, #tpu.memory_space<hbm>> -> memref<16x2048xf32, #tpu.memory_space<hbm>>
    tpu.wait_dma2 semaphore(%arg9 : memref<!tpu.dma_semaphore, #tpu.memory_space<semaphore_mem>>) src(%dma_wait3A_73 : memref<16x2048xf32, #tpu.memory_space<hbm>>) dst(%arg6 : memref<16x2048xf32, #tpu.memory_space<vmem>>)
    %add3A_74 = arith.constant 192 : i32
    %add3A_75 = arith.addi %mul3A_39, %add3A_74 : i32
    %dma_start3A_76 = arith.constant 0 : i32
    %dma_start3A_77 = tpu.memref_slice %arg4[%select_n3A, %add3A_75, %dma_start3A_76] : memref<8x1024x2048xf32, #tpu.memory_space<hbm>> -> memref<1x16x2048xf32, #tpu.memory_space<hbm>>
    %dma_start3A_78 = tpu.memref_squeeze %dma_start3A_77 : memref<1x16x2048xf32, #tpu.memory_space<hbm>> -> memref<16x2048xf32, #tpu.memory_space<hbm>>
    %dma_start3A_79 = arith.constant 0 : i32
    %dma_start3A_80 = tpu.memref_slice %arg4[%select_n3A, %add3A_75, %dma_start3A_79] : memref<8x1024x2048xf32, #tpu.memory_space<hbm>> -> memref<1x16x2048xf32, #tpu.memory_space<hbm>>
    %dma_start3A_81 = tpu.memref_squeeze %dma_start3A_80 : memref<1x16x2048xf32, #tpu.memory_space<hbm>> -> memref<16x2048xf32, #tpu.memory_space<hbm>>
    tpu.enqueue_dma source(%arg6 : memref<16x2048xf32, #tpu.memory_space<vmem>>) target(%dma_start3A_81 : memref<16x2048xf32, #tpu.memory_space<hbm>>) target_semaphore(%arg12 : memref<!tpu.dma_semaphore, #tpu.memory_space<semaphore_mem>>)
    %add3A_82 = arith.constant 208 : i32
    %add3A_83 = arith.addi %mul3A_39, %add3A_82 : i32
    %dma_wait3A_84 = arith.constant 0 : i32
    %dma_wait3A_85 = tpu.memref_slice %arg2[%reduce_max3A_37, %add3A_83, %dma_wait3A_84] : memref<16x1024x2048xf32, #tpu.memory_space<hbm>> -> memref<1x16x2048xf32, #tpu.memory_space<hbm>>
    %dma_wait3A_86 = tpu.memref_squeeze %dma_wait3A_85 : memref<1x16x2048xf32, #tpu.memory_space<hbm>> -> memref<16x2048xf32, #tpu.memory_space<hbm>>
    %dma_wait3A_87 = arith.constant 0 : i32
    %dma_wait3A_88 = tpu.memref_slice %arg2[%reduce_max3A_37, %add3A_83, %dma_wait3A_87] : memref<16x1024x2048xf32, #tpu.memory_space<hbm>> -> memref<1x16x2048xf32, #tpu.memory_space<hbm>>
    %dma_wait3A_89 = tpu.memref_squeeze %dma_wait3A_88 : memref<1x16x2048xf32, #tpu.memory_space<hbm>> -> memref<16x2048xf32, #tpu.memory_space<hbm>>
    tpu.wait_dma2 semaphore(%arg10 : memref<!tpu.dma_semaphore, #tpu.memory_space<semaphore_mem>>) src(%dma_wait3A_89 : memref<16x2048xf32, #tpu.memory_space<hbm>>) dst(%arg7 : memref<16x2048xf32, #tpu.memory_space<vmem>>)
    %add3A_90 = arith.constant 208 : i32
    %add3A_91 = arith.addi %mul3A_39, %add3A_90 : i32
    %dma_start3A_92 = arith.constant 0 : i32
    %dma_start3A_93 = tpu.memref_slice %arg4[%select_n3A, %add3A_91, %dma_start3A_92] : memref<8x1024x2048xf32, #tpu.memory_space<hbm>> -> memref<1x16x2048xf32, #tpu.memory_space<hbm>>
    %dma_start3A_94 = tpu.memref_squeeze %dma_start3A_93 : memref<1x16x2048xf32, #tpu.memory_space<hbm>> -> memref<16x2048xf32, #tpu.memory_space<hbm>>
    %dma_start3A_95 = arith.constant 0 : i32
    %dma_start3A_96 = tpu.memref_slice %arg4[%select_n3A, %add3A_91, %dma_start3A_95] : memref<8x1024x2048xf32, #tpu.memory_space<hbm>> -> memref<1x16x2048xf32, #tpu.memory_space<hbm>>
    %dma_start3A_97 = tpu.memref_squeeze %dma_start3A_96 : memref<1x16x2048xf32, #tpu.memory_space<hbm>> -> memref<16x2048xf32, #tpu.memory_space<hbm>>
    tpu.enqueue_dma source(%arg7 : memref<16x2048xf32, #tpu.memory_space<vmem>>) target(%dma_start3A_97 : memref<16x2048xf32, #tpu.memory_space<hbm>>) target_semaphore(%arg13 : memref<!tpu.dma_semaphore, #tpu.memory_space<semaphore_mem>>)
    %add3A_98 = arith.constant 224 : i32
    %add3A_99 = arith.addi %mul3A_39, %add3A_98 : i32
    %dma_wait3A_100 = arith.constant 0 : i32
    %dma_wait3A_101 = tpu.memref_slice %arg2[%reduce_max3A_37, %add3A_99, %dma_wait3A_100] : memref<16x1024x2048xf32, #tpu.memory_space<hbm>> -> memref<1x16x2048xf32, #tpu.memory_space<hbm>>
    %dma_wait3A_102 = tpu.memref_squeeze %dma_wait3A_101 : memref<1x16x2048xf32, #tpu.memory_space<hbm>> -> memref<16x2048xf32, #tpu.memory_space<hbm>>
    %dma_wait3A_103 = arith.constant 0 : i32
    %dma_wait3A_104 = tpu.memref_slice %arg2[%reduce_max3A_37, %add3A_99, %dma_wait3A_103] : memref<16x1024x2048xf32, #tpu.memory_space<hbm>> -> memref<1x16x2048xf32, #tpu.memory_space<hbm>>
    %dma_wait3A_105 = tpu.memref_squeeze %dma_wait3A_104 : memref<1x16x2048xf32, #tpu.memory_space<hbm>> -> memref<16x2048xf32, #tpu.memory_space<hbm>>
    tpu.wait_dma2 semaphore(%arg11 : memref<!tpu.dma_semaphore, #tpu.memory_space<semaphore_mem>>) src(%dma_wait3A_105 : memref<16x2048xf32, #tpu.memory_space<hbm>>) dst(%arg8 : memref<16x2048xf32, #tpu.memory_space<vmem>>)
    %add3A_106 = arith.constant 224 : i32
    %add3A_107 = arith.addi %mul3A_39, %add3A_106 : i32
    %dma_start3A_108 = arith.constant 0 : i32
    %dma_start3A_109 = tpu.memref_slice %arg4[%select_n3A, %add3A_107, %dma_start3A_108] : memref<8x1024x2048xf32, #tpu.memory_space<hbm>> -> memref<1x16x2048xf32, #tpu.memory_space<hbm>>
    %dma_start3A_110 = tpu.memref_squeeze %dma_start3A_109 : memref<1x16x2048xf32, #tpu.memory_space<hbm>> -> memref<16x2048xf32, #tpu.memory_space<hbm>>
    %dma_start3A_111 = arith.constant 0 : i32
    %dma_start3A_112 = tpu.memref_slice %arg4[%select_n3A, %add3A_107, %dma_start3A_111] : memref<8x1024x2048xf32, #tpu.memory_space<hbm>> -> memref<1x16x2048xf32, #tpu.memory_space<hbm>>
    %dma_start3A_113 = tpu.memref_squeeze %dma_start3A_112 : memref<1x16x2048xf32, #tpu.memory_space<hbm>> -> memref<16x2048xf32, #tpu.memory_space<hbm>>
    tpu.enqueue_dma source(%arg8 : memref<16x2048xf32, #tpu.memory_space<vmem>>) target(%dma_start3A_113 : memref<16x2048xf32, #tpu.memory_space<hbm>>) target_semaphore(%arg14 : memref<!tpu.dma_semaphore, #tpu.memory_space<semaphore_mem>>)
    %dma_wait3A_114 = arith.constant 0 : i32
    %dma_wait3A_115 = tpu.memref_slice %arg4[%select_n3A, %add3A_75, %dma_wait3A_114] : memref<8x1024x2048xf32, #tpu.memory_space<hbm>> -> memref<1x16x2048xf32, #tpu.memory_space<hbm>>
    %dma_wait3A_116 = tpu.memref_squeeze %dma_wait3A_115 : memref<1x16x2048xf32, #tpu.memory_space<hbm>> -> memref<16x2048xf32, #tpu.memory_space<hbm>>
    %dma_wait3A_117 = arith.constant 0 : i32
    %dma_wait3A_118 = tpu.memref_slice %arg4[%select_n3A, %add3A_75, %dma_wait3A_117] : memref<8x1024x2048xf32, #tpu.memory_space<hbm>> -> memref<1x16x2048xf32, #tpu.memory_space<hbm>>
    %dma_wait3A_119 = tpu.memref_squeeze %dma_wait3A_118 : memref<1x16x2048xf32, #tpu.memory_space<hbm>> -> memref<16x2048xf32, #tpu.memory_space<hbm>>
    tpu.wait_dma2 semaphore(%arg12 : memref<!tpu.dma_semaphore, #tpu.memory_space<semaphore_mem>>) src(%arg6 : memref<16x2048xf32, #tpu.memory_space<vmem>>) dst(%dma_wait3A_119 : memref<16x2048xf32, #tpu.memory_space<hbm>>)
    %add3A_120 = arith.constant 240 : i32
    %add3A_121 = arith.addi %mul3A_39, %add3A_120 : i32
    %dma_start3A_122 = arith.constant 0 : i32
    %dma_start3A_123 = tpu.memref_slice %arg2[%reduce_max3A_37, %add3A_121, %dma_start3A_122] : memref<16x1024x2048xf32, #tpu.memory_space<hbm>> -> memref<1x16x2048xf32, #tpu.memory_space<hbm>>
    %dma_start3A_124 = tpu.memref_squeeze %dma_start3A_123 : memref<1x16x2048xf32, #tpu.memory_space<hbm>> -> memref<16x2048xf32, #tpu.memory_space<hbm>>
    %dma_start3A_125 = arith.constant 0 : i32
    %dma_start3A_126 = tpu.memref_slice %arg2[%reduce_max3A_37, %add3A_121, %dma_start3A_125] : memref<16x1024x2048xf32, #tpu.memory_space<hbm>> -> memref<1x16x2048xf32, #tpu.memory_space<hbm>>
    %dma_start3A_127 = tpu.memref_squeeze %dma_start3A_126 : memref<1x16x2048xf32, #tpu.memory_space<hbm>> -> memref<16x2048xf32, #tpu.memory_space<hbm>>
    tpu.enqueue_dma source(%dma_start3A_127 : memref<16x2048xf32, #tpu.memory_space<hbm>>) target(%arg6 : memref<16x2048xf32, #tpu.memory_space<vmem>>) target_semaphore(%arg9 : memref<!tpu.dma_semaphore, #tpu.memory_space<semaphore_mem>>)
    %dma_wait3A_128 = arith.constant 0 : i32
    %dma_wait3A_129 = tpu.memref_slice %arg4[%select_n3A, %add3A_91, %dma_wait3A_128] : memref<8x1024x2048xf32, #tpu.memory_space<hbm>> -> memref<1x16x2048xf32, #tpu.memory_space<hbm>>
    %dma_wait3A_130 = tpu.memref_squeeze %dma_wait3A_129 : memref<1x16x2048xf32, #tpu.memory_space<hbm>> -> memref<16x2048xf32, #tpu.memory_space<hbm>>
    %dma_wait3A_131 = arith.constant 0 : i32
    %dma_wait3A_132 = tpu.memref_slice %arg4[%select_n3A, %add3A_91, %dma_wait3A_131] : memref<8x1024x2048xf32, #tpu.memory_space<hbm>> -> memref<1x16x2048xf32, #tpu.memory_space<hbm>>
    %dma_wait3A_133 = tpu.memref_squeeze %dma_wait3A_132 : memref<1x16x2048xf32, #tpu.memory_space<hbm>> -> memref<16x2048xf32, #tpu.memory_space<hbm>>
    tpu.wait_dma2 semaphore(%arg13 : memref<!tpu.dma_semaphore, #tpu.memory_space<semaphore_mem>>) src(%arg7 : memref<16x2048xf32, #tpu.memory_space<vmem>>) dst(%dma_wait3A_133 : memref<16x2048xf32, #tpu.memory_space<hbm>>)
    %dma_wait3A_134 = arith.constant 0 : i32
    %dma_wait3A_135 = tpu.memref_slice %arg4[%select_n3A, %add3A_107, %dma_wait3A_134] : memref<8x1024x2048xf32, #tpu.memory_space<hbm>> -> memref<1x16x2048xf32, #tpu.memory_space<hbm>>
    %dma_wait3A_136 = tpu.memref_squeeze %dma_wait3A_135 : memref<1x16x2048xf32, #tpu.memory_space<hbm>> -> memref<16x2048xf32, #tpu.memory_space<hbm>>
    %dma_wait3A_137 = arith.constant 0 : i32
    %dma_wait3A_138 = tpu.memref_slice %arg4[%select_n3A, %add3A_107, %dma_wait3A_137] : memref<8x1024x2048xf32, #tpu.memory_space<hbm>> -> memref<1x16x2048xf32, #tpu.memory_space<hbm>>
    %dma_wait3A_139 = tpu.memref_squeeze %dma_wait3A_138 : memref<1x16x2048xf32, #tpu.memory_space<hbm>> -> memref<16x2048xf32, #tpu.memory_space<hbm>>
    tpu.wait_dma2 semaphore(%arg14 : memref<!tpu.dma_semaphore, #tpu.memory_space<semaphore_mem>>) src(%arg8 : memref<16x2048xf32, #tpu.memory_space<vmem>>) dst(%dma_wait3A_139 : memref<16x2048xf32, #tpu.memory_space<hbm>>)
    %add3A_140 = arith.constant 240 : i32
    %add3A_141 = arith.addi %mul3A_39, %add3A_140 : i32
    %dma_wait3A_142 = arith.constant 0 : i32
    %dma_wait3A_143 = tpu.memref_slice %arg2[%reduce_max3A_37, %add3A_141, %dma_wait3A_142] : memref<16x1024x2048xf32, #tpu.memory_space<hbm>> -> memref<1x16x2048xf32, #tpu.memory_space<hbm>>
    %dma_wait3A_144 = tpu.memref_squeeze %dma_wait3A_143 : memref<1x16x2048xf32, #tpu.memory_space<hbm>> -> memref<16x2048xf32, #tpu.memory_space<hbm>>
    %dma_wait3A_145 = arith.constant 0 : i32
    %dma_wait3A_146 = tpu.memref_slice %arg2[%reduce_max3A_37, %add3A_141, %dma_wait3A_145] : memref<16x1024x2048xf32, #tpu.memory_space<hbm>> -> memref<1x16x2048xf32, #tpu.memory_space<hbm>>
    %dma_wait3A_147 = tpu.memref_squeeze %dma_wait3A_146 : memref<1x16x2048xf32, #tpu.memory_space<hbm>> -> memref<16x2048xf32, #tpu.memory_space<hbm>>
    tpu.wait_dma2 semaphore(%arg9 : memref<!tpu.dma_semaphore, #tpu.memory_space<semaphore_mem>>) src(%dma_wait3A_147 : memref<16x2048xf32, #tpu.memory_space<hbm>>) dst(%arg6 : memref<16x2048xf32, #tpu.memory_space<vmem>>)
    %add3A_148 = arith.constant 240 : i32
    %add3A_149 = arith.addi %mul3A_39, %add3A_148 : i32
    %dma_start3A_150 = arith.constant 0 : i32
    %dma_start3A_151 = tpu.memref_slice %arg4[%select_n3A, %add3A_149, %dma_start3A_150] : memref<8x1024x2048xf32, #tpu.memory_space<hbm>> -> memref<1x16x2048xf32, #tpu.memory_space<hbm>>
    %dma_start3A_152 = tpu.memref_squeeze %dma_start3A_151 : memref<1x16x2048xf32, #tpu.memory_space<hbm>> -> memref<16x2048xf32, #tpu.memory_space<hbm>>
    %dma_start3A_153 = arith.constant 0 : i32
    %dma_start3A_154 = tpu.memref_slice %arg4[%select_n3A, %add3A_149, %dma_start3A_153] : memref<8x1024x2048xf32, #tpu.memory_space<hbm>> -> memref<1x16x2048xf32, #tpu.memory_space<hbm>>
    %dma_start3A_155 = tpu.memref_squeeze %dma_start3A_154 : memref<1x16x2048xf32, #tpu.memory_space<hbm>> -> memref<16x2048xf32, #tpu.memory_space<hbm>>
    tpu.enqueue_dma source(%arg6 : memref<16x2048xf32, #tpu.memory_space<vmem>>) target(%dma_start3A_155 : memref<16x2048xf32, #tpu.memory_space<hbm>>) target_semaphore(%arg12 : memref<!tpu.dma_semaphore, #tpu.memory_space<semaphore_mem>>)
    %dma_wait3A_156 = arith.constant 0 : i32
    %dma_wait3A_157 = tpu.memref_slice %arg4[%select_n3A, %add3A_149, %dma_wait3A_156] : memref<8x1024x2048xf32, #tpu.memory_space<hbm>> -> memref<1x16x2048xf32, #tpu.memory_space<hbm>>
    %dma_wait3A_158 = tpu.memref_squeeze %dma_wait3A_157 : memref<1x16x2048xf32, #tpu.memory_space<hbm>> -> memref<16x2048xf32, #tpu.memory_space<hbm>>
    %dma_wait3A_159 = arith.constant 0 : i32
    %dma_wait3A_160 = tpu.memref_slice %arg4[%select_n3A, %add3A_149, %dma_wait3A_159] : memref<8x1024x2048xf32, #tpu.memory_space<hbm>> -> memref<1x16x2048xf32, #tpu.memory_space<hbm>>
    %dma_wait3A_161 = tpu.memref_squeeze %dma_wait3A_160 : memref<1x16x2048xf32, #tpu.memory_space<hbm>> -> memref<16x2048xf32, #tpu.memory_space<hbm>>
    tpu.wait_dma2 semaphore(%arg12 : memref<!tpu.dma_semaphore, #tpu.memory_space<semaphore_mem>>) src(%arg6 : memref<16x2048xf32, #tpu.memory_space<vmem>>) dst(%dma_wait3A_161 : memref<16x2048xf32, #tpu.memory_space<hbm>>)
    return
  }
}

module attributes {stable_mosaic.version = 14 : i64} {
  func.func @body(%arg0: memref<8xi32, #tpu.memory_space<smem>>, %arg1: memref<16x4096x1024xf32, #tpu.memory_space<hbm>>, %arg2: memref<8x4096x1024xf32, #tpu.memory_space<hbm>>, %arg3: memref<8x1024x1024xf32, #tpu.memory_space<vmem>>, %arg4: memref<8x!tpu.dma_semaphore, #tpu.memory_space<semaphore_mem>>, %arg5: memref<8x!tpu.dma_semaphore, #tpu.memory_space<semaphore_mem>>) attributes {dimension_semantics = [], scalar_prefetch = 0 : i64, scratch_operands = 3 : i64, tpu.core_type = #tpu.core_type<tc>} {
    %get3A = arith.constant 0 : index
    %get3A_0 = memref.load %arg0[%get3A] : memref<8xi32, #tpu.memory_space<smem>>
    %dma_start3A = arith.constant 0 : i32
    %dma_start3A_1 = arith.constant 0 : i32
    %dma_start3A_2 = tpu.memref_slice %arg4[%dma_start3A_1] : memref<8x!tpu.dma_semaphore, #tpu.memory_space<semaphore_mem>> -> memref<1x!tpu.dma_semaphore, #tpu.memory_space<semaphore_mem>>
    %dma_start3A_3 = tpu.memref_squeeze %dma_start3A_2 : memref<1x!tpu.dma_semaphore, #tpu.memory_space<semaphore_mem>> -> memref<!tpu.dma_semaphore, #tpu.memory_space<semaphore_mem>>
    %dma_start3A_4 = arith.constant 0 : i32
    %dma_start3A_5 = arith.constant 0 : i32
    %dma_start3A_6 = tpu.memref_slice %arg3[%dma_start3A, %dma_start3A_4, %dma_start3A_5] : memref<8x1024x1024xf32, #tpu.memory_space<vmem>> -> memref<1x1024x1024xf32, #tpu.memory_space<vmem>>
    %dma_start3A_7 = tpu.memref_squeeze %dma_start3A_6 : memref<1x1024x1024xf32, #tpu.memory_space<vmem>> -> memref<1024x1024xf32, #tpu.memory_space<vmem>>
    %dma_start3A_8 = arith.constant 0 : i32
    %dma_start3A_9 = arith.constant 0 : i32
    %dma_start3A_10 = tpu.memref_slice %arg1[%get3A_0, %dma_start3A_8, %dma_start3A_9] : memref<16x4096x1024xf32, #tpu.memory_space<hbm>> -> memref<1x1024x1024xf32, #tpu.memory_space<hbm>>
    %dma_start3A_11 = tpu.memref_squeeze %dma_start3A_10 : memref<1x1024x1024xf32, #tpu.memory_space<hbm>> -> memref<1024x1024xf32, #tpu.memory_space<hbm>>
    tpu.enqueue_dma source(%dma_start3A_11 : memref<1024x1024xf32, #tpu.memory_space<hbm>>) target(%dma_start3A_7 : memref<1024x1024xf32, #tpu.memory_space<vmem>>) target_semaphore(%dma_start3A_3 : memref<!tpu.dma_semaphore, #tpu.memory_space<semaphore_mem>>)
    %get3A_12 = arith.constant 0 : index
    %get3A_13 = memref.load %arg0[%get3A_12] : memref<8xi32, #tpu.memory_space<smem>>
    %dma_start3A_14 = arith.constant 1 : i32
    %dma_start3A_15 = arith.constant 1 : i32
    %dma_start3A_16 = tpu.memref_slice %arg4[%dma_start3A_15] : memref<8x!tpu.dma_semaphore, #tpu.memory_space<semaphore_mem>> -> memref<1x!tpu.dma_semaphore, #tpu.memory_space<semaphore_mem>>
    %dma_start3A_17 = tpu.memref_squeeze %dma_start3A_16 : memref<1x!tpu.dma_semaphore, #tpu.memory_space<semaphore_mem>> -> memref<!tpu.dma_semaphore, #tpu.memory_space<semaphore_mem>>
    %dma_start3A_18 = arith.constant 0 : i32
    %dma_start3A_19 = arith.constant 0 : i32
    %dma_start3A_20 = tpu.memref_slice %arg3[%dma_start3A_14, %dma_start3A_18, %dma_start3A_19] : memref<8x1024x1024xf32, #tpu.memory_space<vmem>> -> memref<1x1024x1024xf32, #tpu.memory_space<vmem>>
    %dma_start3A_21 = tpu.memref_squeeze %dma_start3A_20 : memref<1x1024x1024xf32, #tpu.memory_space<vmem>> -> memref<1024x1024xf32, #tpu.memory_space<vmem>>
    %dma_start3A_22 = arith.constant 1024 : i32
    %dma_start3A_23 = arith.constant 0 : i32
    %dma_start3A_24 = tpu.memref_slice %arg1[%get3A_13, %dma_start3A_22, %dma_start3A_23] : memref<16x4096x1024xf32, #tpu.memory_space<hbm>> -> memref<1x1024x1024xf32, #tpu.memory_space<hbm>>
    %dma_start3A_25 = tpu.memref_squeeze %dma_start3A_24 : memref<1x1024x1024xf32, #tpu.memory_space<hbm>> -> memref<1024x1024xf32, #tpu.memory_space<hbm>>
    tpu.enqueue_dma source(%dma_start3A_25 : memref<1024x1024xf32, #tpu.memory_space<hbm>>) target(%dma_start3A_21 : memref<1024x1024xf32, #tpu.memory_space<vmem>>) target_semaphore(%dma_start3A_17 : memref<!tpu.dma_semaphore, #tpu.memory_space<semaphore_mem>>)
    %get3A_26 = arith.constant 0 : index
    %get3A_27 = memref.load %arg0[%get3A_26] : memref<8xi32, #tpu.memory_space<smem>>
    %dma_start3A_28 = arith.constant 2 : i32
    %dma_start3A_29 = arith.constant 2 : i32
    %dma_start3A_30 = tpu.memref_slice %arg4[%dma_start3A_29] : memref<8x!tpu.dma_semaphore, #tpu.memory_space<semaphore_mem>> -> memref<1x!tpu.dma_semaphore, #tpu.memory_space<semaphore_mem>>
    %dma_start3A_31 = tpu.memref_squeeze %dma_start3A_30 : memref<1x!tpu.dma_semaphore, #tpu.memory_space<semaphore_mem>> -> memref<!tpu.dma_semaphore, #tpu.memory_space<semaphore_mem>>
    %dma_start3A_32 = arith.constant 0 : i32
    %dma_start3A_33 = arith.constant 0 : i32
    %dma_start3A_34 = tpu.memref_slice %arg3[%dma_start3A_28, %dma_start3A_32, %dma_start3A_33] : memref<8x1024x1024xf32, #tpu.memory_space<vmem>> -> memref<1x1024x1024xf32, #tpu.memory_space<vmem>>
    %dma_start3A_35 = tpu.memref_squeeze %dma_start3A_34 : memref<1x1024x1024xf32, #tpu.memory_space<vmem>> -> memref<1024x1024xf32, #tpu.memory_space<vmem>>
    %dma_start3A_36 = arith.constant 2048 : i32
    %dma_start3A_37 = arith.constant 0 : i32
    %dma_start3A_38 = tpu.memref_slice %arg1[%get3A_27, %dma_start3A_36, %dma_start3A_37] : memref<16x4096x1024xf32, #tpu.memory_space<hbm>> -> memref<1x1024x1024xf32, #tpu.memory_space<hbm>>
    %dma_start3A_39 = tpu.memref_squeeze %dma_start3A_38 : memref<1x1024x1024xf32, #tpu.memory_space<hbm>> -> memref<1024x1024xf32, #tpu.memory_space<hbm>>
    tpu.enqueue_dma source(%dma_start3A_39 : memref<1024x1024xf32, #tpu.memory_space<hbm>>) target(%dma_start3A_35 : memref<1024x1024xf32, #tpu.memory_space<vmem>>) target_semaphore(%dma_start3A_31 : memref<!tpu.dma_semaphore, #tpu.memory_space<semaphore_mem>>)
    %get3A_40 = arith.constant 0 : index
    %get3A_41 = memref.load %arg0[%get3A_40] : memref<8xi32, #tpu.memory_space<smem>>
    %dma_start3A_42 = arith.constant 3 : i32
    %dma_start3A_43 = arith.constant 3 : i32
    %dma_start3A_44 = tpu.memref_slice %arg4[%dma_start3A_43] : memref<8x!tpu.dma_semaphore, #tpu.memory_space<semaphore_mem>> -> memref<1x!tpu.dma_semaphore, #tpu.memory_space<semaphore_mem>>
    %dma_start3A_45 = tpu.memref_squeeze %dma_start3A_44 : memref<1x!tpu.dma_semaphore, #tpu.memory_space<semaphore_mem>> -> memref<!tpu.dma_semaphore, #tpu.memory_space<semaphore_mem>>
    %dma_start3A_46 = arith.constant 0 : i32
    %dma_start3A_47 = arith.constant 0 : i32
    %dma_start3A_48 = tpu.memref_slice %arg3[%dma_start3A_42, %dma_start3A_46, %dma_start3A_47] : memref<8x1024x1024xf32, #tpu.memory_space<vmem>> -> memref<1x1024x1024xf32, #tpu.memory_space<vmem>>
    %dma_start3A_49 = tpu.memref_squeeze %dma_start3A_48 : memref<1x1024x1024xf32, #tpu.memory_space<vmem>> -> memref<1024x1024xf32, #tpu.memory_space<vmem>>
    %dma_start3A_50 = arith.constant 3072 : i32
    %dma_start3A_51 = arith.constant 0 : i32
    %dma_start3A_52 = tpu.memref_slice %arg1[%get3A_41, %dma_start3A_50, %dma_start3A_51] : memref<16x4096x1024xf32, #tpu.memory_space<hbm>> -> memref<1x1024x1024xf32, #tpu.memory_space<hbm>>
    %dma_start3A_53 = tpu.memref_squeeze %dma_start3A_52 : memref<1x1024x1024xf32, #tpu.memory_space<hbm>> -> memref<1024x1024xf32, #tpu.memory_space<hbm>>
    tpu.enqueue_dma source(%dma_start3A_53 : memref<1024x1024xf32, #tpu.memory_space<hbm>>) target(%dma_start3A_49 : memref<1024x1024xf32, #tpu.memory_space<vmem>>) target_semaphore(%dma_start3A_45 : memref<!tpu.dma_semaphore, #tpu.memory_space<semaphore_mem>>)
    %get3A_54 = arith.constant 1 : index
    %get3A_55 = memref.load %arg0[%get3A_54] : memref<8xi32, #tpu.memory_space<smem>>
    %dma_start3A_56 = arith.constant 4 : i32
    %dma_start3A_57 = arith.constant 4 : i32
    %dma_start3A_58 = tpu.memref_slice %arg4[%dma_start3A_57] : memref<8x!tpu.dma_semaphore, #tpu.memory_space<semaphore_mem>> -> memref<1x!tpu.dma_semaphore, #tpu.memory_space<semaphore_mem>>
    %dma_start3A_59 = tpu.memref_squeeze %dma_start3A_58 : memref<1x!tpu.dma_semaphore, #tpu.memory_space<semaphore_mem>> -> memref<!tpu.dma_semaphore, #tpu.memory_space<semaphore_mem>>
    %dma_start3A_60 = arith.constant 0 : i32
    %dma_start3A_61 = arith.constant 0 : i32
    %dma_start3A_62 = tpu.memref_slice %arg3[%dma_start3A_56, %dma_start3A_60, %dma_start3A_61] : memref<8x1024x1024xf32, #tpu.memory_space<vmem>> -> memref<1x1024x1024xf32, #tpu.memory_space<vmem>>
    %dma_start3A_63 = tpu.memref_squeeze %dma_start3A_62 : memref<1x1024x1024xf32, #tpu.memory_space<vmem>> -> memref<1024x1024xf32, #tpu.memory_space<vmem>>
    %dma_start3A_64 = arith.constant 0 : i32
    %dma_start3A_65 = arith.constant 0 : i32
    %dma_start3A_66 = tpu.memref_slice %arg1[%get3A_55, %dma_start3A_64, %dma_start3A_65] : memref<16x4096x1024xf32, #tpu.memory_space<hbm>> -> memref<1x1024x1024xf32, #tpu.memory_space<hbm>>
    %dma_start3A_67 = tpu.memref_squeeze %dma_start3A_66 : memref<1x1024x1024xf32, #tpu.memory_space<hbm>> -> memref<1024x1024xf32, #tpu.memory_space<hbm>>
    tpu.enqueue_dma source(%dma_start3A_67 : memref<1024x1024xf32, #tpu.memory_space<hbm>>) target(%dma_start3A_63 : memref<1024x1024xf32, #tpu.memory_space<vmem>>) target_semaphore(%dma_start3A_59 : memref<!tpu.dma_semaphore, #tpu.memory_space<semaphore_mem>>)
    %get3A_68 = arith.constant 1 : index
    %get3A_69 = memref.load %arg0[%get3A_68] : memref<8xi32, #tpu.memory_space<smem>>
    %dma_start3A_70 = arith.constant 5 : i32
    %dma_start3A_71 = arith.constant 5 : i32
    %dma_start3A_72 = tpu.memref_slice %arg4[%dma_start3A_71] : memref<8x!tpu.dma_semaphore, #tpu.memory_space<semaphore_mem>> -> memref<1x!tpu.dma_semaphore, #tpu.memory_space<semaphore_mem>>
    %dma_start3A_73 = tpu.memref_squeeze %dma_start3A_72 : memref<1x!tpu.dma_semaphore, #tpu.memory_space<semaphore_mem>> -> memref<!tpu.dma_semaphore, #tpu.memory_space<semaphore_mem>>
    %dma_start3A_74 = arith.constant 0 : i32
    %dma_start3A_75 = arith.constant 0 : i32
    %dma_start3A_76 = tpu.memref_slice %arg3[%dma_start3A_70, %dma_start3A_74, %dma_start3A_75] : memref<8x1024x1024xf32, #tpu.memory_space<vmem>> -> memref<1x1024x1024xf32, #tpu.memory_space<vmem>>
    %dma_start3A_77 = tpu.memref_squeeze %dma_start3A_76 : memref<1x1024x1024xf32, #tpu.memory_space<vmem>> -> memref<1024x1024xf32, #tpu.memory_space<vmem>>
    %dma_start3A_78 = arith.constant 1024 : i32
    %dma_start3A_79 = arith.constant 0 : i32
    %dma_start3A_80 = tpu.memref_slice %arg1[%get3A_69, %dma_start3A_78, %dma_start3A_79] : memref<16x4096x1024xf32, #tpu.memory_space<hbm>> -> memref<1x1024x1024xf32, #tpu.memory_space<hbm>>
    %dma_start3A_81 = tpu.memref_squeeze %dma_start3A_80 : memref<1x1024x1024xf32, #tpu.memory_space<hbm>> -> memref<1024x1024xf32, #tpu.memory_space<hbm>>
    tpu.enqueue_dma source(%dma_start3A_81 : memref<1024x1024xf32, #tpu.memory_space<hbm>>) target(%dma_start3A_77 : memref<1024x1024xf32, #tpu.memory_space<vmem>>) target_semaphore(%dma_start3A_73 : memref<!tpu.dma_semaphore, #tpu.memory_space<semaphore_mem>>)
    %get3A_82 = arith.constant 1 : index
    %get3A_83 = memref.load %arg0[%get3A_82] : memref<8xi32, #tpu.memory_space<smem>>
    %dma_start3A_84 = arith.constant 6 : i32
    %dma_start3A_85 = arith.constant 6 : i32
    %dma_start3A_86 = tpu.memref_slice %arg4[%dma_start3A_85] : memref<8x!tpu.dma_semaphore, #tpu.memory_space<semaphore_mem>> -> memref<1x!tpu.dma_semaphore, #tpu.memory_space<semaphore_mem>>
    %dma_start3A_87 = tpu.memref_squeeze %dma_start3A_86 : memref<1x!tpu.dma_semaphore, #tpu.memory_space<semaphore_mem>> -> memref<!tpu.dma_semaphore, #tpu.memory_space<semaphore_mem>>
    %dma_start3A_88 = arith.constant 0 : i32
    %dma_start3A_89 = arith.constant 0 : i32
    %dma_start3A_90 = tpu.memref_slice %arg3[%dma_start3A_84, %dma_start3A_88, %dma_start3A_89] : memref<8x1024x1024xf32, #tpu.memory_space<vmem>> -> memref<1x1024x1024xf32, #tpu.memory_space<vmem>>
    %dma_start3A_91 = tpu.memref_squeeze %dma_start3A_90 : memref<1x1024x1024xf32, #tpu.memory_space<vmem>> -> memref<1024x1024xf32, #tpu.memory_space<vmem>>
    %dma_start3A_92 = arith.constant 2048 : i32
    %dma_start3A_93 = arith.constant 0 : i32
    %dma_start3A_94 = tpu.memref_slice %arg1[%get3A_83, %dma_start3A_92, %dma_start3A_93] : memref<16x4096x1024xf32, #tpu.memory_space<hbm>> -> memref<1x1024x1024xf32, #tpu.memory_space<hbm>>
    %dma_start3A_95 = tpu.memref_squeeze %dma_start3A_94 : memref<1x1024x1024xf32, #tpu.memory_space<hbm>> -> memref<1024x1024xf32, #tpu.memory_space<hbm>>
    tpu.enqueue_dma source(%dma_start3A_95 : memref<1024x1024xf32, #tpu.memory_space<hbm>>) target(%dma_start3A_91 : memref<1024x1024xf32, #tpu.memory_space<vmem>>) target_semaphore(%dma_start3A_87 : memref<!tpu.dma_semaphore, #tpu.memory_space<semaphore_mem>>)
    %get3A_96 = arith.constant 1 : index
    %get3A_97 = memref.load %arg0[%get3A_96] : memref<8xi32, #tpu.memory_space<smem>>
    %dma_start3A_98 = arith.constant 7 : i32
    %dma_start3A_99 = arith.constant 7 : i32
    %dma_start3A_100 = tpu.memref_slice %arg4[%dma_start3A_99] : memref<8x!tpu.dma_semaphore, #tpu.memory_space<semaphore_mem>> -> memref<1x!tpu.dma_semaphore, #tpu.memory_space<semaphore_mem>>
    %dma_start3A_101 = tpu.memref_squeeze %dma_start3A_100 : memref<1x!tpu.dma_semaphore, #tpu.memory_space<semaphore_mem>> -> memref<!tpu.dma_semaphore, #tpu.memory_space<semaphore_mem>>
    %dma_start3A_102 = arith.constant 0 : i32
    %dma_start3A_103 = arith.constant 0 : i32
    %dma_start3A_104 = tpu.memref_slice %arg3[%dma_start3A_98, %dma_start3A_102, %dma_start3A_103] : memref<8x1024x1024xf32, #tpu.memory_space<vmem>> -> memref<1x1024x1024xf32, #tpu.memory_space<vmem>>
    %dma_start3A_105 = tpu.memref_squeeze %dma_start3A_104 : memref<1x1024x1024xf32, #tpu.memory_space<vmem>> -> memref<1024x1024xf32, #tpu.memory_space<vmem>>
    %dma_start3A_106 = arith.constant 3072 : i32
    %dma_start3A_107 = arith.constant 0 : i32
    %dma_start3A_108 = tpu.memref_slice %arg1[%get3A_97, %dma_start3A_106, %dma_start3A_107] : memref<16x4096x1024xf32, #tpu.memory_space<hbm>> -> memref<1x1024x1024xf32, #tpu.memory_space<hbm>>
    %dma_start3A_109 = tpu.memref_squeeze %dma_start3A_108 : memref<1x1024x1024xf32, #tpu.memory_space<hbm>> -> memref<1024x1024xf32, #tpu.memory_space<hbm>>
    tpu.enqueue_dma source(%dma_start3A_109 : memref<1024x1024xf32, #tpu.memory_space<hbm>>) target(%dma_start3A_105 : memref<1024x1024xf32, #tpu.memory_space<vmem>>) target_semaphore(%dma_start3A_101 : memref<!tpu.dma_semaphore, #tpu.memory_space<semaphore_mem>>)
    %get3A_110 = arith.constant 0 : index
    %get3A_111 = memref.load %arg0[%get3A_110] : memref<8xi32, #tpu.memory_space<smem>>
    %dma_wait3A = arith.constant 0 : i32
    %dma_wait3A_112 = arith.constant 0 : i32
    %dma_wait3A_113 = tpu.memref_slice %arg4[%dma_wait3A_112] : memref<8x!tpu.dma_semaphore, #tpu.memory_space<semaphore_mem>> -> memref<1x!tpu.dma_semaphore, #tpu.memory_space<semaphore_mem>>
    %dma_wait3A_114 = tpu.memref_squeeze %dma_wait3A_113 : memref<1x!tpu.dma_semaphore, #tpu.memory_space<semaphore_mem>> -> memref<!tpu.dma_semaphore, #tpu.memory_space<semaphore_mem>>
    %dma_wait3A_115 = arith.constant 0 : i32
    %dma_wait3A_116 = arith.constant 0 : i32
    %dma_wait3A_117 = tpu.memref_slice %arg3[%dma_wait3A, %dma_wait3A_115, %dma_wait3A_116] : memref<8x1024x1024xf32, #tpu.memory_space<vmem>> -> memref<1x1024x1024xf32, #tpu.memory_space<vmem>>
    %dma_wait3A_118 = tpu.memref_squeeze %dma_wait3A_117 : memref<1x1024x1024xf32, #tpu.memory_space<vmem>> -> memref<1024x1024xf32, #tpu.memory_space<vmem>>
    %dma_wait3A_119 = arith.constant 0 : i32
    %dma_wait3A_120 = arith.constant 0 : i32
    %dma_wait3A_121 = tpu.memref_slice %arg1[%get3A_111, %dma_wait3A_119, %dma_wait3A_120] : memref<16x4096x1024xf32, #tpu.memory_space<hbm>> -> memref<1x1024x1024xf32, #tpu.memory_space<hbm>>
    %dma_wait3A_122 = tpu.memref_squeeze %dma_wait3A_121 : memref<1x1024x1024xf32, #tpu.memory_space<hbm>> -> memref<1024x1024xf32, #tpu.memory_space<hbm>>
    tpu.wait_dma2 semaphore(%dma_wait3A_114 : memref<!tpu.dma_semaphore, #tpu.memory_space<semaphore_mem>>) src(%dma_wait3A_122 : memref<1024x1024xf32, #tpu.memory_space<hbm>>) dst(%dma_wait3A_118 : memref<1024x1024xf32, #tpu.memory_space<vmem>>)
    %dma_start3A_123 = arith.constant 0 : i32
    %dma_start3A_124 = arith.constant 0 : i32
    %dma_start3A_125 = arith.constant 0 : i32
    %dma_start3A_126 = tpu.memref_slice %arg5[%dma_start3A_125] : memref<8x!tpu.dma_semaphore, #tpu.memory_space<semaphore_mem>> -> memref<1x!tpu.dma_semaphore, #tpu.memory_space<semaphore_mem>>
    %dma_start3A_127 = tpu.memref_squeeze %dma_start3A_126 : memref<1x!tpu.dma_semaphore, #tpu.memory_space<semaphore_mem>> -> memref<!tpu.dma_semaphore, #tpu.memory_space<semaphore_mem>>
    %dma_start3A_128 = arith.constant 0 : i32
    %dma_start3A_129 = arith.constant 0 : i32
    %dma_start3A_130 = tpu.memref_slice %arg2[%dma_start3A_124, %dma_start3A_128, %dma_start3A_129] : memref<8x4096x1024xf32, #tpu.memory_space<hbm>> -> memref<1x1024x1024xf32, #tpu.memory_space<hbm>>
    %dma_start3A_131 = tpu.memref_squeeze %dma_start3A_130 : memref<1x1024x1024xf32, #tpu.memory_space<hbm>> -> memref<1024x1024xf32, #tpu.memory_space<hbm>>
    %dma_start3A_132 = arith.constant 0 : i32
    %dma_start3A_133 = arith.constant 0 : i32
    %dma_start3A_134 = tpu.memref_slice %arg3[%dma_start3A_123, %dma_start3A_132, %dma_start3A_133] : memref<8x1024x1024xf32, #tpu.memory_space<vmem>> -> memref<1x1024x1024xf32, #tpu.memory_space<vmem>>
    %dma_start3A_135 = tpu.memref_squeeze %dma_start3A_134 : memref<1x1024x1024xf32, #tpu.memory_space<vmem>> -> memref<1024x1024xf32, #tpu.memory_space<vmem>>
    tpu.enqueue_dma source(%dma_start3A_135 : memref<1024x1024xf32, #tpu.memory_space<vmem>>) target(%dma_start3A_131 : memref<1024x1024xf32, #tpu.memory_space<hbm>>) target_semaphore(%dma_start3A_127 : memref<!tpu.dma_semaphore, #tpu.memory_space<semaphore_mem>>)
    %get3A_136 = arith.constant 0 : index
    %get3A_137 = memref.load %arg0[%get3A_136] : memref<8xi32, #tpu.memory_space<smem>>
    %dma_wait3A_138 = arith.constant 1 : i32
    %dma_wait3A_139 = arith.constant 1 : i32
    %dma_wait3A_140 = tpu.memref_slice %arg4[%dma_wait3A_139] : memref<8x!tpu.dma_semaphore, #tpu.memory_space<semaphore_mem>> -> memref<1x!tpu.dma_semaphore, #tpu.memory_space<semaphore_mem>>
    %dma_wait3A_141 = tpu.memref_squeeze %dma_wait3A_140 : memref<1x!tpu.dma_semaphore, #tpu.memory_space<semaphore_mem>> -> memref<!tpu.dma_semaphore, #tpu.memory_space<semaphore_mem>>
    %dma_wait3A_142 = arith.constant 0 : i32
    %dma_wait3A_143 = arith.constant 0 : i32
    %dma_wait3A_144 = tpu.memref_slice %arg3[%dma_wait3A_138, %dma_wait3A_142, %dma_wait3A_143] : memref<8x1024x1024xf32, #tpu.memory_space<vmem>> -> memref<1x1024x1024xf32, #tpu.memory_space<vmem>>
    %dma_wait3A_145 = tpu.memref_squeeze %dma_wait3A_144 : memref<1x1024x1024xf32, #tpu.memory_space<vmem>> -> memref<1024x1024xf32, #tpu.memory_space<vmem>>
    %dma_wait3A_146 = arith.constant 1024 : i32
    %dma_wait3A_147 = arith.constant 0 : i32
    %dma_wait3A_148 = tpu.memref_slice %arg1[%get3A_137, %dma_wait3A_146, %dma_wait3A_147] : memref<16x4096x1024xf32, #tpu.memory_space<hbm>> -> memref<1x1024x1024xf32, #tpu.memory_space<hbm>>
    %dma_wait3A_149 = tpu.memref_squeeze %dma_wait3A_148 : memref<1x1024x1024xf32, #tpu.memory_space<hbm>> -> memref<1024x1024xf32, #tpu.memory_space<hbm>>
    tpu.wait_dma2 semaphore(%dma_wait3A_141 : memref<!tpu.dma_semaphore, #tpu.memory_space<semaphore_mem>>) src(%dma_wait3A_149 : memref<1024x1024xf32, #tpu.memory_space<hbm>>) dst(%dma_wait3A_145 : memref<1024x1024xf32, #tpu.memory_space<vmem>>)
    %dma_start3A_150 = arith.constant 1 : i32
    %dma_start3A_151 = arith.constant 0 : i32
    %dma_start3A_152 = arith.constant 1 : i32
    %dma_start3A_153 = tpu.memref_slice %arg5[%dma_start3A_152] : memref<8x!tpu.dma_semaphore, #tpu.memory_space<semaphore_mem>> -> memref<1x!tpu.dma_semaphore, #tpu.memory_space<semaphore_mem>>
    %dma_start3A_154 = tpu.memref_squeeze %dma_start3A_153 : memref<1x!tpu.dma_semaphore, #tpu.memory_space<semaphore_mem>> -> memref<!tpu.dma_semaphore, #tpu.memory_space<semaphore_mem>>
    %dma_start3A_155 = arith.constant 1024 : i32
    %dma_start3A_156 = arith.constant 0 : i32
    %dma_start3A_157 = tpu.memref_slice %arg2[%dma_start3A_151, %dma_start3A_155, %dma_start3A_156] : memref<8x4096x1024xf32, #tpu.memory_space<hbm>> -> memref<1x1024x1024xf32, #tpu.memory_space<hbm>>
    %dma_start3A_158 = tpu.memref_squeeze %dma_start3A_157 : memref<1x1024x1024xf32, #tpu.memory_space<hbm>> -> memref<1024x1024xf32, #tpu.memory_space<hbm>>
    %dma_start3A_159 = arith.constant 0 : i32
    %dma_start3A_160 = arith.constant 0 : i32
    %dma_start3A_161 = tpu.memref_slice %arg3[%dma_start3A_150, %dma_start3A_159, %dma_start3A_160] : memref<8x1024x1024xf32, #tpu.memory_space<vmem>> -> memref<1x1024x1024xf32, #tpu.memory_space<vmem>>
    %dma_start3A_162 = tpu.memref_squeeze %dma_start3A_161 : memref<1x1024x1024xf32, #tpu.memory_space<vmem>> -> memref<1024x1024xf32, #tpu.memory_space<vmem>>
    tpu.enqueue_dma source(%dma_start3A_162 : memref<1024x1024xf32, #tpu.memory_space<vmem>>) target(%dma_start3A_158 : memref<1024x1024xf32, #tpu.memory_space<hbm>>) target_semaphore(%dma_start3A_154 : memref<!tpu.dma_semaphore, #tpu.memory_space<semaphore_mem>>)
    %get3A_163 = arith.constant 0 : index
    %get3A_164 = memref.load %arg0[%get3A_163] : memref<8xi32, #tpu.memory_space<smem>>
    %dma_wait3A_165 = arith.constant 2 : i32
    %dma_wait3A_166 = arith.constant 2 : i32
    %dma_wait3A_167 = tpu.memref_slice %arg4[%dma_wait3A_166] : memref<8x!tpu.dma_semaphore, #tpu.memory_space<semaphore_mem>> -> memref<1x!tpu.dma_semaphore, #tpu.memory_space<semaphore_mem>>
    %dma_wait3A_168 = tpu.memref_squeeze %dma_wait3A_167 : memref<1x!tpu.dma_semaphore, #tpu.memory_space<semaphore_mem>> -> memref<!tpu.dma_semaphore, #tpu.memory_space<semaphore_mem>>
    %dma_wait3A_169 = arith.constant 0 : i32
    %dma_wait3A_170 = arith.constant 0 : i32
    %dma_wait3A_171 = tpu.memref_slice %arg3[%dma_wait3A_165, %dma_wait3A_169, %dma_wait3A_170] : memref<8x1024x1024xf32, #tpu.memory_space<vmem>> -> memref<1x1024x1024xf32, #tpu.memory_space<vmem>>
    %dma_wait3A_172 = tpu.memref_squeeze %dma_wait3A_171 : memref<1x1024x1024xf32, #tpu.memory_space<vmem>> -> memref<1024x1024xf32, #tpu.memory_space<vmem>>
    %dma_wait3A_173 = arith.constant 2048 : i32
    %dma_wait3A_174 = arith.constant 0 : i32
    %dma_wait3A_175 = tpu.memref_slice %arg1[%get3A_164, %dma_wait3A_173, %dma_wait3A_174] : memref<16x4096x1024xf32, #tpu.memory_space<hbm>> -> memref<1x1024x1024xf32, #tpu.memory_space<hbm>>
    %dma_wait3A_176 = tpu.memref_squeeze %dma_wait3A_175 : memref<1x1024x1024xf32, #tpu.memory_space<hbm>> -> memref<1024x1024xf32, #tpu.memory_space<hbm>>
    tpu.wait_dma2 semaphore(%dma_wait3A_168 : memref<!tpu.dma_semaphore, #tpu.memory_space<semaphore_mem>>) src(%dma_wait3A_176 : memref<1024x1024xf32, #tpu.memory_space<hbm>>) dst(%dma_wait3A_172 : memref<1024x1024xf32, #tpu.memory_space<vmem>>)
    %dma_start3A_177 = arith.constant 2 : i32
    %dma_start3A_178 = arith.constant 0 : i32
    %dma_start3A_179 = arith.constant 2 : i32
    %dma_start3A_180 = tpu.memref_slice %arg5[%dma_start3A_179] : memref<8x!tpu.dma_semaphore, #tpu.memory_space<semaphore_mem>> -> memref<1x!tpu.dma_semaphore, #tpu.memory_space<semaphore_mem>>
    %dma_start3A_181 = tpu.memref_squeeze %dma_start3A_180 : memref<1x!tpu.dma_semaphore, #tpu.memory_space<semaphore_mem>> -> memref<!tpu.dma_semaphore, #tpu.memory_space<semaphore_mem>>
    %dma_start3A_182 = arith.constant 2048 : i32
    %dma_start3A_183 = arith.constant 0 : i32
    %dma_start3A_184 = tpu.memref_slice %arg2[%dma_start3A_178, %dma_start3A_182, %dma_start3A_183] : memref<8x4096x1024xf32, #tpu.memory_space<hbm>> -> memref<1x1024x1024xf32, #tpu.memory_space<hbm>>
    %dma_start3A_185 = tpu.memref_squeeze %dma_start3A_184 : memref<1x1024x1024xf32, #tpu.memory_space<hbm>> -> memref<1024x1024xf32, #tpu.memory_space<hbm>>
    %dma_start3A_186 = arith.constant 0 : i32
    %dma_start3A_187 = arith.constant 0 : i32
    %dma_start3A_188 = tpu.memref_slice %arg3[%dma_start3A_177, %dma_start3A_186, %dma_start3A_187] : memref<8x1024x1024xf32, #tpu.memory_space<vmem>> -> memref<1x1024x1024xf32, #tpu.memory_space<vmem>>
    %dma_start3A_189 = tpu.memref_squeeze %dma_start3A_188 : memref<1x1024x1024xf32, #tpu.memory_space<vmem>> -> memref<1024x1024xf32, #tpu.memory_space<vmem>>
    tpu.enqueue_dma source(%dma_start3A_189 : memref<1024x1024xf32, #tpu.memory_space<vmem>>) target(%dma_start3A_185 : memref<1024x1024xf32, #tpu.memory_space<hbm>>) target_semaphore(%dma_start3A_181 : memref<!tpu.dma_semaphore, #tpu.memory_space<semaphore_mem>>)
    %get3A_190 = arith.constant 0 : index
    %get3A_191 = memref.load %arg0[%get3A_190] : memref<8xi32, #tpu.memory_space<smem>>
    %dma_wait3A_192 = arith.constant 3 : i32
    %dma_wait3A_193 = arith.constant 3 : i32
    %dma_wait3A_194 = tpu.memref_slice %arg4[%dma_wait3A_193] : memref<8x!tpu.dma_semaphore, #tpu.memory_space<semaphore_mem>> -> memref<1x!tpu.dma_semaphore, #tpu.memory_space<semaphore_mem>>
    %dma_wait3A_195 = tpu.memref_squeeze %dma_wait3A_194 : memref<1x!tpu.dma_semaphore, #tpu.memory_space<semaphore_mem>> -> memref<!tpu.dma_semaphore, #tpu.memory_space<semaphore_mem>>
    %dma_wait3A_196 = arith.constant 0 : i32
    %dma_wait3A_197 = arith.constant 0 : i32
    %dma_wait3A_198 = tpu.memref_slice %arg3[%dma_wait3A_192, %dma_wait3A_196, %dma_wait3A_197] : memref<8x1024x1024xf32, #tpu.memory_space<vmem>> -> memref<1x1024x1024xf32, #tpu.memory_space<vmem>>
    %dma_wait3A_199 = tpu.memref_squeeze %dma_wait3A_198 : memref<1x1024x1024xf32, #tpu.memory_space<vmem>> -> memref<1024x1024xf32, #tpu.memory_space<vmem>>
    %dma_wait3A_200 = arith.constant 3072 : i32
    %dma_wait3A_201 = arith.constant 0 : i32
    %dma_wait3A_202 = tpu.memref_slice %arg1[%get3A_191, %dma_wait3A_200, %dma_wait3A_201] : memref<16x4096x1024xf32, #tpu.memory_space<hbm>> -> memref<1x1024x1024xf32, #tpu.memory_space<hbm>>
    %dma_wait3A_203 = tpu.memref_squeeze %dma_wait3A_202 : memref<1x1024x1024xf32, #tpu.memory_space<hbm>> -> memref<1024x1024xf32, #tpu.memory_space<hbm>>
    tpu.wait_dma2 semaphore(%dma_wait3A_195 : memref<!tpu.dma_semaphore, #tpu.memory_space<semaphore_mem>>) src(%dma_wait3A_203 : memref<1024x1024xf32, #tpu.memory_space<hbm>>) dst(%dma_wait3A_199 : memref<1024x1024xf32, #tpu.memory_space<vmem>>)
    %dma_start3A_204 = arith.constant 3 : i32
    %dma_start3A_205 = arith.constant 0 : i32
    %dma_start3A_206 = arith.constant 3 : i32
    %dma_start3A_207 = tpu.memref_slice %arg5[%dma_start3A_206] : memref<8x!tpu.dma_semaphore, #tpu.memory_space<semaphore_mem>> -> memref<1x!tpu.dma_semaphore, #tpu.memory_space<semaphore_mem>>
    %dma_start3A_208 = tpu.memref_squeeze %dma_start3A_207 : memref<1x!tpu.dma_semaphore, #tpu.memory_space<semaphore_mem>> -> memref<!tpu.dma_semaphore, #tpu.memory_space<semaphore_mem>>
    %dma_start3A_209 = arith.constant 3072 : i32
    %dma_start3A_210 = arith.constant 0 : i32
    %dma_start3A_211 = tpu.memref_slice %arg2[%dma_start3A_205, %dma_start3A_209, %dma_start3A_210] : memref<8x4096x1024xf32, #tpu.memory_space<hbm>> -> memref<1x1024x1024xf32, #tpu.memory_space<hbm>>
    %dma_start3A_212 = tpu.memref_squeeze %dma_start3A_211 : memref<1x1024x1024xf32, #tpu.memory_space<hbm>> -> memref<1024x1024xf32, #tpu.memory_space<hbm>>
    %dma_start3A_213 = arith.constant 0 : i32
    %dma_start3A_214 = arith.constant 0 : i32
    %dma_start3A_215 = tpu.memref_slice %arg3[%dma_start3A_204, %dma_start3A_213, %dma_start3A_214] : memref<8x1024x1024xf32, #tpu.memory_space<vmem>> -> memref<1x1024x1024xf32, #tpu.memory_space<vmem>>
    %dma_start3A_216 = tpu.memref_squeeze %dma_start3A_215 : memref<1x1024x1024xf32, #tpu.memory_space<vmem>> -> memref<1024x1024xf32, #tpu.memory_space<vmem>>
    tpu.enqueue_dma source(%dma_start3A_216 : memref<1024x1024xf32, #tpu.memory_space<vmem>>) target(%dma_start3A_212 : memref<1024x1024xf32, #tpu.memory_space<hbm>>) target_semaphore(%dma_start3A_208 : memref<!tpu.dma_semaphore, #tpu.memory_space<semaphore_mem>>)
    %get3A_217 = arith.constant 1 : index
    %get3A_218 = memref.load %arg0[%get3A_217] : memref<8xi32, #tpu.memory_space<smem>>
    %dma_wait3A_219 = arith.constant 4 : i32
    %dma_wait3A_220 = arith.constant 4 : i32
    %dma_wait3A_221 = tpu.memref_slice %arg4[%dma_wait3A_220] : memref<8x!tpu.dma_semaphore, #tpu.memory_space<semaphore_mem>> -> memref<1x!tpu.dma_semaphore, #tpu.memory_space<semaphore_mem>>
    %dma_wait3A_222 = tpu.memref_squeeze %dma_wait3A_221 : memref<1x!tpu.dma_semaphore, #tpu.memory_space<semaphore_mem>> -> memref<!tpu.dma_semaphore, #tpu.memory_space<semaphore_mem>>
    %dma_wait3A_223 = arith.constant 0 : i32
    %dma_wait3A_224 = arith.constant 0 : i32
    %dma_wait3A_225 = tpu.memref_slice %arg3[%dma_wait3A_219, %dma_wait3A_223, %dma_wait3A_224] : memref<8x1024x1024xf32, #tpu.memory_space<vmem>> -> memref<1x1024x1024xf32, #tpu.memory_space<vmem>>
    %dma_wait3A_226 = tpu.memref_squeeze %dma_wait3A_225 : memref<1x1024x1024xf32, #tpu.memory_space<vmem>> -> memref<1024x1024xf32, #tpu.memory_space<vmem>>
    %dma_wait3A_227 = arith.constant 0 : i32
    %dma_wait3A_228 = arith.constant 0 : i32
    %dma_wait3A_229 = tpu.memref_slice %arg1[%get3A_218, %dma_wait3A_227, %dma_wait3A_228] : memref<16x4096x1024xf32, #tpu.memory_space<hbm>> -> memref<1x1024x1024xf32, #tpu.memory_space<hbm>>
    %dma_wait3A_230 = tpu.memref_squeeze %dma_wait3A_229 : memref<1x1024x1024xf32, #tpu.memory_space<hbm>> -> memref<1024x1024xf32, #tpu.memory_space<hbm>>
    tpu.wait_dma2 semaphore(%dma_wait3A_222 : memref<!tpu.dma_semaphore, #tpu.memory_space<semaphore_mem>>) src(%dma_wait3A_230 : memref<1024x1024xf32, #tpu.memory_space<hbm>>) dst(%dma_wait3A_226 : memref<1024x1024xf32, #tpu.memory_space<vmem>>)
    %dma_start3A_231 = arith.constant 4 : i32
    %dma_start3A_232 = arith.constant 1 : i32
    %dma_start3A_233 = arith.constant 4 : i32
    %dma_start3A_234 = tpu.memref_slice %arg5[%dma_start3A_233] : memref<8x!tpu.dma_semaphore, #tpu.memory_space<semaphore_mem>> -> memref<1x!tpu.dma_semaphore, #tpu.memory_space<semaphore_mem>>
    %dma_start3A_235 = tpu.memref_squeeze %dma_start3A_234 : memref<1x!tpu.dma_semaphore, #tpu.memory_space<semaphore_mem>> -> memref<!tpu.dma_semaphore, #tpu.memory_space<semaphore_mem>>
    %dma_start3A_236 = arith.constant 0 : i32
    %dma_start3A_237 = arith.constant 0 : i32
    %dma_start3A_238 = tpu.memref_slice %arg2[%dma_start3A_232, %dma_start3A_236, %dma_start3A_237] : memref<8x4096x1024xf32, #tpu.memory_space<hbm>> -> memref<1x1024x1024xf32, #tpu.memory_space<hbm>>
    %dma_start3A_239 = tpu.memref_squeeze %dma_start3A_238 : memref<1x1024x1024xf32, #tpu.memory_space<hbm>> -> memref<1024x1024xf32, #tpu.memory_space<hbm>>
    %dma_start3A_240 = arith.constant 0 : i32
    %dma_start3A_241 = arith.constant 0 : i32
    %dma_start3A_242 = tpu.memref_slice %arg3[%dma_start3A_231, %dma_start3A_240, %dma_start3A_241] : memref<8x1024x1024xf32, #tpu.memory_space<vmem>> -> memref<1x1024x1024xf32, #tpu.memory_space<vmem>>
    %dma_start3A_243 = tpu.memref_squeeze %dma_start3A_242 : memref<1x1024x1024xf32, #tpu.memory_space<vmem>> -> memref<1024x1024xf32, #tpu.memory_space<vmem>>
    tpu.enqueue_dma source(%dma_start3A_243 : memref<1024x1024xf32, #tpu.memory_space<vmem>>) target(%dma_start3A_239 : memref<1024x1024xf32, #tpu.memory_space<hbm>>) target_semaphore(%dma_start3A_235 : memref<!tpu.dma_semaphore, #tpu.memory_space<semaphore_mem>>)
    %get3A_244 = arith.constant 1 : index
    %get3A_245 = memref.load %arg0[%get3A_244] : memref<8xi32, #tpu.memory_space<smem>>
    %dma_wait3A_246 = arith.constant 5 : i32
    %dma_wait3A_247 = arith.constant 5 : i32
    %dma_wait3A_248 = tpu.memref_slice %arg4[%dma_wait3A_247] : memref<8x!tpu.dma_semaphore, #tpu.memory_space<semaphore_mem>> -> memref<1x!tpu.dma_semaphore, #tpu.memory_space<semaphore_mem>>
    %dma_wait3A_249 = tpu.memref_squeeze %dma_wait3A_248 : memref<1x!tpu.dma_semaphore, #tpu.memory_space<semaphore_mem>> -> memref<!tpu.dma_semaphore, #tpu.memory_space<semaphore_mem>>
    %dma_wait3A_250 = arith.constant 0 : i32
    %dma_wait3A_251 = arith.constant 0 : i32
    %dma_wait3A_252 = tpu.memref_slice %arg3[%dma_wait3A_246, %dma_wait3A_250, %dma_wait3A_251] : memref<8x1024x1024xf32, #tpu.memory_space<vmem>> -> memref<1x1024x1024xf32, #tpu.memory_space<vmem>>
    %dma_wait3A_253 = tpu.memref_squeeze %dma_wait3A_252 : memref<1x1024x1024xf32, #tpu.memory_space<vmem>> -> memref<1024x1024xf32, #tpu.memory_space<vmem>>
    %dma_wait3A_254 = arith.constant 1024 : i32
    %dma_wait3A_255 = arith.constant 0 : i32
    %dma_wait3A_256 = tpu.memref_slice %arg1[%get3A_245, %dma_wait3A_254, %dma_wait3A_255] : memref<16x4096x1024xf32, #tpu.memory_space<hbm>> -> memref<1x1024x1024xf32, #tpu.memory_space<hbm>>
    %dma_wait3A_257 = tpu.memref_squeeze %dma_wait3A_256 : memref<1x1024x1024xf32, #tpu.memory_space<hbm>> -> memref<1024x1024xf32, #tpu.memory_space<hbm>>
    tpu.wait_dma2 semaphore(%dma_wait3A_249 : memref<!tpu.dma_semaphore, #tpu.memory_space<semaphore_mem>>) src(%dma_wait3A_257 : memref<1024x1024xf32, #tpu.memory_space<hbm>>) dst(%dma_wait3A_253 : memref<1024x1024xf32, #tpu.memory_space<vmem>>)
    %dma_start3A_258 = arith.constant 5 : i32
    %dma_start3A_259 = arith.constant 1 : i32
    %dma_start3A_260 = arith.constant 5 : i32
    %dma_start3A_261 = tpu.memref_slice %arg5[%dma_start3A_260] : memref<8x!tpu.dma_semaphore, #tpu.memory_space<semaphore_mem>> -> memref<1x!tpu.dma_semaphore, #tpu.memory_space<semaphore_mem>>
    %dma_start3A_262 = tpu.memref_squeeze %dma_start3A_261 : memref<1x!tpu.dma_semaphore, #tpu.memory_space<semaphore_mem>> -> memref<!tpu.dma_semaphore, #tpu.memory_space<semaphore_mem>>
    %dma_start3A_263 = arith.constant 1024 : i32
    %dma_start3A_264 = arith.constant 0 : i32
    %dma_start3A_265 = tpu.memref_slice %arg2[%dma_start3A_259, %dma_start3A_263, %dma_start3A_264] : memref<8x4096x1024xf32, #tpu.memory_space<hbm>> -> memref<1x1024x1024xf32, #tpu.memory_space<hbm>>
    %dma_start3A_266 = tpu.memref_squeeze %dma_start3A_265 : memref<1x1024x1024xf32, #tpu.memory_space<hbm>> -> memref<1024x1024xf32, #tpu.memory_space<hbm>>
    %dma_start3A_267 = arith.constant 0 : i32
    %dma_start3A_268 = arith.constant 0 : i32
    %dma_start3A_269 = tpu.memref_slice %arg3[%dma_start3A_258, %dma_start3A_267, %dma_start3A_268] : memref<8x1024x1024xf32, #tpu.memory_space<vmem>> -> memref<1x1024x1024xf32, #tpu.memory_space<vmem>>
    %dma_start3A_270 = tpu.memref_squeeze %dma_start3A_269 : memref<1x1024x1024xf32, #tpu.memory_space<vmem>> -> memref<1024x1024xf32, #tpu.memory_space<vmem>>
    tpu.enqueue_dma source(%dma_start3A_270 : memref<1024x1024xf32, #tpu.memory_space<vmem>>) target(%dma_start3A_266 : memref<1024x1024xf32, #tpu.memory_space<hbm>>) target_semaphore(%dma_start3A_262 : memref<!tpu.dma_semaphore, #tpu.memory_space<semaphore_mem>>)
    %get3A_271 = arith.constant 1 : index
    %get3A_272 = memref.load %arg0[%get3A_271] : memref<8xi32, #tpu.memory_space<smem>>
    %dma_wait3A_273 = arith.constant 6 : i32
    %dma_wait3A_274 = arith.constant 6 : i32
    %dma_wait3A_275 = tpu.memref_slice %arg4[%dma_wait3A_274] : memref<8x!tpu.dma_semaphore, #tpu.memory_space<semaphore_mem>> -> memref<1x!tpu.dma_semaphore, #tpu.memory_space<semaphore_mem>>
    %dma_wait3A_276 = tpu.memref_squeeze %dma_wait3A_275 : memref<1x!tpu.dma_semaphore, #tpu.memory_space<semaphore_mem>> -> memref<!tpu.dma_semaphore, #tpu.memory_space<semaphore_mem>>
    %dma_wait3A_277 = arith.constant 0 : i32
    %dma_wait3A_278 = arith.constant 0 : i32
    %dma_wait3A_279 = tpu.memref_slice %arg3[%dma_wait3A_273, %dma_wait3A_277, %dma_wait3A_278] : memref<8x1024x1024xf32, #tpu.memory_space<vmem>> -> memref<1x1024x1024xf32, #tpu.memory_space<vmem>>
    %dma_wait3A_280 = tpu.memref_squeeze %dma_wait3A_279 : memref<1x1024x1024xf32, #tpu.memory_space<vmem>> -> memref<1024x1024xf32, #tpu.memory_space<vmem>>
    %dma_wait3A_281 = arith.constant 2048 : i32
    %dma_wait3A_282 = arith.constant 0 : i32
    %dma_wait3A_283 = tpu.memref_slice %arg1[%get3A_272, %dma_wait3A_281, %dma_wait3A_282] : memref<16x4096x1024xf32, #tpu.memory_space<hbm>> -> memref<1x1024x1024xf32, #tpu.memory_space<hbm>>
    %dma_wait3A_284 = tpu.memref_squeeze %dma_wait3A_283 : memref<1x1024x1024xf32, #tpu.memory_space<hbm>> -> memref<1024x1024xf32, #tpu.memory_space<hbm>>
    tpu.wait_dma2 semaphore(%dma_wait3A_276 : memref<!tpu.dma_semaphore, #tpu.memory_space<semaphore_mem>>) src(%dma_wait3A_284 : memref<1024x1024xf32, #tpu.memory_space<hbm>>) dst(%dma_wait3A_280 : memref<1024x1024xf32, #tpu.memory_space<vmem>>)
    %dma_start3A_285 = arith.constant 6 : i32
    %dma_start3A_286 = arith.constant 1 : i32
    %dma_start3A_287 = arith.constant 6 : i32
    %dma_start3A_288 = tpu.memref_slice %arg5[%dma_start3A_287] : memref<8x!tpu.dma_semaphore, #tpu.memory_space<semaphore_mem>> -> memref<1x!tpu.dma_semaphore, #tpu.memory_space<semaphore_mem>>
    %dma_start3A_289 = tpu.memref_squeeze %dma_start3A_288 : memref<1x!tpu.dma_semaphore, #tpu.memory_space<semaphore_mem>> -> memref<!tpu.dma_semaphore, #tpu.memory_space<semaphore_mem>>
    %dma_start3A_290 = arith.constant 2048 : i32
    %dma_start3A_291 = arith.constant 0 : i32
    %dma_start3A_292 = tpu.memref_slice %arg2[%dma_start3A_286, %dma_start3A_290, %dma_start3A_291] : memref<8x4096x1024xf32, #tpu.memory_space<hbm>> -> memref<1x1024x1024xf32, #tpu.memory_space<hbm>>
    %dma_start3A_293 = tpu.memref_squeeze %dma_start3A_292 : memref<1x1024x1024xf32, #tpu.memory_space<hbm>> -> memref<1024x1024xf32, #tpu.memory_space<hbm>>
    %dma_start3A_294 = arith.constant 0 : i32
    %dma_start3A_295 = arith.constant 0 : i32
    %dma_start3A_296 = tpu.memref_slice %arg3[%dma_start3A_285, %dma_start3A_294, %dma_start3A_295] : memref<8x1024x1024xf32, #tpu.memory_space<vmem>> -> memref<1x1024x1024xf32, #tpu.memory_space<vmem>>
    %dma_start3A_297 = tpu.memref_squeeze %dma_start3A_296 : memref<1x1024x1024xf32, #tpu.memory_space<vmem>> -> memref<1024x1024xf32, #tpu.memory_space<vmem>>
    tpu.enqueue_dma source(%dma_start3A_297 : memref<1024x1024xf32, #tpu.memory_space<vmem>>) target(%dma_start3A_293 : memref<1024x1024xf32, #tpu.memory_space<hbm>>) target_semaphore(%dma_start3A_289 : memref<!tpu.dma_semaphore, #tpu.memory_space<semaphore_mem>>)
    %get3A_298 = arith.constant 1 : index
    %get3A_299 = memref.load %arg0[%get3A_298] : memref<8xi32, #tpu.memory_space<smem>>
    %dma_wait3A_300 = arith.constant 7 : i32
    %dma_wait3A_301 = arith.constant 7 : i32
    %dma_wait3A_302 = tpu.memref_slice %arg4[%dma_wait3A_301] : memref<8x!tpu.dma_semaphore, #tpu.memory_space<semaphore_mem>> -> memref<1x!tpu.dma_semaphore, #tpu.memory_space<semaphore_mem>>
    %dma_wait3A_303 = tpu.memref_squeeze %dma_wait3A_302 : memref<1x!tpu.dma_semaphore, #tpu.memory_space<semaphore_mem>> -> memref<!tpu.dma_semaphore, #tpu.memory_space<semaphore_mem>>
    %dma_wait3A_304 = arith.constant 0 : i32
    %dma_wait3A_305 = arith.constant 0 : i32
    %dma_wait3A_306 = tpu.memref_slice %arg3[%dma_wait3A_300, %dma_wait3A_304, %dma_wait3A_305] : memref<8x1024x1024xf32, #tpu.memory_space<vmem>> -> memref<1x1024x1024xf32, #tpu.memory_space<vmem>>
    %dma_wait3A_307 = tpu.memref_squeeze %dma_wait3A_306 : memref<1x1024x1024xf32, #tpu.memory_space<vmem>> -> memref<1024x1024xf32, #tpu.memory_space<vmem>>
    %dma_wait3A_308 = arith.constant 3072 : i32
    %dma_wait3A_309 = arith.constant 0 : i32
    %dma_wait3A_310 = tpu.memref_slice %arg1[%get3A_299, %dma_wait3A_308, %dma_wait3A_309] : memref<16x4096x1024xf32, #tpu.memory_space<hbm>> -> memref<1x1024x1024xf32, #tpu.memory_space<hbm>>
    %dma_wait3A_311 = tpu.memref_squeeze %dma_wait3A_310 : memref<1x1024x1024xf32, #tpu.memory_space<hbm>> -> memref<1024x1024xf32, #tpu.memory_space<hbm>>
    tpu.wait_dma2 semaphore(%dma_wait3A_303 : memref<!tpu.dma_semaphore, #tpu.memory_space<semaphore_mem>>) src(%dma_wait3A_311 : memref<1024x1024xf32, #tpu.memory_space<hbm>>) dst(%dma_wait3A_307 : memref<1024x1024xf32, #tpu.memory_space<vmem>>)
    %dma_start3A_312 = arith.constant 7 : i32
    %dma_start3A_313 = arith.constant 1 : i32
    %dma_start3A_314 = arith.constant 7 : i32
    %dma_start3A_315 = tpu.memref_slice %arg5[%dma_start3A_314] : memref<8x!tpu.dma_semaphore, #tpu.memory_space<semaphore_mem>> -> memref<1x!tpu.dma_semaphore, #tpu.memory_space<semaphore_mem>>
    %dma_start3A_316 = tpu.memref_squeeze %dma_start3A_315 : memref<1x!tpu.dma_semaphore, #tpu.memory_space<semaphore_mem>> -> memref<!tpu.dma_semaphore, #tpu.memory_space<semaphore_mem>>
    %dma_start3A_317 = arith.constant 3072 : i32
    %dma_start3A_318 = arith.constant 0 : i32
    %dma_start3A_319 = tpu.memref_slice %arg2[%dma_start3A_313, %dma_start3A_317, %dma_start3A_318] : memref<8x4096x1024xf32, #tpu.memory_space<hbm>> -> memref<1x1024x1024xf32, #tpu.memory_space<hbm>>
    %dma_start3A_320 = tpu.memref_squeeze %dma_start3A_319 : memref<1x1024x1024xf32, #tpu.memory_space<hbm>> -> memref<1024x1024xf32, #tpu.memory_space<hbm>>
    %dma_start3A_321 = arith.constant 0 : i32
    %dma_start3A_322 = arith.constant 0 : i32
    %dma_start3A_323 = tpu.memref_slice %arg3[%dma_start3A_312, %dma_start3A_321, %dma_start3A_322] : memref<8x1024x1024xf32, #tpu.memory_space<vmem>> -> memref<1x1024x1024xf32, #tpu.memory_space<vmem>>
    %dma_start3A_324 = tpu.memref_squeeze %dma_start3A_323 : memref<1x1024x1024xf32, #tpu.memory_space<vmem>> -> memref<1024x1024xf32, #tpu.memory_space<vmem>>
    tpu.enqueue_dma source(%dma_start3A_324 : memref<1024x1024xf32, #tpu.memory_space<vmem>>) target(%dma_start3A_320 : memref<1024x1024xf32, #tpu.memory_space<hbm>>) target_semaphore(%dma_start3A_316 : memref<!tpu.dma_semaphore, #tpu.memory_space<semaphore_mem>>)
    %dma_wait3A_325 = arith.constant 0 : i32
    %dma_wait3A_326 = arith.constant 0 : i32
    %dma_wait3A_327 = arith.constant 0 : i32
    %dma_wait3A_328 = tpu.memref_slice %arg5[%dma_wait3A_327] : memref<8x!tpu.dma_semaphore, #tpu.memory_space<semaphore_mem>> -> memref<1x!tpu.dma_semaphore, #tpu.memory_space<semaphore_mem>>
    %dma_wait3A_329 = tpu.memref_squeeze %dma_wait3A_328 : memref<1x!tpu.dma_semaphore, #tpu.memory_space<semaphore_mem>> -> memref<!tpu.dma_semaphore, #tpu.memory_space<semaphore_mem>>
    %dma_wait3A_330 = arith.constant 0 : i32
    %dma_wait3A_331 = arith.constant 0 : i32
    %dma_wait3A_332 = tpu.memref_slice %arg2[%dma_wait3A_326, %dma_wait3A_330, %dma_wait3A_331] : memref<8x4096x1024xf32, #tpu.memory_space<hbm>> -> memref<1x1024x1024xf32, #tpu.memory_space<hbm>>
    %dma_wait3A_333 = tpu.memref_squeeze %dma_wait3A_332 : memref<1x1024x1024xf32, #tpu.memory_space<hbm>> -> memref<1024x1024xf32, #tpu.memory_space<hbm>>
    %dma_wait3A_334 = arith.constant 0 : i32
    %dma_wait3A_335 = arith.constant 0 : i32
    %dma_wait3A_336 = tpu.memref_slice %arg3[%dma_wait3A_325, %dma_wait3A_334, %dma_wait3A_335] : memref<8x1024x1024xf32, #tpu.memory_space<vmem>> -> memref<1x1024x1024xf32, #tpu.memory_space<vmem>>
    %dma_wait3A_337 = tpu.memref_squeeze %dma_wait3A_336 : memref<1x1024x1024xf32, #tpu.memory_space<vmem>> -> memref<1024x1024xf32, #tpu.memory_space<vmem>>
    tpu.wait_dma2 semaphore(%dma_wait3A_329 : memref<!tpu.dma_semaphore, #tpu.memory_space<semaphore_mem>>) src(%dma_wait3A_337 : memref<1024x1024xf32, #tpu.memory_space<vmem>>) dst(%dma_wait3A_333 : memref<1024x1024xf32, #tpu.memory_space<hbm>>)
    %get3A_338 = arith.constant 2 : index
    %get3A_339 = memref.load %arg0[%get3A_338] : memref<8xi32, #tpu.memory_space<smem>>
    %dma_start3A_340 = arith.constant 0 : i32
    %dma_start3A_341 = arith.constant 0 : i32
    %dma_start3A_342 = tpu.memref_slice %arg4[%dma_start3A_341] : memref<8x!tpu.dma_semaphore, #tpu.memory_space<semaphore_mem>> -> memref<1x!tpu.dma_semaphore, #tpu.memory_space<semaphore_mem>>
    %dma_start3A_343 = tpu.memref_squeeze %dma_start3A_342 : memref<1x!tpu.dma_semaphore, #tpu.memory_space<semaphore_mem>> -> memref<!tpu.dma_semaphore, #tpu.memory_space<semaphore_mem>>
    %dma_start3A_344 = arith.constant 0 : i32
    %dma_start3A_345 = arith.constant 0 : i32
    %dma_start3A_346 = tpu.memref_slice %arg3[%dma_start3A_340, %dma_start3A_344, %dma_start3A_345] : memref<8x1024x1024xf32, #tpu.memory_space<vmem>> -> memref<1x1024x1024xf32, #tpu.memory_space<vmem>>
    %dma_start3A_347 = tpu.memref_squeeze %dma_start3A_346 : memref<1x1024x1024xf32, #tpu.memory_space<vmem>> -> memref<1024x1024xf32, #tpu.memory_space<vmem>>
    %dma_start3A_348 = arith.constant 0 : i32
    %dma_start3A_349 = arith.constant 0 : i32
    %dma_start3A_350 = tpu.memref_slice %arg1[%get3A_339, %dma_start3A_348, %dma_start3A_349] : memref<16x4096x1024xf32, #tpu.memory_space<hbm>> -> memref<1x1024x1024xf32, #tpu.memory_space<hbm>>
    %dma_start3A_351 = tpu.memref_squeeze %dma_start3A_350 : memref<1x1024x1024xf32, #tpu.memory_space<hbm>> -> memref<1024x1024xf32, #tpu.memory_space<hbm>>
    tpu.enqueue_dma source(%dma_start3A_351 : memref<1024x1024xf32, #tpu.memory_space<hbm>>) target(%dma_start3A_347 : memref<1024x1024xf32, #tpu.memory_space<vmem>>) target_semaphore(%dma_start3A_343 : memref<!tpu.dma_semaphore, #tpu.memory_space<semaphore_mem>>)
    %dma_wait3A_352 = arith.constant 1 : i32
    %dma_wait3A_353 = arith.constant 0 : i32
    %dma_wait3A_354 = arith.constant 1 : i32
    %dma_wait3A_355 = tpu.memref_slice %arg5[%dma_wait3A_354] : memref<8x!tpu.dma_semaphore, #tpu.memory_space<semaphore_mem>> -> memref<1x!tpu.dma_semaphore, #tpu.memory_space<semaphore_mem>>
    %dma_wait3A_356 = tpu.memref_squeeze %dma_wait3A_355 : memref<1x!tpu.dma_semaphore, #tpu.memory_space<semaphore_mem>> -> memref<!tpu.dma_semaphore, #tpu.memory_space<semaphore_mem>>
    %dma_wait3A_357 = arith.constant 1024 : i32
    %dma_wait3A_358 = arith.constant 0 : i32
    %dma_wait3A_359 = tpu.memref_slice %arg2[%dma_wait3A_353, %dma_wait3A_357, %dma_wait3A_358] : memref<8x4096x1024xf32, #tpu.memory_space<hbm>> -> memref<1x1024x1024xf32, #tpu.memory_space<hbm>>
    %dma_wait3A_360 = tpu.memref_squeeze %dma_wait3A_359 : memref<1x1024x1024xf32, #tpu.memory_space<hbm>> -> memref<1024x1024xf32, #tpu.memory_space<hbm>>
    %dma_wait3A_361 = arith.constant 0 : i32
    %dma_wait3A_362 = arith.constant 0 : i32
    %dma_wait3A_363 = tpu.memref_slice %arg3[%dma_wait3A_352, %dma_wait3A_361, %dma_wait3A_362] : memref<8x1024x1024xf32, #tpu.memory_space<vmem>> -> memref<1x1024x1024xf32, #tpu.memory_space<vmem>>
    %dma_wait3A_364 = tpu.memref_squeeze %dma_wait3A_363 : memref<1x1024x1024xf32, #tpu.memory_space<vmem>> -> memref<1024x1024xf32, #tpu.memory_space<vmem>>
    tpu.wait_dma2 semaphore(%dma_wait3A_356 : memref<!tpu.dma_semaphore, #tpu.memory_space<semaphore_mem>>) src(%dma_wait3A_364 : memref<1024x1024xf32, #tpu.memory_space<vmem>>) dst(%dma_wait3A_360 : memref<1024x1024xf32, #tpu.memory_space<hbm>>)
    %get3A_365 = arith.constant 2 : index
    %get3A_366 = memref.load %arg0[%get3A_365] : memref<8xi32, #tpu.memory_space<smem>>
    %dma_start3A_367 = arith.constant 1 : i32
    %dma_start3A_368 = arith.constant 1 : i32
    %dma_start3A_369 = tpu.memref_slice %arg4[%dma_start3A_368] : memref<8x!tpu.dma_semaphore, #tpu.memory_space<semaphore_mem>> -> memref<1x!tpu.dma_semaphore, #tpu.memory_space<semaphore_mem>>
    %dma_start3A_370 = tpu.memref_squeeze %dma_start3A_369 : memref<1x!tpu.dma_semaphore, #tpu.memory_space<semaphore_mem>> -> memref<!tpu.dma_semaphore, #tpu.memory_space<semaphore_mem>>
    %dma_start3A_371 = arith.constant 0 : i32
    %dma_start3A_372 = arith.constant 0 : i32
    %dma_start3A_373 = tpu.memref_slice %arg3[%dma_start3A_367, %dma_start3A_371, %dma_start3A_372] : memref<8x1024x1024xf32, #tpu.memory_space<vmem>> -> memref<1x1024x1024xf32, #tpu.memory_space<vmem>>
    %dma_start3A_374 = tpu.memref_squeeze %dma_start3A_373 : memref<1x1024x1024xf32, #tpu.memory_space<vmem>> -> memref<1024x1024xf32, #tpu.memory_space<vmem>>
    %dma_start3A_375 = arith.constant 1024 : i32
    %dma_start3A_376 = arith.constant 0 : i32
    %dma_start3A_377 = tpu.memref_slice %arg1[%get3A_366, %dma_start3A_375, %dma_start3A_376] : memref<16x4096x1024xf32, #tpu.memory_space<hbm>> -> memref<1x1024x1024xf32, #tpu.memory_space<hbm>>
    %dma_start3A_378 = tpu.memref_squeeze %dma_start3A_377 : memref<1x1024x1024xf32, #tpu.memory_space<hbm>> -> memref<1024x1024xf32, #tpu.memory_space<hbm>>
    tpu.enqueue_dma source(%dma_start3A_378 : memref<1024x1024xf32, #tpu.memory_space<hbm>>) target(%dma_start3A_374 : memref<1024x1024xf32, #tpu.memory_space<vmem>>) target_semaphore(%dma_start3A_370 : memref<!tpu.dma_semaphore, #tpu.memory_space<semaphore_mem>>)
    %dma_wait3A_379 = arith.constant 2 : i32
    %dma_wait3A_380 = arith.constant 0 : i32
    %dma_wait3A_381 = arith.constant 2 : i32
    %dma_wait3A_382 = tpu.memref_slice %arg5[%dma_wait3A_381] : memref<8x!tpu.dma_semaphore, #tpu.memory_space<semaphore_mem>> -> memref<1x!tpu.dma_semaphore, #tpu.memory_space<semaphore_mem>>
    %dma_wait3A_383 = tpu.memref_squeeze %dma_wait3A_382 : memref<1x!tpu.dma_semaphore, #tpu.memory_space<semaphore_mem>> -> memref<!tpu.dma_semaphore, #tpu.memory_space<semaphore_mem>>
    %dma_wait3A_384 = arith.constant 2048 : i32
    %dma_wait3A_385 = arith.constant 0 : i32
    %dma_wait3A_386 = tpu.memref_slice %arg2[%dma_wait3A_380, %dma_wait3A_384, %dma_wait3A_385] : memref<8x4096x1024xf32, #tpu.memory_space<hbm>> -> memref<1x1024x1024xf32, #tpu.memory_space<hbm>>
    %dma_wait3A_387 = tpu.memref_squeeze %dma_wait3A_386 : memref<1x1024x1024xf32, #tpu.memory_space<hbm>> -> memref<1024x1024xf32, #tpu.memory_space<hbm>>
    %dma_wait3A_388 = arith.constant 0 : i32
    %dma_wait3A_389 = arith.constant 0 : i32
    %dma_wait3A_390 = tpu.memref_slice %arg3[%dma_wait3A_379, %dma_wait3A_388, %dma_wait3A_389] : memref<8x1024x1024xf32, #tpu.memory_space<vmem>> -> memref<1x1024x1024xf32, #tpu.memory_space<vmem>>
    %dma_wait3A_391 = tpu.memref_squeeze %dma_wait3A_390 : memref<1x1024x1024xf32, #tpu.memory_space<vmem>> -> memref<1024x1024xf32, #tpu.memory_space<vmem>>
    tpu.wait_dma2 semaphore(%dma_wait3A_383 : memref<!tpu.dma_semaphore, #tpu.memory_space<semaphore_mem>>) src(%dma_wait3A_391 : memref<1024x1024xf32, #tpu.memory_space<vmem>>) dst(%dma_wait3A_387 : memref<1024x1024xf32, #tpu.memory_space<hbm>>)
    %get3A_392 = arith.constant 2 : index
    %get3A_393 = memref.load %arg0[%get3A_392] : memref<8xi32, #tpu.memory_space<smem>>
    %dma_start3A_394 = arith.constant 2 : i32
    %dma_start3A_395 = arith.constant 2 : i32
    %dma_start3A_396 = tpu.memref_slice %arg4[%dma_start3A_395] : memref<8x!tpu.dma_semaphore, #tpu.memory_space<semaphore_mem>> -> memref<1x!tpu.dma_semaphore, #tpu.memory_space<semaphore_mem>>
    %dma_start3A_397 = tpu.memref_squeeze %dma_start3A_396 : memref<1x!tpu.dma_semaphore, #tpu.memory_space<semaphore_mem>> -> memref<!tpu.dma_semaphore, #tpu.memory_space<semaphore_mem>>
    %dma_start3A_398 = arith.constant 0 : i32
    %dma_start3A_399 = arith.constant 0 : i32
    %dma_start3A_400 = tpu.memref_slice %arg3[%dma_start3A_394, %dma_start3A_398, %dma_start3A_399] : memref<8x1024x1024xf32, #tpu.memory_space<vmem>> -> memref<1x1024x1024xf32, #tpu.memory_space<vmem>>
    %dma_start3A_401 = tpu.memref_squeeze %dma_start3A_400 : memref<1x1024x1024xf32, #tpu.memory_space<vmem>> -> memref<1024x1024xf32, #tpu.memory_space<vmem>>
    %dma_start3A_402 = arith.constant 2048 : i32
    %dma_start3A_403 = arith.constant 0 : i32
    %dma_start3A_404 = tpu.memref_slice %arg1[%get3A_393, %dma_start3A_402, %dma_start3A_403] : memref<16x4096x1024xf32, #tpu.memory_space<hbm>> -> memref<1x1024x1024xf32, #tpu.memory_space<hbm>>
    %dma_start3A_405 = tpu.memref_squeeze %dma_start3A_404 : memref<1x1024x1024xf32, #tpu.memory_space<hbm>> -> memref<1024x1024xf32, #tpu.memory_space<hbm>>
    tpu.enqueue_dma source(%dma_start3A_405 : memref<1024x1024xf32, #tpu.memory_space<hbm>>) target(%dma_start3A_401 : memref<1024x1024xf32, #tpu.memory_space<vmem>>) target_semaphore(%dma_start3A_397 : memref<!tpu.dma_semaphore, #tpu.memory_space<semaphore_mem>>)
    %dma_wait3A_406 = arith.constant 3 : i32
    %dma_wait3A_407 = arith.constant 0 : i32
    %dma_wait3A_408 = arith.constant 3 : i32
    %dma_wait3A_409 = tpu.memref_slice %arg5[%dma_wait3A_408] : memref<8x!tpu.dma_semaphore, #tpu.memory_space<semaphore_mem>> -> memref<1x!tpu.dma_semaphore, #tpu.memory_space<semaphore_mem>>
    %dma_wait3A_410 = tpu.memref_squeeze %dma_wait3A_409 : memref<1x!tpu.dma_semaphore, #tpu.memory_space<semaphore_mem>> -> memref<!tpu.dma_semaphore, #tpu.memory_space<semaphore_mem>>
    %dma_wait3A_411 = arith.constant 3072 : i32
    %dma_wait3A_412 = arith.constant 0 : i32
    %dma_wait3A_413 = tpu.memref_slice %arg2[%dma_wait3A_407, %dma_wait3A_411, %dma_wait3A_412] : memref<8x4096x1024xf32, #tpu.memory_space<hbm>> -> memref<1x1024x1024xf32, #tpu.memory_space<hbm>>
    %dma_wait3A_414 = tpu.memref_squeeze %dma_wait3A_413 : memref<1x1024x1024xf32, #tpu.memory_space<hbm>> -> memref<1024x1024xf32, #tpu.memory_space<hbm>>
    %dma_wait3A_415 = arith.constant 0 : i32
    %dma_wait3A_416 = arith.constant 0 : i32
    %dma_wait3A_417 = tpu.memref_slice %arg3[%dma_wait3A_406, %dma_wait3A_415, %dma_wait3A_416] : memref<8x1024x1024xf32, #tpu.memory_space<vmem>> -> memref<1x1024x1024xf32, #tpu.memory_space<vmem>>
    %dma_wait3A_418 = tpu.memref_squeeze %dma_wait3A_417 : memref<1x1024x1024xf32, #tpu.memory_space<vmem>> -> memref<1024x1024xf32, #tpu.memory_space<vmem>>
    tpu.wait_dma2 semaphore(%dma_wait3A_410 : memref<!tpu.dma_semaphore, #tpu.memory_space<semaphore_mem>>) src(%dma_wait3A_418 : memref<1024x1024xf32, #tpu.memory_space<vmem>>) dst(%dma_wait3A_414 : memref<1024x1024xf32, #tpu.memory_space<hbm>>)
    %get3A_419 = arith.constant 2 : index
    %get3A_420 = memref.load %arg0[%get3A_419] : memref<8xi32, #tpu.memory_space<smem>>
    %dma_start3A_421 = arith.constant 3 : i32
    %dma_start3A_422 = arith.constant 3 : i32
    %dma_start3A_423 = tpu.memref_slice %arg4[%dma_start3A_422] : memref<8x!tpu.dma_semaphore, #tpu.memory_space<semaphore_mem>> -> memref<1x!tpu.dma_semaphore, #tpu.memory_space<semaphore_mem>>
    %dma_start3A_424 = tpu.memref_squeeze %dma_start3A_423 : memref<1x!tpu.dma_semaphore, #tpu.memory_space<semaphore_mem>> -> memref<!tpu.dma_semaphore, #tpu.memory_space<semaphore_mem>>
    %dma_start3A_425 = arith.constant 0 : i32
    %dma_start3A_426 = arith.constant 0 : i32
    %dma_start3A_427 = tpu.memref_slice %arg3[%dma_start3A_421, %dma_start3A_425, %dma_start3A_426] : memref<8x1024x1024xf32, #tpu.memory_space<vmem>> -> memref<1x1024x1024xf32, #tpu.memory_space<vmem>>
    %dma_start3A_428 = tpu.memref_squeeze %dma_start3A_427 : memref<1x1024x1024xf32, #tpu.memory_space<vmem>> -> memref<1024x1024xf32, #tpu.memory_space<vmem>>
    %dma_start3A_429 = arith.constant 3072 : i32
    %dma_start3A_430 = arith.constant 0 : i32
    %dma_start3A_431 = tpu.memref_slice %arg1[%get3A_420, %dma_start3A_429, %dma_start3A_430] : memref<16x4096x1024xf32, #tpu.memory_space<hbm>> -> memref<1x1024x1024xf32, #tpu.memory_space<hbm>>
    %dma_start3A_432 = tpu.memref_squeeze %dma_start3A_431 : memref<1x1024x1024xf32, #tpu.memory_space<hbm>> -> memref<1024x1024xf32, #tpu.memory_space<hbm>>
    tpu.enqueue_dma source(%dma_start3A_432 : memref<1024x1024xf32, #tpu.memory_space<hbm>>) target(%dma_start3A_428 : memref<1024x1024xf32, #tpu.memory_space<vmem>>) target_semaphore(%dma_start3A_424 : memref<!tpu.dma_semaphore, #tpu.memory_space<semaphore_mem>>)
    %dma_wait3A_433 = arith.constant 4 : i32
    %dma_wait3A_434 = arith.constant 1 : i32
    %dma_wait3A_435 = arith.constant 4 : i32
    %dma_wait3A_436 = tpu.memref_slice %arg5[%dma_wait3A_435] : memref<8x!tpu.dma_semaphore, #tpu.memory_space<semaphore_mem>> -> memref<1x!tpu.dma_semaphore, #tpu.memory_space<semaphore_mem>>
    %dma_wait3A_437 = tpu.memref_squeeze %dma_wait3A_436 : memref<1x!tpu.dma_semaphore, #tpu.memory_space<semaphore_mem>> -> memref<!tpu.dma_semaphore, #tpu.memory_space<semaphore_mem>>
    %dma_wait3A_438 = arith.constant 0 : i32
    %dma_wait3A_439 = arith.constant 0 : i32
    %dma_wait3A_440 = tpu.memref_slice %arg2[%dma_wait3A_434, %dma_wait3A_438, %dma_wait3A_439] : memref<8x4096x1024xf32, #tpu.memory_space<hbm>> -> memref<1x1024x1024xf32, #tpu.memory_space<hbm>>
    %dma_wait3A_441 = tpu.memref_squeeze %dma_wait3A_440 : memref<1x1024x1024xf32, #tpu.memory_space<hbm>> -> memref<1024x1024xf32, #tpu.memory_space<hbm>>
    %dma_wait3A_442 = arith.constant 0 : i32
    %dma_wait3A_443 = arith.constant 0 : i32
    %dma_wait3A_444 = tpu.memref_slice %arg3[%dma_wait3A_433, %dma_wait3A_442, %dma_wait3A_443] : memref<8x1024x1024xf32, #tpu.memory_space<vmem>> -> memref<1x1024x1024xf32, #tpu.memory_space<vmem>>
    %dma_wait3A_445 = tpu.memref_squeeze %dma_wait3A_444 : memref<1x1024x1024xf32, #tpu.memory_space<vmem>> -> memref<1024x1024xf32, #tpu.memory_space<vmem>>
    tpu.wait_dma2 semaphore(%dma_wait3A_437 : memref<!tpu.dma_semaphore, #tpu.memory_space<semaphore_mem>>) src(%dma_wait3A_445 : memref<1024x1024xf32, #tpu.memory_space<vmem>>) dst(%dma_wait3A_441 : memref<1024x1024xf32, #tpu.memory_space<hbm>>)
    %get3A_446 = arith.constant 3 : index
    %get3A_447 = memref.load %arg0[%get3A_446] : memref<8xi32, #tpu.memory_space<smem>>
    %dma_start3A_448 = arith.constant 4 : i32
    %dma_start3A_449 = arith.constant 4 : i32
    %dma_start3A_450 = tpu.memref_slice %arg4[%dma_start3A_449] : memref<8x!tpu.dma_semaphore, #tpu.memory_space<semaphore_mem>> -> memref<1x!tpu.dma_semaphore, #tpu.memory_space<semaphore_mem>>
    %dma_start3A_451 = tpu.memref_squeeze %dma_start3A_450 : memref<1x!tpu.dma_semaphore, #tpu.memory_space<semaphore_mem>> -> memref<!tpu.dma_semaphore, #tpu.memory_space<semaphore_mem>>
    %dma_start3A_452 = arith.constant 0 : i32
    %dma_start3A_453 = arith.constant 0 : i32
    %dma_start3A_454 = tpu.memref_slice %arg3[%dma_start3A_448, %dma_start3A_452, %dma_start3A_453] : memref<8x1024x1024xf32, #tpu.memory_space<vmem>> -> memref<1x1024x1024xf32, #tpu.memory_space<vmem>>
    %dma_start3A_455 = tpu.memref_squeeze %dma_start3A_454 : memref<1x1024x1024xf32, #tpu.memory_space<vmem>> -> memref<1024x1024xf32, #tpu.memory_space<vmem>>
    %dma_start3A_456 = arith.constant 0 : i32
    %dma_start3A_457 = arith.constant 0 : i32
    %dma_start3A_458 = tpu.memref_slice %arg1[%get3A_447, %dma_start3A_456, %dma_start3A_457] : memref<16x4096x1024xf32, #tpu.memory_space<hbm>> -> memref<1x1024x1024xf32, #tpu.memory_space<hbm>>
    %dma_start3A_459 = tpu.memref_squeeze %dma_start3A_458 : memref<1x1024x1024xf32, #tpu.memory_space<hbm>> -> memref<1024x1024xf32, #tpu.memory_space<hbm>>
    tpu.enqueue_dma source(%dma_start3A_459 : memref<1024x1024xf32, #tpu.memory_space<hbm>>) target(%dma_start3A_455 : memref<1024x1024xf32, #tpu.memory_space<vmem>>) target_semaphore(%dma_start3A_451 : memref<!tpu.dma_semaphore, #tpu.memory_space<semaphore_mem>>)
    %dma_wait3A_460 = arith.constant 5 : i32
    %dma_wait3A_461 = arith.constant 1 : i32
    %dma_wait3A_462 = arith.constant 5 : i32
    %dma_wait3A_463 = tpu.memref_slice %arg5[%dma_wait3A_462] : memref<8x!tpu.dma_semaphore, #tpu.memory_space<semaphore_mem>> -> memref<1x!tpu.dma_semaphore, #tpu.memory_space<semaphore_mem>>
    %dma_wait3A_464 = tpu.memref_squeeze %dma_wait3A_463 : memref<1x!tpu.dma_semaphore, #tpu.memory_space<semaphore_mem>> -> memref<!tpu.dma_semaphore, #tpu.memory_space<semaphore_mem>>
    %dma_wait3A_465 = arith.constant 1024 : i32
    %dma_wait3A_466 = arith.constant 0 : i32
    %dma_wait3A_467 = tpu.memref_slice %arg2[%dma_wait3A_461, %dma_wait3A_465, %dma_wait3A_466] : memref<8x4096x1024xf32, #tpu.memory_space<hbm>> -> memref<1x1024x1024xf32, #tpu.memory_space<hbm>>
    %dma_wait3A_468 = tpu.memref_squeeze %dma_wait3A_467 : memref<1x1024x1024xf32, #tpu.memory_space<hbm>> -> memref<1024x1024xf32, #tpu.memory_space<hbm>>
    %dma_wait3A_469 = arith.constant 0 : i32
    %dma_wait3A_470 = arith.constant 0 : i32
    %dma_wait3A_471 = tpu.memref_slice %arg3[%dma_wait3A_460, %dma_wait3A_469, %dma_wait3A_470] : memref<8x1024x1024xf32, #tpu.memory_space<vmem>> -> memref<1x1024x1024xf32, #tpu.memory_space<vmem>>
    %dma_wait3A_472 = tpu.memref_squeeze %dma_wait3A_471 : memref<1x1024x1024xf32, #tpu.memory_space<vmem>> -> memref<1024x1024xf32, #tpu.memory_space<vmem>>
    tpu.wait_dma2 semaphore(%dma_wait3A_464 : memref<!tpu.dma_semaphore, #tpu.memory_space<semaphore_mem>>) src(%dma_wait3A_472 : memref<1024x1024xf32, #tpu.memory_space<vmem>>) dst(%dma_wait3A_468 : memref<1024x1024xf32, #tpu.memory_space<hbm>>)
    %get3A_473 = arith.constant 3 : index
    %get3A_474 = memref.load %arg0[%get3A_473] : memref<8xi32, #tpu.memory_space<smem>>
    %dma_start3A_475 = arith.constant 5 : i32
    %dma_start3A_476 = arith.constant 5 : i32
    %dma_start3A_477 = tpu.memref_slice %arg4[%dma_start3A_476] : memref<8x!tpu.dma_semaphore, #tpu.memory_space<semaphore_mem>> -> memref<1x!tpu.dma_semaphore, #tpu.memory_space<semaphore_mem>>
    %dma_start3A_478 = tpu.memref_squeeze %dma_start3A_477 : memref<1x!tpu.dma_semaphore, #tpu.memory_space<semaphore_mem>> -> memref<!tpu.dma_semaphore, #tpu.memory_space<semaphore_mem>>
    %dma_start3A_479 = arith.constant 0 : i32
    %dma_start3A_480 = arith.constant 0 : i32
    %dma_start3A_481 = tpu.memref_slice %arg3[%dma_start3A_475, %dma_start3A_479, %dma_start3A_480] : memref<8x1024x1024xf32, #tpu.memory_space<vmem>> -> memref<1x1024x1024xf32, #tpu.memory_space<vmem>>
    %dma_start3A_482 = tpu.memref_squeeze %dma_start3A_481 : memref<1x1024x1024xf32, #tpu.memory_space<vmem>> -> memref<1024x1024xf32, #tpu.memory_space<vmem>>
    %dma_start3A_483 = arith.constant 1024 : i32
    %dma_start3A_484 = arith.constant 0 : i32
    %dma_start3A_485 = tpu.memref_slice %arg1[%get3A_474, %dma_start3A_483, %dma_start3A_484] : memref<16x4096x1024xf32, #tpu.memory_space<hbm>> -> memref<1x1024x1024xf32, #tpu.memory_space<hbm>>
    %dma_start3A_486 = tpu.memref_squeeze %dma_start3A_485 : memref<1x1024x1024xf32, #tpu.memory_space<hbm>> -> memref<1024x1024xf32, #tpu.memory_space<hbm>>
    tpu.enqueue_dma source(%dma_start3A_486 : memref<1024x1024xf32, #tpu.memory_space<hbm>>) target(%dma_start3A_482 : memref<1024x1024xf32, #tpu.memory_space<vmem>>) target_semaphore(%dma_start3A_478 : memref<!tpu.dma_semaphore, #tpu.memory_space<semaphore_mem>>)
    %dma_wait3A_487 = arith.constant 6 : i32
    %dma_wait3A_488 = arith.constant 1 : i32
    %dma_wait3A_489 = arith.constant 6 : i32
    %dma_wait3A_490 = tpu.memref_slice %arg5[%dma_wait3A_489] : memref<8x!tpu.dma_semaphore, #tpu.memory_space<semaphore_mem>> -> memref<1x!tpu.dma_semaphore, #tpu.memory_space<semaphore_mem>>
    %dma_wait3A_491 = tpu.memref_squeeze %dma_wait3A_490 : memref<1x!tpu.dma_semaphore, #tpu.memory_space<semaphore_mem>> -> memref<!tpu.dma_semaphore, #tpu.memory_space<semaphore_mem>>
    %dma_wait3A_492 = arith.constant 2048 : i32
    %dma_wait3A_493 = arith.constant 0 : i32
    %dma_wait3A_494 = tpu.memref_slice %arg2[%dma_wait3A_488, %dma_wait3A_492, %dma_wait3A_493] : memref<8x4096x1024xf32, #tpu.memory_space<hbm>> -> memref<1x1024x1024xf32, #tpu.memory_space<hbm>>
    %dma_wait3A_495 = tpu.memref_squeeze %dma_wait3A_494 : memref<1x1024x1024xf32, #tpu.memory_space<hbm>> -> memref<1024x1024xf32, #tpu.memory_space<hbm>>
    %dma_wait3A_496 = arith.constant 0 : i32
    %dma_wait3A_497 = arith.constant 0 : i32
    %dma_wait3A_498 = tpu.memref_slice %arg3[%dma_wait3A_487, %dma_wait3A_496, %dma_wait3A_497] : memref<8x1024x1024xf32, #tpu.memory_space<vmem>> -> memref<1x1024x1024xf32, #tpu.memory_space<vmem>>
    %dma_wait3A_499 = tpu.memref_squeeze %dma_wait3A_498 : memref<1x1024x1024xf32, #tpu.memory_space<vmem>> -> memref<1024x1024xf32, #tpu.memory_space<vmem>>
    tpu.wait_dma2 semaphore(%dma_wait3A_491 : memref<!tpu.dma_semaphore, #tpu.memory_space<semaphore_mem>>) src(%dma_wait3A_499 : memref<1024x1024xf32, #tpu.memory_space<vmem>>) dst(%dma_wait3A_495 : memref<1024x1024xf32, #tpu.memory_space<hbm>>)
    %get3A_500 = arith.constant 3 : index
    %get3A_501 = memref.load %arg0[%get3A_500] : memref<8xi32, #tpu.memory_space<smem>>
    %dma_start3A_502 = arith.constant 6 : i32
    %dma_start3A_503 = arith.constant 6 : i32
    %dma_start3A_504 = tpu.memref_slice %arg4[%dma_start3A_503] : memref<8x!tpu.dma_semaphore, #tpu.memory_space<semaphore_mem>> -> memref<1x!tpu.dma_semaphore, #tpu.memory_space<semaphore_mem>>
    %dma_start3A_505 = tpu.memref_squeeze %dma_start3A_504 : memref<1x!tpu.dma_semaphore, #tpu.memory_space<semaphore_mem>> -> memref<!tpu.dma_semaphore, #tpu.memory_space<semaphore_mem>>
    %dma_start3A_506 = arith.constant 0 : i32
    %dma_start3A_507 = arith.constant 0 : i32
    %dma_start3A_508 = tpu.memref_slice %arg3[%dma_start3A_502, %dma_start3A_506, %dma_start3A_507] : memref<8x1024x1024xf32, #tpu.memory_space<vmem>> -> memref<1x1024x1024xf32, #tpu.memory_space<vmem>>
    %dma_start3A_509 = tpu.memref_squeeze %dma_start3A_508 : memref<1x1024x1024xf32, #tpu.memory_space<vmem>> -> memref<1024x1024xf32, #tpu.memory_space<vmem>>
    %dma_start3A_510 = arith.constant 2048 : i32
    %dma_start3A_511 = arith.constant 0 : i32
    %dma_start3A_512 = tpu.memref_slice %arg1[%get3A_501, %dma_start3A_510, %dma_start3A_511] : memref<16x4096x1024xf32, #tpu.memory_space<hbm>> -> memref<1x1024x1024xf32, #tpu.memory_space<hbm>>
    %dma_start3A_513 = tpu.memref_squeeze %dma_start3A_512 : memref<1x1024x1024xf32, #tpu.memory_space<hbm>> -> memref<1024x1024xf32, #tpu.memory_space<hbm>>
    tpu.enqueue_dma source(%dma_start3A_513 : memref<1024x1024xf32, #tpu.memory_space<hbm>>) target(%dma_start3A_509 : memref<1024x1024xf32, #tpu.memory_space<vmem>>) target_semaphore(%dma_start3A_505 : memref<!tpu.dma_semaphore, #tpu.memory_space<semaphore_mem>>)
    %dma_wait3A_514 = arith.constant 7 : i32
    %dma_wait3A_515 = arith.constant 1 : i32
    %dma_wait3A_516 = arith.constant 7 : i32
    %dma_wait3A_517 = tpu.memref_slice %arg5[%dma_wait3A_516] : memref<8x!tpu.dma_semaphore, #tpu.memory_space<semaphore_mem>> -> memref<1x!tpu.dma_semaphore, #tpu.memory_space<semaphore_mem>>
    %dma_wait3A_518 = tpu.memref_squeeze %dma_wait3A_517 : memref<1x!tpu.dma_semaphore, #tpu.memory_space<semaphore_mem>> -> memref<!tpu.dma_semaphore, #tpu.memory_space<semaphore_mem>>
    %dma_wait3A_519 = arith.constant 3072 : i32
    %dma_wait3A_520 = arith.constant 0 : i32
    %dma_wait3A_521 = tpu.memref_slice %arg2[%dma_wait3A_515, %dma_wait3A_519, %dma_wait3A_520] : memref<8x4096x1024xf32, #tpu.memory_space<hbm>> -> memref<1x1024x1024xf32, #tpu.memory_space<hbm>>
    %dma_wait3A_522 = tpu.memref_squeeze %dma_wait3A_521 : memref<1x1024x1024xf32, #tpu.memory_space<hbm>> -> memref<1024x1024xf32, #tpu.memory_space<hbm>>
    %dma_wait3A_523 = arith.constant 0 : i32
    %dma_wait3A_524 = arith.constant 0 : i32
    %dma_wait3A_525 = tpu.memref_slice %arg3[%dma_wait3A_514, %dma_wait3A_523, %dma_wait3A_524] : memref<8x1024x1024xf32, #tpu.memory_space<vmem>> -> memref<1x1024x1024xf32, #tpu.memory_space<vmem>>
    %dma_wait3A_526 = tpu.memref_squeeze %dma_wait3A_525 : memref<1x1024x1024xf32, #tpu.memory_space<vmem>> -> memref<1024x1024xf32, #tpu.memory_space<vmem>>
    tpu.wait_dma2 semaphore(%dma_wait3A_518 : memref<!tpu.dma_semaphore, #tpu.memory_space<semaphore_mem>>) src(%dma_wait3A_526 : memref<1024x1024xf32, #tpu.memory_space<vmem>>) dst(%dma_wait3A_522 : memref<1024x1024xf32, #tpu.memory_space<hbm>>)
    %get3A_527 = arith.constant 3 : index
    %get3A_528 = memref.load %arg0[%get3A_527] : memref<8xi32, #tpu.memory_space<smem>>
    %dma_start3A_529 = arith.constant 7 : i32
    %dma_start3A_530 = arith.constant 7 : i32
    %dma_start3A_531 = tpu.memref_slice %arg4[%dma_start3A_530] : memref<8x!tpu.dma_semaphore, #tpu.memory_space<semaphore_mem>> -> memref<1x!tpu.dma_semaphore, #tpu.memory_space<semaphore_mem>>
    %dma_start3A_532 = tpu.memref_squeeze %dma_start3A_531 : memref<1x!tpu.dma_semaphore, #tpu.memory_space<semaphore_mem>> -> memref<!tpu.dma_semaphore, #tpu.memory_space<semaphore_mem>>
    %dma_start3A_533 = arith.constant 0 : i32
    %dma_start3A_534 = arith.constant 0 : i32
    %dma_start3A_535 = tpu.memref_slice %arg3[%dma_start3A_529, %dma_start3A_533, %dma_start3A_534] : memref<8x1024x1024xf32, #tpu.memory_space<vmem>> -> memref<1x1024x1024xf32, #tpu.memory_space<vmem>>
    %dma_start3A_536 = tpu.memref_squeeze %dma_start3A_535 : memref<1x1024x1024xf32, #tpu.memory_space<vmem>> -> memref<1024x1024xf32, #tpu.memory_space<vmem>>
    %dma_start3A_537 = arith.constant 3072 : i32
    %dma_start3A_538 = arith.constant 0 : i32
    %dma_start3A_539 = tpu.memref_slice %arg1[%get3A_528, %dma_start3A_537, %dma_start3A_538] : memref<16x4096x1024xf32, #tpu.memory_space<hbm>> -> memref<1x1024x1024xf32, #tpu.memory_space<hbm>>
    %dma_start3A_540 = tpu.memref_squeeze %dma_start3A_539 : memref<1x1024x1024xf32, #tpu.memory_space<hbm>> -> memref<1024x1024xf32, #tpu.memory_space<hbm>>
    tpu.enqueue_dma source(%dma_start3A_540 : memref<1024x1024xf32, #tpu.memory_space<hbm>>) target(%dma_start3A_536 : memref<1024x1024xf32, #tpu.memory_space<vmem>>) target_semaphore(%dma_start3A_532 : memref<!tpu.dma_semaphore, #tpu.memory_space<semaphore_mem>>)
    %get3A_541 = arith.constant 2 : index
    %get3A_542 = memref.load %arg0[%get3A_541] : memref<8xi32, #tpu.memory_space<smem>>
    %dma_wait3A_543 = arith.constant 0 : i32
    %dma_wait3A_544 = arith.constant 0 : i32
    %dma_wait3A_545 = tpu.memref_slice %arg4[%dma_wait3A_544] : memref<8x!tpu.dma_semaphore, #tpu.memory_space<semaphore_mem>> -> memref<1x!tpu.dma_semaphore, #tpu.memory_space<semaphore_mem>>
    %dma_wait3A_546 = tpu.memref_squeeze %dma_wait3A_545 : memref<1x!tpu.dma_semaphore, #tpu.memory_space<semaphore_mem>> -> memref<!tpu.dma_semaphore, #tpu.memory_space<semaphore_mem>>
    %dma_wait3A_547 = arith.constant 0 : i32
    %dma_wait3A_548 = arith.constant 0 : i32
    %dma_wait3A_549 = tpu.memref_slice %arg3[%dma_wait3A_543, %dma_wait3A_547, %dma_wait3A_548] : memref<8x1024x1024xf32, #tpu.memory_space<vmem>> -> memref<1x1024x1024xf32, #tpu.memory_space<vmem>>
    %dma_wait3A_550 = tpu.memref_squeeze %dma_wait3A_549 : memref<1x1024x1024xf32, #tpu.memory_space<vmem>> -> memref<1024x1024xf32, #tpu.memory_space<vmem>>
    %dma_wait3A_551 = arith.constant 0 : i32
    %dma_wait3A_552 = arith.constant 0 : i32
    %dma_wait3A_553 = tpu.memref_slice %arg1[%get3A_542, %dma_wait3A_551, %dma_wait3A_552] : memref<16x4096x1024xf32, #tpu.memory_space<hbm>> -> memref<1x1024x1024xf32, #tpu.memory_space<hbm>>
    %dma_wait3A_554 = tpu.memref_squeeze %dma_wait3A_553 : memref<1x1024x1024xf32, #tpu.memory_space<hbm>> -> memref<1024x1024xf32, #tpu.memory_space<hbm>>
    tpu.wait_dma2 semaphore(%dma_wait3A_546 : memref<!tpu.dma_semaphore, #tpu.memory_space<semaphore_mem>>) src(%dma_wait3A_554 : memref<1024x1024xf32, #tpu.memory_space<hbm>>) dst(%dma_wait3A_550 : memref<1024x1024xf32, #tpu.memory_space<vmem>>)
    %dma_start3A_555 = arith.constant 0 : i32
    %dma_start3A_556 = arith.constant 2 : i32
    %dma_start3A_557 = arith.constant 0 : i32
    %dma_start3A_558 = tpu.memref_slice %arg5[%dma_start3A_557] : memref<8x!tpu.dma_semaphore, #tpu.memory_space<semaphore_mem>> -> memref<1x!tpu.dma_semaphore, #tpu.memory_space<semaphore_mem>>
    %dma_start3A_559 = tpu.memref_squeeze %dma_start3A_558 : memref<1x!tpu.dma_semaphore, #tpu.memory_space<semaphore_mem>> -> memref<!tpu.dma_semaphore, #tpu.memory_space<semaphore_mem>>
    %dma_start3A_560 = arith.constant 0 : i32
    %dma_start3A_561 = arith.constant 0 : i32
    %dma_start3A_562 = tpu.memref_slice %arg2[%dma_start3A_556, %dma_start3A_560, %dma_start3A_561] : memref<8x4096x1024xf32, #tpu.memory_space<hbm>> -> memref<1x1024x1024xf32, #tpu.memory_space<hbm>>
    %dma_start3A_563 = tpu.memref_squeeze %dma_start3A_562 : memref<1x1024x1024xf32, #tpu.memory_space<hbm>> -> memref<1024x1024xf32, #tpu.memory_space<hbm>>
    %dma_start3A_564 = arith.constant 0 : i32
    %dma_start3A_565 = arith.constant 0 : i32
    %dma_start3A_566 = tpu.memref_slice %arg3[%dma_start3A_555, %dma_start3A_564, %dma_start3A_565] : memref<8x1024x1024xf32, #tpu.memory_space<vmem>> -> memref<1x1024x1024xf32, #tpu.memory_space<vmem>>
    %dma_start3A_567 = tpu.memref_squeeze %dma_start3A_566 : memref<1x1024x1024xf32, #tpu.memory_space<vmem>> -> memref<1024x1024xf32, #tpu.memory_space<vmem>>
    tpu.enqueue_dma source(%dma_start3A_567 : memref<1024x1024xf32, #tpu.memory_space<vmem>>) target(%dma_start3A_563 : memref<1024x1024xf32, #tpu.memory_space<hbm>>) target_semaphore(%dma_start3A_559 : memref<!tpu.dma_semaphore, #tpu.memory_space<semaphore_mem>>)
    %get3A_568 = arith.constant 2 : index
    %get3A_569 = memref.load %arg0[%get3A_568] : memref<8xi32, #tpu.memory_space<smem>>
    %dma_wait3A_570 = arith.constant 1 : i32
    %dma_wait3A_571 = arith.constant 1 : i32
    %dma_wait3A_572 = tpu.memref_slice %arg4[%dma_wait3A_571] : memref<8x!tpu.dma_semaphore, #tpu.memory_space<semaphore_mem>> -> memref<1x!tpu.dma_semaphore, #tpu.memory_space<semaphore_mem>>
    %dma_wait3A_573 = tpu.memref_squeeze %dma_wait3A_572 : memref<1x!tpu.dma_semaphore, #tpu.memory_space<semaphore_mem>> -> memref<!tpu.dma_semaphore, #tpu.memory_space<semaphore_mem>>
    %dma_wait3A_574 = arith.constant 0 : i32
    %dma_wait3A_575 = arith.constant 0 : i32
    %dma_wait3A_576 = tpu.memref_slice %arg3[%dma_wait3A_570, %dma_wait3A_574, %dma_wait3A_575] : memref<8x1024x1024xf32, #tpu.memory_space<vmem>> -> memref<1x1024x1024xf32, #tpu.memory_space<vmem>>
    %dma_wait3A_577 = tpu.memref_squeeze %dma_wait3A_576 : memref<1x1024x1024xf32, #tpu.memory_space<vmem>> -> memref<1024x1024xf32, #tpu.memory_space<vmem>>
    %dma_wait3A_578 = arith.constant 1024 : i32
    %dma_wait3A_579 = arith.constant 0 : i32
    %dma_wait3A_580 = tpu.memref_slice %arg1[%get3A_569, %dma_wait3A_578, %dma_wait3A_579] : memref<16x4096x1024xf32, #tpu.memory_space<hbm>> -> memref<1x1024x1024xf32, #tpu.memory_space<hbm>>
    %dma_wait3A_581 = tpu.memref_squeeze %dma_wait3A_580 : memref<1x1024x1024xf32, #tpu.memory_space<hbm>> -> memref<1024x1024xf32, #tpu.memory_space<hbm>>
    tpu.wait_dma2 semaphore(%dma_wait3A_573 : memref<!tpu.dma_semaphore, #tpu.memory_space<semaphore_mem>>) src(%dma_wait3A_581 : memref<1024x1024xf32, #tpu.memory_space<hbm>>) dst(%dma_wait3A_577 : memref<1024x1024xf32, #tpu.memory_space<vmem>>)
    %dma_start3A_582 = arith.constant 1 : i32
    %dma_start3A_583 = arith.constant 2 : i32
    %dma_start3A_584 = arith.constant 1 : i32
    %dma_start3A_585 = tpu.memref_slice %arg5[%dma_start3A_584] : memref<8x!tpu.dma_semaphore, #tpu.memory_space<semaphore_mem>> -> memref<1x!tpu.dma_semaphore, #tpu.memory_space<semaphore_mem>>
    %dma_start3A_586 = tpu.memref_squeeze %dma_start3A_585 : memref<1x!tpu.dma_semaphore, #tpu.memory_space<semaphore_mem>> -> memref<!tpu.dma_semaphore, #tpu.memory_space<semaphore_mem>>
    %dma_start3A_587 = arith.constant 1024 : i32
    %dma_start3A_588 = arith.constant 0 : i32
    %dma_start3A_589 = tpu.memref_slice %arg2[%dma_start3A_583, %dma_start3A_587, %dma_start3A_588] : memref<8x4096x1024xf32, #tpu.memory_space<hbm>> -> memref<1x1024x1024xf32, #tpu.memory_space<hbm>>
    %dma_start3A_590 = tpu.memref_squeeze %dma_start3A_589 : memref<1x1024x1024xf32, #tpu.memory_space<hbm>> -> memref<1024x1024xf32, #tpu.memory_space<hbm>>
    %dma_start3A_591 = arith.constant 0 : i32
    %dma_start3A_592 = arith.constant 0 : i32
    %dma_start3A_593 = tpu.memref_slice %arg3[%dma_start3A_582, %dma_start3A_591, %dma_start3A_592] : memref<8x1024x1024xf32, #tpu.memory_space<vmem>> -> memref<1x1024x1024xf32, #tpu.memory_space<vmem>>
    %dma_start3A_594 = tpu.memref_squeeze %dma_start3A_593 : memref<1x1024x1024xf32, #tpu.memory_space<vmem>> -> memref<1024x1024xf32, #tpu.memory_space<vmem>>
    tpu.enqueue_dma source(%dma_start3A_594 : memref<1024x1024xf32, #tpu.memory_space<vmem>>) target(%dma_start3A_590 : memref<1024x1024xf32, #tpu.memory_space<hbm>>) target_semaphore(%dma_start3A_586 : memref<!tpu.dma_semaphore, #tpu.memory_space<semaphore_mem>>)
    %get3A_595 = arith.constant 2 : index
    %get3A_596 = memref.load %arg0[%get3A_595] : memref<8xi32, #tpu.memory_space<smem>>
    %dma_wait3A_597 = arith.constant 2 : i32
    %dma_wait3A_598 = arith.constant 2 : i32
    %dma_wait3A_599 = tpu.memref_slice %arg4[%dma_wait3A_598] : memref<8x!tpu.dma_semaphore, #tpu.memory_space<semaphore_mem>> -> memref<1x!tpu.dma_semaphore, #tpu.memory_space<semaphore_mem>>
    %dma_wait3A_600 = tpu.memref_squeeze %dma_wait3A_599 : memref<1x!tpu.dma_semaphore, #tpu.memory_space<semaphore_mem>> -> memref<!tpu.dma_semaphore, #tpu.memory_space<semaphore_mem>>
    %dma_wait3A_601 = arith.constant 0 : i32
    %dma_wait3A_602 = arith.constant 0 : i32
    %dma_wait3A_603 = tpu.memref_slice %arg3[%dma_wait3A_597, %dma_wait3A_601, %dma_wait3A_602] : memref<8x1024x1024xf32, #tpu.memory_space<vmem>> -> memref<1x1024x1024xf32, #tpu.memory_space<vmem>>
    %dma_wait3A_604 = tpu.memref_squeeze %dma_wait3A_603 : memref<1x1024x1024xf32, #tpu.memory_space<vmem>> -> memref<1024x1024xf32, #tpu.memory_space<vmem>>
    %dma_wait3A_605 = arith.constant 2048 : i32
    %dma_wait3A_606 = arith.constant 0 : i32
    %dma_wait3A_607 = tpu.memref_slice %arg1[%get3A_596, %dma_wait3A_605, %dma_wait3A_606] : memref<16x4096x1024xf32, #tpu.memory_space<hbm>> -> memref<1x1024x1024xf32, #tpu.memory_space<hbm>>
    %dma_wait3A_608 = tpu.memref_squeeze %dma_wait3A_607 : memref<1x1024x1024xf32, #tpu.memory_space<hbm>> -> memref<1024x1024xf32, #tpu.memory_space<hbm>>
    tpu.wait_dma2 semaphore(%dma_wait3A_600 : memref<!tpu.dma_semaphore, #tpu.memory_space<semaphore_mem>>) src(%dma_wait3A_608 : memref<1024x1024xf32, #tpu.memory_space<hbm>>) dst(%dma_wait3A_604 : memref<1024x1024xf32, #tpu.memory_space<vmem>>)
    %dma_start3A_609 = arith.constant 2 : i32
    %dma_start3A_610 = arith.constant 2 : i32
    %dma_start3A_611 = arith.constant 2 : i32
    %dma_start3A_612 = tpu.memref_slice %arg5[%dma_start3A_611] : memref<8x!tpu.dma_semaphore, #tpu.memory_space<semaphore_mem>> -> memref<1x!tpu.dma_semaphore, #tpu.memory_space<semaphore_mem>>
    %dma_start3A_613 = tpu.memref_squeeze %dma_start3A_612 : memref<1x!tpu.dma_semaphore, #tpu.memory_space<semaphore_mem>> -> memref<!tpu.dma_semaphore, #tpu.memory_space<semaphore_mem>>
    %dma_start3A_614 = arith.constant 2048 : i32
    %dma_start3A_615 = arith.constant 0 : i32
    %dma_start3A_616 = tpu.memref_slice %arg2[%dma_start3A_610, %dma_start3A_614, %dma_start3A_615] : memref<8x4096x1024xf32, #tpu.memory_space<hbm>> -> memref<1x1024x1024xf32, #tpu.memory_space<hbm>>
    %dma_start3A_617 = tpu.memref_squeeze %dma_start3A_616 : memref<1x1024x1024xf32, #tpu.memory_space<hbm>> -> memref<1024x1024xf32, #tpu.memory_space<hbm>>
    %dma_start3A_618 = arith.constant 0 : i32
    %dma_start3A_619 = arith.constant 0 : i32
    %dma_start3A_620 = tpu.memref_slice %arg3[%dma_start3A_609, %dma_start3A_618, %dma_start3A_619] : memref<8x1024x1024xf32, #tpu.memory_space<vmem>> -> memref<1x1024x1024xf32, #tpu.memory_space<vmem>>
    %dma_start3A_621 = tpu.memref_squeeze %dma_start3A_620 : memref<1x1024x1024xf32, #tpu.memory_space<vmem>> -> memref<1024x1024xf32, #tpu.memory_space<vmem>>
    tpu.enqueue_dma source(%dma_start3A_621 : memref<1024x1024xf32, #tpu.memory_space<vmem>>) target(%dma_start3A_617 : memref<1024x1024xf32, #tpu.memory_space<hbm>>) target_semaphore(%dma_start3A_613 : memref<!tpu.dma_semaphore, #tpu.memory_space<semaphore_mem>>)
    %get3A_622 = arith.constant 2 : index
    %get3A_623 = memref.load %arg0[%get3A_622] : memref<8xi32, #tpu.memory_space<smem>>
    %dma_wait3A_624 = arith.constant 3 : i32
    %dma_wait3A_625 = arith.constant 3 : i32
    %dma_wait3A_626 = tpu.memref_slice %arg4[%dma_wait3A_625] : memref<8x!tpu.dma_semaphore, #tpu.memory_space<semaphore_mem>> -> memref<1x!tpu.dma_semaphore, #tpu.memory_space<semaphore_mem>>
    %dma_wait3A_627 = tpu.memref_squeeze %dma_wait3A_626 : memref<1x!tpu.dma_semaphore, #tpu.memory_space<semaphore_mem>> -> memref<!tpu.dma_semaphore, #tpu.memory_space<semaphore_mem>>
    %dma_wait3A_628 = arith.constant 0 : i32
    %dma_wait3A_629 = arith.constant 0 : i32
    %dma_wait3A_630 = tpu.memref_slice %arg3[%dma_wait3A_624, %dma_wait3A_628, %dma_wait3A_629] : memref<8x1024x1024xf32, #tpu.memory_space<vmem>> -> memref<1x1024x1024xf32, #tpu.memory_space<vmem>>
    %dma_wait3A_631 = tpu.memref_squeeze %dma_wait3A_630 : memref<1x1024x1024xf32, #tpu.memory_space<vmem>> -> memref<1024x1024xf32, #tpu.memory_space<vmem>>
    %dma_wait3A_632 = arith.constant 3072 : i32
    %dma_wait3A_633 = arith.constant 0 : i32
    %dma_wait3A_634 = tpu.memref_slice %arg1[%get3A_623, %dma_wait3A_632, %dma_wait3A_633] : memref<16x4096x1024xf32, #tpu.memory_space<hbm>> -> memref<1x1024x1024xf32, #tpu.memory_space<hbm>>
    %dma_wait3A_635 = tpu.memref_squeeze %dma_wait3A_634 : memref<1x1024x1024xf32, #tpu.memory_space<hbm>> -> memref<1024x1024xf32, #tpu.memory_space<hbm>>
    tpu.wait_dma2 semaphore(%dma_wait3A_627 : memref<!tpu.dma_semaphore, #tpu.memory_space<semaphore_mem>>) src(%dma_wait3A_635 : memref<1024x1024xf32, #tpu.memory_space<hbm>>) dst(%dma_wait3A_631 : memref<1024x1024xf32, #tpu.memory_space<vmem>>)
    %dma_start3A_636 = arith.constant 3 : i32
    %dma_start3A_637 = arith.constant 2 : i32
    %dma_start3A_638 = arith.constant 3 : i32
    %dma_start3A_639 = tpu.memref_slice %arg5[%dma_start3A_638] : memref<8x!tpu.dma_semaphore, #tpu.memory_space<semaphore_mem>> -> memref<1x!tpu.dma_semaphore, #tpu.memory_space<semaphore_mem>>
    %dma_start3A_640 = tpu.memref_squeeze %dma_start3A_639 : memref<1x!tpu.dma_semaphore, #tpu.memory_space<semaphore_mem>> -> memref<!tpu.dma_semaphore, #tpu.memory_space<semaphore_mem>>
    %dma_start3A_641 = arith.constant 3072 : i32
    %dma_start3A_642 = arith.constant 0 : i32
    %dma_start3A_643 = tpu.memref_slice %arg2[%dma_start3A_637, %dma_start3A_641, %dma_start3A_642] : memref<8x4096x1024xf32, #tpu.memory_space<hbm>> -> memref<1x1024x1024xf32, #tpu.memory_space<hbm>>
    %dma_start3A_644 = tpu.memref_squeeze %dma_start3A_643 : memref<1x1024x1024xf32, #tpu.memory_space<hbm>> -> memref<1024x1024xf32, #tpu.memory_space<hbm>>
    %dma_start3A_645 = arith.constant 0 : i32
    %dma_start3A_646 = arith.constant 0 : i32
    %dma_start3A_647 = tpu.memref_slice %arg3[%dma_start3A_636, %dma_start3A_645, %dma_start3A_646] : memref<8x1024x1024xf32, #tpu.memory_space<vmem>> -> memref<1x1024x1024xf32, #tpu.memory_space<vmem>>
    %dma_start3A_648 = tpu.memref_squeeze %dma_start3A_647 : memref<1x1024x1024xf32, #tpu.memory_space<vmem>> -> memref<1024x1024xf32, #tpu.memory_space<vmem>>
    tpu.enqueue_dma source(%dma_start3A_648 : memref<1024x1024xf32, #tpu.memory_space<vmem>>) target(%dma_start3A_644 : memref<1024x1024xf32, #tpu.memory_space<hbm>>) target_semaphore(%dma_start3A_640 : memref<!tpu.dma_semaphore, #tpu.memory_space<semaphore_mem>>)
    %get3A_649 = arith.constant 3 : index
    %get3A_650 = memref.load %arg0[%get3A_649] : memref<8xi32, #tpu.memory_space<smem>>
    %dma_wait3A_651 = arith.constant 4 : i32
    %dma_wait3A_652 = arith.constant 4 : i32
    %dma_wait3A_653 = tpu.memref_slice %arg4[%dma_wait3A_652] : memref<8x!tpu.dma_semaphore, #tpu.memory_space<semaphore_mem>> -> memref<1x!tpu.dma_semaphore, #tpu.memory_space<semaphore_mem>>
    %dma_wait3A_654 = tpu.memref_squeeze %dma_wait3A_653 : memref<1x!tpu.dma_semaphore, #tpu.memory_space<semaphore_mem>> -> memref<!tpu.dma_semaphore, #tpu.memory_space<semaphore_mem>>
    %dma_wait3A_655 = arith.constant 0 : i32
    %dma_wait3A_656 = arith.constant 0 : i32
    %dma_wait3A_657 = tpu.memref_slice %arg3[%dma_wait3A_651, %dma_wait3A_655, %dma_wait3A_656] : memref<8x1024x1024xf32, #tpu.memory_space<vmem>> -> memref<1x1024x1024xf32, #tpu.memory_space<vmem>>
    %dma_wait3A_658 = tpu.memref_squeeze %dma_wait3A_657 : memref<1x1024x1024xf32, #tpu.memory_space<vmem>> -> memref<1024x1024xf32, #tpu.memory_space<vmem>>
    %dma_wait3A_659 = arith.constant 0 : i32
    %dma_wait3A_660 = arith.constant 0 : i32
    %dma_wait3A_661 = tpu.memref_slice %arg1[%get3A_650, %dma_wait3A_659, %dma_wait3A_660] : memref<16x4096x1024xf32, #tpu.memory_space<hbm>> -> memref<1x1024x1024xf32, #tpu.memory_space<hbm>>
    %dma_wait3A_662 = tpu.memref_squeeze %dma_wait3A_661 : memref<1x1024x1024xf32, #tpu.memory_space<hbm>> -> memref<1024x1024xf32, #tpu.memory_space<hbm>>
    tpu.wait_dma2 semaphore(%dma_wait3A_654 : memref<!tpu.dma_semaphore, #tpu.memory_space<semaphore_mem>>) src(%dma_wait3A_662 : memref<1024x1024xf32, #tpu.memory_space<hbm>>) dst(%dma_wait3A_658 : memref<1024x1024xf32, #tpu.memory_space<vmem>>)
    %dma_start3A_663 = arith.constant 4 : i32
    %dma_start3A_664 = arith.constant 3 : i32
    %dma_start3A_665 = arith.constant 4 : i32
    %dma_start3A_666 = tpu.memref_slice %arg5[%dma_start3A_665] : memref<8x!tpu.dma_semaphore, #tpu.memory_space<semaphore_mem>> -> memref<1x!tpu.dma_semaphore, #tpu.memory_space<semaphore_mem>>
    %dma_start3A_667 = tpu.memref_squeeze %dma_start3A_666 : memref<1x!tpu.dma_semaphore, #tpu.memory_space<semaphore_mem>> -> memref<!tpu.dma_semaphore, #tpu.memory_space<semaphore_mem>>
    %dma_start3A_668 = arith.constant 0 : i32
    %dma_start3A_669 = arith.constant 0 : i32
    %dma_start3A_670 = tpu.memref_slice %arg2[%dma_start3A_664, %dma_start3A_668, %dma_start3A_669] : memref<8x4096x1024xf32, #tpu.memory_space<hbm>> -> memref<1x1024x1024xf32, #tpu.memory_space<hbm>>
    %dma_start3A_671 = tpu.memref_squeeze %dma_start3A_670 : memref<1x1024x1024xf32, #tpu.memory_space<hbm>> -> memref<1024x1024xf32, #tpu.memory_space<hbm>>
    %dma_start3A_672 = arith.constant 0 : i32
    %dma_start3A_673 = arith.constant 0 : i32
    %dma_start3A_674 = tpu.memref_slice %arg3[%dma_start3A_663, %dma_start3A_672, %dma_start3A_673] : memref<8x1024x1024xf32, #tpu.memory_space<vmem>> -> memref<1x1024x1024xf32, #tpu.memory_space<vmem>>
    %dma_start3A_675 = tpu.memref_squeeze %dma_start3A_674 : memref<1x1024x1024xf32, #tpu.memory_space<vmem>> -> memref<1024x1024xf32, #tpu.memory_space<vmem>>
    tpu.enqueue_dma source(%dma_start3A_675 : memref<1024x1024xf32, #tpu.memory_space<vmem>>) target(%dma_start3A_671 : memref<1024x1024xf32, #tpu.memory_space<hbm>>) target_semaphore(%dma_start3A_667 : memref<!tpu.dma_semaphore, #tpu.memory_space<semaphore_mem>>)
    %get3A_676 = arith.constant 3 : index
    %get3A_677 = memref.load %arg0[%get3A_676] : memref<8xi32, #tpu.memory_space<smem>>
    %dma_wait3A_678 = arith.constant 5 : i32
    %dma_wait3A_679 = arith.constant 5 : i32
    %dma_wait3A_680 = tpu.memref_slice %arg4[%dma_wait3A_679] : memref<8x!tpu.dma_semaphore, #tpu.memory_space<semaphore_mem>> -> memref<1x!tpu.dma_semaphore, #tpu.memory_space<semaphore_mem>>
    %dma_wait3A_681 = tpu.memref_squeeze %dma_wait3A_680 : memref<1x!tpu.dma_semaphore, #tpu.memory_space<semaphore_mem>> -> memref<!tpu.dma_semaphore, #tpu.memory_space<semaphore_mem>>
    %dma_wait3A_682 = arith.constant 0 : i32
    %dma_wait3A_683 = arith.constant 0 : i32
    %dma_wait3A_684 = tpu.memref_slice %arg3[%dma_wait3A_678, %dma_wait3A_682, %dma_wait3A_683] : memref<8x1024x1024xf32, #tpu.memory_space<vmem>> -> memref<1x1024x1024xf32, #tpu.memory_space<vmem>>
    %dma_wait3A_685 = tpu.memref_squeeze %dma_wait3A_684 : memref<1x1024x1024xf32, #tpu.memory_space<vmem>> -> memref<1024x1024xf32, #tpu.memory_space<vmem>>
    %dma_wait3A_686 = arith.constant 1024 : i32
    %dma_wait3A_687 = arith.constant 0 : i32
    %dma_wait3A_688 = tpu.memref_slice %arg1[%get3A_677, %dma_wait3A_686, %dma_wait3A_687] : memref<16x4096x1024xf32, #tpu.memory_space<hbm>> -> memref<1x1024x1024xf32, #tpu.memory_space<hbm>>
    %dma_wait3A_689 = tpu.memref_squeeze %dma_wait3A_688 : memref<1x1024x1024xf32, #tpu.memory_space<hbm>> -> memref<1024x1024xf32, #tpu.memory_space<hbm>>
    tpu.wait_dma2 semaphore(%dma_wait3A_681 : memref<!tpu.dma_semaphore, #tpu.memory_space<semaphore_mem>>) src(%dma_wait3A_689 : memref<1024x1024xf32, #tpu.memory_space<hbm>>) dst(%dma_wait3A_685 : memref<1024x1024xf32, #tpu.memory_space<vmem>>)
    %dma_start3A_690 = arith.constant 5 : i32
    %dma_start3A_691 = arith.constant 3 : i32
    %dma_start3A_692 = arith.constant 5 : i32
    %dma_start3A_693 = tpu.memref_slice %arg5[%dma_start3A_692] : memref<8x!tpu.dma_semaphore, #tpu.memory_space<semaphore_mem>> -> memref<1x!tpu.dma_semaphore, #tpu.memory_space<semaphore_mem>>
    %dma_start3A_694 = tpu.memref_squeeze %dma_start3A_693 : memref<1x!tpu.dma_semaphore, #tpu.memory_space<semaphore_mem>> -> memref<!tpu.dma_semaphore, #tpu.memory_space<semaphore_mem>>
    %dma_start3A_695 = arith.constant 1024 : i32
    %dma_start3A_696 = arith.constant 0 : i32
    %dma_start3A_697 = tpu.memref_slice %arg2[%dma_start3A_691, %dma_start3A_695, %dma_start3A_696] : memref<8x4096x1024xf32, #tpu.memory_space<hbm>> -> memref<1x1024x1024xf32, #tpu.memory_space<hbm>>
    %dma_start3A_698 = tpu.memref_squeeze %dma_start3A_697 : memref<1x1024x1024xf32, #tpu.memory_space<hbm>> -> memref<1024x1024xf32, #tpu.memory_space<hbm>>
    %dma_start3A_699 = arith.constant 0 : i32
    %dma_start3A_700 = arith.constant 0 : i32
    %dma_start3A_701 = tpu.memref_slice %arg3[%dma_start3A_690, %dma_start3A_699, %dma_start3A_700] : memref<8x1024x1024xf32, #tpu.memory_space<vmem>> -> memref<1x1024x1024xf32, #tpu.memory_space<vmem>>
    %dma_start3A_702 = tpu.memref_squeeze %dma_start3A_701 : memref<1x1024x1024xf32, #tpu.memory_space<vmem>> -> memref<1024x1024xf32, #tpu.memory_space<vmem>>
    tpu.enqueue_dma source(%dma_start3A_702 : memref<1024x1024xf32, #tpu.memory_space<vmem>>) target(%dma_start3A_698 : memref<1024x1024xf32, #tpu.memory_space<hbm>>) target_semaphore(%dma_start3A_694 : memref<!tpu.dma_semaphore, #tpu.memory_space<semaphore_mem>>)
    %get3A_703 = arith.constant 3 : index
    %get3A_704 = memref.load %arg0[%get3A_703] : memref<8xi32, #tpu.memory_space<smem>>
    %dma_wait3A_705 = arith.constant 6 : i32
    %dma_wait3A_706 = arith.constant 6 : i32
    %dma_wait3A_707 = tpu.memref_slice %arg4[%dma_wait3A_706] : memref<8x!tpu.dma_semaphore, #tpu.memory_space<semaphore_mem>> -> memref<1x!tpu.dma_semaphore, #tpu.memory_space<semaphore_mem>>
    %dma_wait3A_708 = tpu.memref_squeeze %dma_wait3A_707 : memref<1x!tpu.dma_semaphore, #tpu.memory_space<semaphore_mem>> -> memref<!tpu.dma_semaphore, #tpu.memory_space<semaphore_mem>>
    %dma_wait3A_709 = arith.constant 0 : i32
    %dma_wait3A_710 = arith.constant 0 : i32
    %dma_wait3A_711 = tpu.memref_slice %arg3[%dma_wait3A_705, %dma_wait3A_709, %dma_wait3A_710] : memref<8x1024x1024xf32, #tpu.memory_space<vmem>> -> memref<1x1024x1024xf32, #tpu.memory_space<vmem>>
    %dma_wait3A_712 = tpu.memref_squeeze %dma_wait3A_711 : memref<1x1024x1024xf32, #tpu.memory_space<vmem>> -> memref<1024x1024xf32, #tpu.memory_space<vmem>>
    %dma_wait3A_713 = arith.constant 2048 : i32
    %dma_wait3A_714 = arith.constant 0 : i32
    %dma_wait3A_715 = tpu.memref_slice %arg1[%get3A_704, %dma_wait3A_713, %dma_wait3A_714] : memref<16x4096x1024xf32, #tpu.memory_space<hbm>> -> memref<1x1024x1024xf32, #tpu.memory_space<hbm>>
    %dma_wait3A_716 = tpu.memref_squeeze %dma_wait3A_715 : memref<1x1024x1024xf32, #tpu.memory_space<hbm>> -> memref<1024x1024xf32, #tpu.memory_space<hbm>>
    tpu.wait_dma2 semaphore(%dma_wait3A_708 : memref<!tpu.dma_semaphore, #tpu.memory_space<semaphore_mem>>) src(%dma_wait3A_716 : memref<1024x1024xf32, #tpu.memory_space<hbm>>) dst(%dma_wait3A_712 : memref<1024x1024xf32, #tpu.memory_space<vmem>>)
    %dma_start3A_717 = arith.constant 6 : i32
    %dma_start3A_718 = arith.constant 3 : i32
    %dma_start3A_719 = arith.constant 6 : i32
    %dma_start3A_720 = tpu.memref_slice %arg5[%dma_start3A_719] : memref<8x!tpu.dma_semaphore, #tpu.memory_space<semaphore_mem>> -> memref<1x!tpu.dma_semaphore, #tpu.memory_space<semaphore_mem>>
    %dma_start3A_721 = tpu.memref_squeeze %dma_start3A_720 : memref<1x!tpu.dma_semaphore, #tpu.memory_space<semaphore_mem>> -> memref<!tpu.dma_semaphore, #tpu.memory_space<semaphore_mem>>
    %dma_start3A_722 = arith.constant 2048 : i32
    %dma_start3A_723 = arith.constant 0 : i32
    %dma_start3A_724 = tpu.memref_slice %arg2[%dma_start3A_718, %dma_start3A_722, %dma_start3A_723] : memref<8x4096x1024xf32, #tpu.memory_space<hbm>> -> memref<1x1024x1024xf32, #tpu.memory_space<hbm>>
    %dma_start3A_725 = tpu.memref_squeeze %dma_start3A_724 : memref<1x1024x1024xf32, #tpu.memory_space<hbm>> -> memref<1024x1024xf32, #tpu.memory_space<hbm>>
    %dma_start3A_726 = arith.constant 0 : i32
    %dma_start3A_727 = arith.constant 0 : i32
    %dma_start3A_728 = tpu.memref_slice %arg3[%dma_start3A_717, %dma_start3A_726, %dma_start3A_727] : memref<8x1024x1024xf32, #tpu.memory_space<vmem>> -> memref<1x1024x1024xf32, #tpu.memory_space<vmem>>
    %dma_start3A_729 = tpu.memref_squeeze %dma_start3A_728 : memref<1x1024x1024xf32, #tpu.memory_space<vmem>> -> memref<1024x1024xf32, #tpu.memory_space<vmem>>
    tpu.enqueue_dma source(%dma_start3A_729 : memref<1024x1024xf32, #tpu.memory_space<vmem>>) target(%dma_start3A_725 : memref<1024x1024xf32, #tpu.memory_space<hbm>>) target_semaphore(%dma_start3A_721 : memref<!tpu.dma_semaphore, #tpu.memory_space<semaphore_mem>>)
    %get3A_730 = arith.constant 3 : index
    %get3A_731 = memref.load %arg0[%get3A_730] : memref<8xi32, #tpu.memory_space<smem>>
    %dma_wait3A_732 = arith.constant 7 : i32
    %dma_wait3A_733 = arith.constant 7 : i32
    %dma_wait3A_734 = tpu.memref_slice %arg4[%dma_wait3A_733] : memref<8x!tpu.dma_semaphore, #tpu.memory_space<semaphore_mem>> -> memref<1x!tpu.dma_semaphore, #tpu.memory_space<semaphore_mem>>
    %dma_wait3A_735 = tpu.memref_squeeze %dma_wait3A_734 : memref<1x!tpu.dma_semaphore, #tpu.memory_space<semaphore_mem>> -> memref<!tpu.dma_semaphore, #tpu.memory_space<semaphore_mem>>
    %dma_wait3A_736 = arith.constant 0 : i32
    %dma_wait3A_737 = arith.constant 0 : i32
    %dma_wait3A_738 = tpu.memref_slice %arg3[%dma_wait3A_732, %dma_wait3A_736, %dma_wait3A_737] : memref<8x1024x1024xf32, #tpu.memory_space<vmem>> -> memref<1x1024x1024xf32, #tpu.memory_space<vmem>>
    %dma_wait3A_739 = tpu.memref_squeeze %dma_wait3A_738 : memref<1x1024x1024xf32, #tpu.memory_space<vmem>> -> memref<1024x1024xf32, #tpu.memory_space<vmem>>
    %dma_wait3A_740 = arith.constant 3072 : i32
    %dma_wait3A_741 = arith.constant 0 : i32
    %dma_wait3A_742 = tpu.memref_slice %arg1[%get3A_731, %dma_wait3A_740, %dma_wait3A_741] : memref<16x4096x1024xf32, #tpu.memory_space<hbm>> -> memref<1x1024x1024xf32, #tpu.memory_space<hbm>>
    %dma_wait3A_743 = tpu.memref_squeeze %dma_wait3A_742 : memref<1x1024x1024xf32, #tpu.memory_space<hbm>> -> memref<1024x1024xf32, #tpu.memory_space<hbm>>
    tpu.wait_dma2 semaphore(%dma_wait3A_735 : memref<!tpu.dma_semaphore, #tpu.memory_space<semaphore_mem>>) src(%dma_wait3A_743 : memref<1024x1024xf32, #tpu.memory_space<hbm>>) dst(%dma_wait3A_739 : memref<1024x1024xf32, #tpu.memory_space<vmem>>)
    %dma_start3A_744 = arith.constant 7 : i32
    %dma_start3A_745 = arith.constant 3 : i32
    %dma_start3A_746 = arith.constant 7 : i32
    %dma_start3A_747 = tpu.memref_slice %arg5[%dma_start3A_746] : memref<8x!tpu.dma_semaphore, #tpu.memory_space<semaphore_mem>> -> memref<1x!tpu.dma_semaphore, #tpu.memory_space<semaphore_mem>>
    %dma_start3A_748 = tpu.memref_squeeze %dma_start3A_747 : memref<1x!tpu.dma_semaphore, #tpu.memory_space<semaphore_mem>> -> memref<!tpu.dma_semaphore, #tpu.memory_space<semaphore_mem>>
    %dma_start3A_749 = arith.constant 3072 : i32
    %dma_start3A_750 = arith.constant 0 : i32
    %dma_start3A_751 = tpu.memref_slice %arg2[%dma_start3A_745, %dma_start3A_749, %dma_start3A_750] : memref<8x4096x1024xf32, #tpu.memory_space<hbm>> -> memref<1x1024x1024xf32, #tpu.memory_space<hbm>>
    %dma_start3A_752 = tpu.memref_squeeze %dma_start3A_751 : memref<1x1024x1024xf32, #tpu.memory_space<hbm>> -> memref<1024x1024xf32, #tpu.memory_space<hbm>>
    %dma_start3A_753 = arith.constant 0 : i32
    %dma_start3A_754 = arith.constant 0 : i32
    %dma_start3A_755 = tpu.memref_slice %arg3[%dma_start3A_744, %dma_start3A_753, %dma_start3A_754] : memref<8x1024x1024xf32, #tpu.memory_space<vmem>> -> memref<1x1024x1024xf32, #tpu.memory_space<vmem>>
    %dma_start3A_756 = tpu.memref_squeeze %dma_start3A_755 : memref<1x1024x1024xf32, #tpu.memory_space<vmem>> -> memref<1024x1024xf32, #tpu.memory_space<vmem>>
    tpu.enqueue_dma source(%dma_start3A_756 : memref<1024x1024xf32, #tpu.memory_space<vmem>>) target(%dma_start3A_752 : memref<1024x1024xf32, #tpu.memory_space<hbm>>) target_semaphore(%dma_start3A_748 : memref<!tpu.dma_semaphore, #tpu.memory_space<semaphore_mem>>)
    %dma_wait3A_757 = arith.constant 0 : i32
    %dma_wait3A_758 = arith.constant 2 : i32
    %dma_wait3A_759 = arith.constant 0 : i32
    %dma_wait3A_760 = tpu.memref_slice %arg5[%dma_wait3A_759] : memref<8x!tpu.dma_semaphore, #tpu.memory_space<semaphore_mem>> -> memref<1x!tpu.dma_semaphore, #tpu.memory_space<semaphore_mem>>
    %dma_wait3A_761 = tpu.memref_squeeze %dma_wait3A_760 : memref<1x!tpu.dma_semaphore, #tpu.memory_space<semaphore_mem>> -> memref<!tpu.dma_semaphore, #tpu.memory_space<semaphore_mem>>
    %dma_wait3A_762 = arith.constant 0 : i32
    %dma_wait3A_763 = arith.constant 0 : i32
    %dma_wait3A_764 = tpu.memref_slice %arg2[%dma_wait3A_758, %dma_wait3A_762, %dma_wait3A_763] : memref<8x4096x1024xf32, #tpu.memory_space<hbm>> -> memref<1x1024x1024xf32, #tpu.memory_space<hbm>>
    %dma_wait3A_765 = tpu.memref_squeeze %dma_wait3A_764 : memref<1x1024x1024xf32, #tpu.memory_space<hbm>> -> memref<1024x1024xf32, #tpu.memory_space<hbm>>
    %dma_wait3A_766 = arith.constant 0 : i32
    %dma_wait3A_767 = arith.constant 0 : i32
    %dma_wait3A_768 = tpu.memref_slice %arg3[%dma_wait3A_757, %dma_wait3A_766, %dma_wait3A_767] : memref<8x1024x1024xf32, #tpu.memory_space<vmem>> -> memref<1x1024x1024xf32, #tpu.memory_space<vmem>>
    %dma_wait3A_769 = tpu.memref_squeeze %dma_wait3A_768 : memref<1x1024x1024xf32, #tpu.memory_space<vmem>> -> memref<1024x1024xf32, #tpu.memory_space<vmem>>
    tpu.wait_dma2 semaphore(%dma_wait3A_761 : memref<!tpu.dma_semaphore, #tpu.memory_space<semaphore_mem>>) src(%dma_wait3A_769 : memref<1024x1024xf32, #tpu.memory_space<vmem>>) dst(%dma_wait3A_765 : memref<1024x1024xf32, #tpu.memory_space<hbm>>)
    %get3A_770 = arith.constant 4 : index
    %get3A_771 = memref.load %arg0[%get3A_770] : memref<8xi32, #tpu.memory_space<smem>>
    %dma_start3A_772 = arith.constant 0 : i32
    %dma_start3A_773 = arith.constant 0 : i32
    %dma_start3A_774 = tpu.memref_slice %arg4[%dma_start3A_773] : memref<8x!tpu.dma_semaphore, #tpu.memory_space<semaphore_mem>> -> memref<1x!tpu.dma_semaphore, #tpu.memory_space<semaphore_mem>>
    %dma_start3A_775 = tpu.memref_squeeze %dma_start3A_774 : memref<1x!tpu.dma_semaphore, #tpu.memory_space<semaphore_mem>> -> memref<!tpu.dma_semaphore, #tpu.memory_space<semaphore_mem>>
    %dma_start3A_776 = arith.constant 0 : i32
    %dma_start3A_777 = arith.constant 0 : i32
    %dma_start3A_778 = tpu.memref_slice %arg3[%dma_start3A_772, %dma_start3A_776, %dma_start3A_777] : memref<8x1024x1024xf32, #tpu.memory_space<vmem>> -> memref<1x1024x1024xf32, #tpu.memory_space<vmem>>
    %dma_start3A_779 = tpu.memref_squeeze %dma_start3A_778 : memref<1x1024x1024xf32, #tpu.memory_space<vmem>> -> memref<1024x1024xf32, #tpu.memory_space<vmem>>
    %dma_start3A_780 = arith.constant 0 : i32
    %dma_start3A_781 = arith.constant 0 : i32
    %dma_start3A_782 = tpu.memref_slice %arg1[%get3A_771, %dma_start3A_780, %dma_start3A_781] : memref<16x4096x1024xf32, #tpu.memory_space<hbm>> -> memref<1x1024x1024xf32, #tpu.memory_space<hbm>>
    %dma_start3A_783 = tpu.memref_squeeze %dma_start3A_782 : memref<1x1024x1024xf32, #tpu.memory_space<hbm>> -> memref<1024x1024xf32, #tpu.memory_space<hbm>>
    tpu.enqueue_dma source(%dma_start3A_783 : memref<1024x1024xf32, #tpu.memory_space<hbm>>) target(%dma_start3A_779 : memref<1024x1024xf32, #tpu.memory_space<vmem>>) target_semaphore(%dma_start3A_775 : memref<!tpu.dma_semaphore, #tpu.memory_space<semaphore_mem>>)
    %dma_wait3A_784 = arith.constant 1 : i32
    %dma_wait3A_785 = arith.constant 2 : i32
    %dma_wait3A_786 = arith.constant 1 : i32
    %dma_wait3A_787 = tpu.memref_slice %arg5[%dma_wait3A_786] : memref<8x!tpu.dma_semaphore, #tpu.memory_space<semaphore_mem>> -> memref<1x!tpu.dma_semaphore, #tpu.memory_space<semaphore_mem>>
    %dma_wait3A_788 = tpu.memref_squeeze %dma_wait3A_787 : memref<1x!tpu.dma_semaphore, #tpu.memory_space<semaphore_mem>> -> memref<!tpu.dma_semaphore, #tpu.memory_space<semaphore_mem>>
    %dma_wait3A_789 = arith.constant 1024 : i32
    %dma_wait3A_790 = arith.constant 0 : i32
    %dma_wait3A_791 = tpu.memref_slice %arg2[%dma_wait3A_785, %dma_wait3A_789, %dma_wait3A_790] : memref<8x4096x1024xf32, #tpu.memory_space<hbm>> -> memref<1x1024x1024xf32, #tpu.memory_space<hbm>>
    %dma_wait3A_792 = tpu.memref_squeeze %dma_wait3A_791 : memref<1x1024x1024xf32, #tpu.memory_space<hbm>> -> memref<1024x1024xf32, #tpu.memory_space<hbm>>
    %dma_wait3A_793 = arith.constant 0 : i32
    %dma_wait3A_794 = arith.constant 0 : i32
    %dma_wait3A_795 = tpu.memref_slice %arg3[%dma_wait3A_784, %dma_wait3A_793, %dma_wait3A_794] : memref<8x1024x1024xf32, #tpu.memory_space<vmem>> -> memref<1x1024x1024xf32, #tpu.memory_space<vmem>>
    %dma_wait3A_796 = tpu.memref_squeeze %dma_wait3A_795 : memref<1x1024x1024xf32, #tpu.memory_space<vmem>> -> memref<1024x1024xf32, #tpu.memory_space<vmem>>
    tpu.wait_dma2 semaphore(%dma_wait3A_788 : memref<!tpu.dma_semaphore, #tpu.memory_space<semaphore_mem>>) src(%dma_wait3A_796 : memref<1024x1024xf32, #tpu.memory_space<vmem>>) dst(%dma_wait3A_792 : memref<1024x1024xf32, #tpu.memory_space<hbm>>)
    %get3A_797 = arith.constant 4 : index
    %get3A_798 = memref.load %arg0[%get3A_797] : memref<8xi32, #tpu.memory_space<smem>>
    %dma_start3A_799 = arith.constant 1 : i32
    %dma_start3A_800 = arith.constant 1 : i32
    %dma_start3A_801 = tpu.memref_slice %arg4[%dma_start3A_800] : memref<8x!tpu.dma_semaphore, #tpu.memory_space<semaphore_mem>> -> memref<1x!tpu.dma_semaphore, #tpu.memory_space<semaphore_mem>>
    %dma_start3A_802 = tpu.memref_squeeze %dma_start3A_801 : memref<1x!tpu.dma_semaphore, #tpu.memory_space<semaphore_mem>> -> memref<!tpu.dma_semaphore, #tpu.memory_space<semaphore_mem>>
    %dma_start3A_803 = arith.constant 0 : i32
    %dma_start3A_804 = arith.constant 0 : i32
    %dma_start3A_805 = tpu.memref_slice %arg3[%dma_start3A_799, %dma_start3A_803, %dma_start3A_804] : memref<8x1024x1024xf32, #tpu.memory_space<vmem>> -> memref<1x1024x1024xf32, #tpu.memory_space<vmem>>
    %dma_start3A_806 = tpu.memref_squeeze %dma_start3A_805 : memref<1x1024x1024xf32, #tpu.memory_space<vmem>> -> memref<1024x1024xf32, #tpu.memory_space<vmem>>
    %dma_start3A_807 = arith.constant 1024 : i32
    %dma_start3A_808 = arith.constant 0 : i32
    %dma_start3A_809 = tpu.memref_slice %arg1[%get3A_798, %dma_start3A_807, %dma_start3A_808] : memref<16x4096x1024xf32, #tpu.memory_space<hbm>> -> memref<1x1024x1024xf32, #tpu.memory_space<hbm>>
    %dma_start3A_810 = tpu.memref_squeeze %dma_start3A_809 : memref<1x1024x1024xf32, #tpu.memory_space<hbm>> -> memref<1024x1024xf32, #tpu.memory_space<hbm>>
    tpu.enqueue_dma source(%dma_start3A_810 : memref<1024x1024xf32, #tpu.memory_space<hbm>>) target(%dma_start3A_806 : memref<1024x1024xf32, #tpu.memory_space<vmem>>) target_semaphore(%dma_start3A_802 : memref<!tpu.dma_semaphore, #tpu.memory_space<semaphore_mem>>)
    %dma_wait3A_811 = arith.constant 2 : i32
    %dma_wait3A_812 = arith.constant 2 : i32
    %dma_wait3A_813 = arith.constant 2 : i32
    %dma_wait3A_814 = tpu.memref_slice %arg5[%dma_wait3A_813] : memref<8x!tpu.dma_semaphore, #tpu.memory_space<semaphore_mem>> -> memref<1x!tpu.dma_semaphore, #tpu.memory_space<semaphore_mem>>
    %dma_wait3A_815 = tpu.memref_squeeze %dma_wait3A_814 : memref<1x!tpu.dma_semaphore, #tpu.memory_space<semaphore_mem>> -> memref<!tpu.dma_semaphore, #tpu.memory_space<semaphore_mem>>
    %dma_wait3A_816 = arith.constant 2048 : i32
    %dma_wait3A_817 = arith.constant 0 : i32
    %dma_wait3A_818 = tpu.memref_slice %arg2[%dma_wait3A_812, %dma_wait3A_816, %dma_wait3A_817] : memref<8x4096x1024xf32, #tpu.memory_space<hbm>> -> memref<1x1024x1024xf32, #tpu.memory_space<hbm>>
    %dma_wait3A_819 = tpu.memref_squeeze %dma_wait3A_818 : memref<1x1024x1024xf32, #tpu.memory_space<hbm>> -> memref<1024x1024xf32, #tpu.memory_space<hbm>>
    %dma_wait3A_820 = arith.constant 0 : i32
    %dma_wait3A_821 = arith.constant 0 : i32
    %dma_wait3A_822 = tpu.memref_slice %arg3[%dma_wait3A_811, %dma_wait3A_820, %dma_wait3A_821] : memref<8x1024x1024xf32, #tpu.memory_space<vmem>> -> memref<1x1024x1024xf32, #tpu.memory_space<vmem>>
    %dma_wait3A_823 = tpu.memref_squeeze %dma_wait3A_822 : memref<1x1024x1024xf32, #tpu.memory_space<vmem>> -> memref<1024x1024xf32, #tpu.memory_space<vmem>>
    tpu.wait_dma2 semaphore(%dma_wait3A_815 : memref<!tpu.dma_semaphore, #tpu.memory_space<semaphore_mem>>) src(%dma_wait3A_823 : memref<1024x1024xf32, #tpu.memory_space<vmem>>) dst(%dma_wait3A_819 : memref<1024x1024xf32, #tpu.memory_space<hbm>>)
    %get3A_824 = arith.constant 4 : index
    %get3A_825 = memref.load %arg0[%get3A_824] : memref<8xi32, #tpu.memory_space<smem>>
    %dma_start3A_826 = arith.constant 2 : i32
    %dma_start3A_827 = arith.constant 2 : i32
    %dma_start3A_828 = tpu.memref_slice %arg4[%dma_start3A_827] : memref<8x!tpu.dma_semaphore, #tpu.memory_space<semaphore_mem>> -> memref<1x!tpu.dma_semaphore, #tpu.memory_space<semaphore_mem>>
    %dma_start3A_829 = tpu.memref_squeeze %dma_start3A_828 : memref<1x!tpu.dma_semaphore, #tpu.memory_space<semaphore_mem>> -> memref<!tpu.dma_semaphore, #tpu.memory_space<semaphore_mem>>
    %dma_start3A_830 = arith.constant 0 : i32
    %dma_start3A_831 = arith.constant 0 : i32
    %dma_start3A_832 = tpu.memref_slice %arg3[%dma_start3A_826, %dma_start3A_830, %dma_start3A_831] : memref<8x1024x1024xf32, #tpu.memory_space<vmem>> -> memref<1x1024x1024xf32, #tpu.memory_space<vmem>>
    %dma_start3A_833 = tpu.memref_squeeze %dma_start3A_832 : memref<1x1024x1024xf32, #tpu.memory_space<vmem>> -> memref<1024x1024xf32, #tpu.memory_space<vmem>>
    %dma_start3A_834 = arith.constant 2048 : i32
    %dma_start3A_835 = arith.constant 0 : i32
    %dma_start3A_836 = tpu.memref_slice %arg1[%get3A_825, %dma_start3A_834, %dma_start3A_835] : memref<16x4096x1024xf32, #tpu.memory_space<hbm>> -> memref<1x1024x1024xf32, #tpu.memory_space<hbm>>
    %dma_start3A_837 = tpu.memref_squeeze %dma_start3A_836 : memref<1x1024x1024xf32, #tpu.memory_space<hbm>> -> memref<1024x1024xf32, #tpu.memory_space<hbm>>
    tpu.enqueue_dma source(%dma_start3A_837 : memref<1024x1024xf32, #tpu.memory_space<hbm>>) target(%dma_start3A_833 : memref<1024x1024xf32, #tpu.memory_space<vmem>>) target_semaphore(%dma_start3A_829 : memref<!tpu.dma_semaphore, #tpu.memory_space<semaphore_mem>>)
    %dma_wait3A_838 = arith.constant 3 : i32
    %dma_wait3A_839 = arith.constant 2 : i32
    %dma_wait3A_840 = arith.constant 3 : i32
    %dma_wait3A_841 = tpu.memref_slice %arg5[%dma_wait3A_840] : memref<8x!tpu.dma_semaphore, #tpu.memory_space<semaphore_mem>> -> memref<1x!tpu.dma_semaphore, #tpu.memory_space<semaphore_mem>>
    %dma_wait3A_842 = tpu.memref_squeeze %dma_wait3A_841 : memref<1x!tpu.dma_semaphore, #tpu.memory_space<semaphore_mem>> -> memref<!tpu.dma_semaphore, #tpu.memory_space<semaphore_mem>>
    %dma_wait3A_843 = arith.constant 3072 : i32
    %dma_wait3A_844 = arith.constant 0 : i32
    %dma_wait3A_845 = tpu.memref_slice %arg2[%dma_wait3A_839, %dma_wait3A_843, %dma_wait3A_844] : memref<8x4096x1024xf32, #tpu.memory_space<hbm>> -> memref<1x1024x1024xf32, #tpu.memory_space<hbm>>
    %dma_wait3A_846 = tpu.memref_squeeze %dma_wait3A_845 : memref<1x1024x1024xf32, #tpu.memory_space<hbm>> -> memref<1024x1024xf32, #tpu.memory_space<hbm>>
    %dma_wait3A_847 = arith.constant 0 : i32
    %dma_wait3A_848 = arith.constant 0 : i32
    %dma_wait3A_849 = tpu.memref_slice %arg3[%dma_wait3A_838, %dma_wait3A_847, %dma_wait3A_848] : memref<8x1024x1024xf32, #tpu.memory_space<vmem>> -> memref<1x1024x1024xf32, #tpu.memory_space<vmem>>
    %dma_wait3A_850 = tpu.memref_squeeze %dma_wait3A_849 : memref<1x1024x1024xf32, #tpu.memory_space<vmem>> -> memref<1024x1024xf32, #tpu.memory_space<vmem>>
    tpu.wait_dma2 semaphore(%dma_wait3A_842 : memref<!tpu.dma_semaphore, #tpu.memory_space<semaphore_mem>>) src(%dma_wait3A_850 : memref<1024x1024xf32, #tpu.memory_space<vmem>>) dst(%dma_wait3A_846 : memref<1024x1024xf32, #tpu.memory_space<hbm>>)
    %get3A_851 = arith.constant 4 : index
    %get3A_852 = memref.load %arg0[%get3A_851] : memref<8xi32, #tpu.memory_space<smem>>
    %dma_start3A_853 = arith.constant 3 : i32
    %dma_start3A_854 = arith.constant 3 : i32
    %dma_start3A_855 = tpu.memref_slice %arg4[%dma_start3A_854] : memref<8x!tpu.dma_semaphore, #tpu.memory_space<semaphore_mem>> -> memref<1x!tpu.dma_semaphore, #tpu.memory_space<semaphore_mem>>
    %dma_start3A_856 = tpu.memref_squeeze %dma_start3A_855 : memref<1x!tpu.dma_semaphore, #tpu.memory_space<semaphore_mem>> -> memref<!tpu.dma_semaphore, #tpu.memory_space<semaphore_mem>>
    %dma_start3A_857 = arith.constant 0 : i32
    %dma_start3A_858 = arith.constant 0 : i32
    %dma_start3A_859 = tpu.memref_slice %arg3[%dma_start3A_853, %dma_start3A_857, %dma_start3A_858] : memref<8x1024x1024xf32, #tpu.memory_space<vmem>> -> memref<1x1024x1024xf32, #tpu.memory_space<vmem>>
    %dma_start3A_860 = tpu.memref_squeeze %dma_start3A_859 : memref<1x1024x1024xf32, #tpu.memory_space<vmem>> -> memref<1024x1024xf32, #tpu.memory_space<vmem>>
    %dma_start3A_861 = arith.constant 3072 : i32
    %dma_start3A_862 = arith.constant 0 : i32
    %dma_start3A_863 = tpu.memref_slice %arg1[%get3A_852, %dma_start3A_861, %dma_start3A_862] : memref<16x4096x1024xf32, #tpu.memory_space<hbm>> -> memref<1x1024x1024xf32, #tpu.memory_space<hbm>>
    %dma_start3A_864 = tpu.memref_squeeze %dma_start3A_863 : memref<1x1024x1024xf32, #tpu.memory_space<hbm>> -> memref<1024x1024xf32, #tpu.memory_space<hbm>>
    tpu.enqueue_dma source(%dma_start3A_864 : memref<1024x1024xf32, #tpu.memory_space<hbm>>) target(%dma_start3A_860 : memref<1024x1024xf32, #tpu.memory_space<vmem>>) target_semaphore(%dma_start3A_856 : memref<!tpu.dma_semaphore, #tpu.memory_space<semaphore_mem>>)
    %dma_wait3A_865 = arith.constant 4 : i32
    %dma_wait3A_866 = arith.constant 3 : i32
    %dma_wait3A_867 = arith.constant 4 : i32
    %dma_wait3A_868 = tpu.memref_slice %arg5[%dma_wait3A_867] : memref<8x!tpu.dma_semaphore, #tpu.memory_space<semaphore_mem>> -> memref<1x!tpu.dma_semaphore, #tpu.memory_space<semaphore_mem>>
    %dma_wait3A_869 = tpu.memref_squeeze %dma_wait3A_868 : memref<1x!tpu.dma_semaphore, #tpu.memory_space<semaphore_mem>> -> memref<!tpu.dma_semaphore, #tpu.memory_space<semaphore_mem>>
    %dma_wait3A_870 = arith.constant 0 : i32
    %dma_wait3A_871 = arith.constant 0 : i32
    %dma_wait3A_872 = tpu.memref_slice %arg2[%dma_wait3A_866, %dma_wait3A_870, %dma_wait3A_871] : memref<8x4096x1024xf32, #tpu.memory_space<hbm>> -> memref<1x1024x1024xf32, #tpu.memory_space<hbm>>
    %dma_wait3A_873 = tpu.memref_squeeze %dma_wait3A_872 : memref<1x1024x1024xf32, #tpu.memory_space<hbm>> -> memref<1024x1024xf32, #tpu.memory_space<hbm>>
    %dma_wait3A_874 = arith.constant 0 : i32
    %dma_wait3A_875 = arith.constant 0 : i32
    %dma_wait3A_876 = tpu.memref_slice %arg3[%dma_wait3A_865, %dma_wait3A_874, %dma_wait3A_875] : memref<8x1024x1024xf32, #tpu.memory_space<vmem>> -> memref<1x1024x1024xf32, #tpu.memory_space<vmem>>
    %dma_wait3A_877 = tpu.memref_squeeze %dma_wait3A_876 : memref<1x1024x1024xf32, #tpu.memory_space<vmem>> -> memref<1024x1024xf32, #tpu.memory_space<vmem>>
    tpu.wait_dma2 semaphore(%dma_wait3A_869 : memref<!tpu.dma_semaphore, #tpu.memory_space<semaphore_mem>>) src(%dma_wait3A_877 : memref<1024x1024xf32, #tpu.memory_space<vmem>>) dst(%dma_wait3A_873 : memref<1024x1024xf32, #tpu.memory_space<hbm>>)
    %get3A_878 = arith.constant 5 : index
    %get3A_879 = memref.load %arg0[%get3A_878] : memref<8xi32, #tpu.memory_space<smem>>
    %dma_start3A_880 = arith.constant 4 : i32
    %dma_start3A_881 = arith.constant 4 : i32
    %dma_start3A_882 = tpu.memref_slice %arg4[%dma_start3A_881] : memref<8x!tpu.dma_semaphore, #tpu.memory_space<semaphore_mem>> -> memref<1x!tpu.dma_semaphore, #tpu.memory_space<semaphore_mem>>
    %dma_start3A_883 = tpu.memref_squeeze %dma_start3A_882 : memref<1x!tpu.dma_semaphore, #tpu.memory_space<semaphore_mem>> -> memref<!tpu.dma_semaphore, #tpu.memory_space<semaphore_mem>>
    %dma_start3A_884 = arith.constant 0 : i32
    %dma_start3A_885 = arith.constant 0 : i32
    %dma_start3A_886 = tpu.memref_slice %arg3[%dma_start3A_880, %dma_start3A_884, %dma_start3A_885] : memref<8x1024x1024xf32, #tpu.memory_space<vmem>> -> memref<1x1024x1024xf32, #tpu.memory_space<vmem>>
    %dma_start3A_887 = tpu.memref_squeeze %dma_start3A_886 : memref<1x1024x1024xf32, #tpu.memory_space<vmem>> -> memref<1024x1024xf32, #tpu.memory_space<vmem>>
    %dma_start3A_888 = arith.constant 0 : i32
    %dma_start3A_889 = arith.constant 0 : i32
    %dma_start3A_890 = tpu.memref_slice %arg1[%get3A_879, %dma_start3A_888, %dma_start3A_889] : memref<16x4096x1024xf32, #tpu.memory_space<hbm>> -> memref<1x1024x1024xf32, #tpu.memory_space<hbm>>
    %dma_start3A_891 = tpu.memref_squeeze %dma_start3A_890 : memref<1x1024x1024xf32, #tpu.memory_space<hbm>> -> memref<1024x1024xf32, #tpu.memory_space<hbm>>
    tpu.enqueue_dma source(%dma_start3A_891 : memref<1024x1024xf32, #tpu.memory_space<hbm>>) target(%dma_start3A_887 : memref<1024x1024xf32, #tpu.memory_space<vmem>>) target_semaphore(%dma_start3A_883 : memref<!tpu.dma_semaphore, #tpu.memory_space<semaphore_mem>>)
    %dma_wait3A_892 = arith.constant 5 : i32
    %dma_wait3A_893 = arith.constant 3 : i32
    %dma_wait3A_894 = arith.constant 5 : i32
    %dma_wait3A_895 = tpu.memref_slice %arg5[%dma_wait3A_894] : memref<8x!tpu.dma_semaphore, #tpu.memory_space<semaphore_mem>> -> memref<1x!tpu.dma_semaphore, #tpu.memory_space<semaphore_mem>>
    %dma_wait3A_896 = tpu.memref_squeeze %dma_wait3A_895 : memref<1x!tpu.dma_semaphore, #tpu.memory_space<semaphore_mem>> -> memref<!tpu.dma_semaphore, #tpu.memory_space<semaphore_mem>>
    %dma_wait3A_897 = arith.constant 1024 : i32
    %dma_wait3A_898 = arith.constant 0 : i32
    %dma_wait3A_899 = tpu.memref_slice %arg2[%dma_wait3A_893, %dma_wait3A_897, %dma_wait3A_898] : memref<8x4096x1024xf32, #tpu.memory_space<hbm>> -> memref<1x1024x1024xf32, #tpu.memory_space<hbm>>
    %dma_wait3A_900 = tpu.memref_squeeze %dma_wait3A_899 : memref<1x1024x1024xf32, #tpu.memory_space<hbm>> -> memref<1024x1024xf32, #tpu.memory_space<hbm>>
    %dma_wait3A_901 = arith.constant 0 : i32
    %dma_wait3A_902 = arith.constant 0 : i32
    %dma_wait3A_903 = tpu.memref_slice %arg3[%dma_wait3A_892, %dma_wait3A_901, %dma_wait3A_902] : memref<8x1024x1024xf32, #tpu.memory_space<vmem>> -> memref<1x1024x1024xf32, #tpu.memory_space<vmem>>
    %dma_wait3A_904 = tpu.memref_squeeze %dma_wait3A_903 : memref<1x1024x1024xf32, #tpu.memory_space<vmem>> -> memref<1024x1024xf32, #tpu.memory_space<vmem>>
    tpu.wait_dma2 semaphore(%dma_wait3A_896 : memref<!tpu.dma_semaphore, #tpu.memory_space<semaphore_mem>>) src(%dma_wait3A_904 : memref<1024x1024xf32, #tpu.memory_space<vmem>>) dst(%dma_wait3A_900 : memref<1024x1024xf32, #tpu.memory_space<hbm>>)
    %get3A_905 = arith.constant 5 : index
    %get3A_906 = memref.load %arg0[%get3A_905] : memref<8xi32, #tpu.memory_space<smem>>
    %dma_start3A_907 = arith.constant 5 : i32
    %dma_start3A_908 = arith.constant 5 : i32
    %dma_start3A_909 = tpu.memref_slice %arg4[%dma_start3A_908] : memref<8x!tpu.dma_semaphore, #tpu.memory_space<semaphore_mem>> -> memref<1x!tpu.dma_semaphore, #tpu.memory_space<semaphore_mem>>
    %dma_start3A_910 = tpu.memref_squeeze %dma_start3A_909 : memref<1x!tpu.dma_semaphore, #tpu.memory_space<semaphore_mem>> -> memref<!tpu.dma_semaphore, #tpu.memory_space<semaphore_mem>>
    %dma_start3A_911 = arith.constant 0 : i32
    %dma_start3A_912 = arith.constant 0 : i32
    %dma_start3A_913 = tpu.memref_slice %arg3[%dma_start3A_907, %dma_start3A_911, %dma_start3A_912] : memref<8x1024x1024xf32, #tpu.memory_space<vmem>> -> memref<1x1024x1024xf32, #tpu.memory_space<vmem>>
    %dma_start3A_914 = tpu.memref_squeeze %dma_start3A_913 : memref<1x1024x1024xf32, #tpu.memory_space<vmem>> -> memref<1024x1024xf32, #tpu.memory_space<vmem>>
    %dma_start3A_915 = arith.constant 1024 : i32
    %dma_start3A_916 = arith.constant 0 : i32
    %dma_start3A_917 = tpu.memref_slice %arg1[%get3A_906, %dma_start3A_915, %dma_start3A_916] : memref<16x4096x1024xf32, #tpu.memory_space<hbm>> -> memref<1x1024x1024xf32, #tpu.memory_space<hbm>>
    %dma_start3A_918 = tpu.memref_squeeze %dma_start3A_917 : memref<1x1024x1024xf32, #tpu.memory_space<hbm>> -> memref<1024x1024xf32, #tpu.memory_space<hbm>>
    tpu.enqueue_dma source(%dma_start3A_918 : memref<1024x1024xf32, #tpu.memory_space<hbm>>) target(%dma_start3A_914 : memref<1024x1024xf32, #tpu.memory_space<vmem>>) target_semaphore(%dma_start3A_910 : memref<!tpu.dma_semaphore, #tpu.memory_space<semaphore_mem>>)
    %dma_wait3A_919 = arith.constant 6 : i32
    %dma_wait3A_920 = arith.constant 3 : i32
    %dma_wait3A_921 = arith.constant 6 : i32
    %dma_wait3A_922 = tpu.memref_slice %arg5[%dma_wait3A_921] : memref<8x!tpu.dma_semaphore, #tpu.memory_space<semaphore_mem>> -> memref<1x!tpu.dma_semaphore, #tpu.memory_space<semaphore_mem>>
    %dma_wait3A_923 = tpu.memref_squeeze %dma_wait3A_922 : memref<1x!tpu.dma_semaphore, #tpu.memory_space<semaphore_mem>> -> memref<!tpu.dma_semaphore, #tpu.memory_space<semaphore_mem>>
    %dma_wait3A_924 = arith.constant 2048 : i32
    %dma_wait3A_925 = arith.constant 0 : i32
    %dma_wait3A_926 = tpu.memref_slice %arg2[%dma_wait3A_920, %dma_wait3A_924, %dma_wait3A_925] : memref<8x4096x1024xf32, #tpu.memory_space<hbm>> -> memref<1x1024x1024xf32, #tpu.memory_space<hbm>>
    %dma_wait3A_927 = tpu.memref_squeeze %dma_wait3A_926 : memref<1x1024x1024xf32, #tpu.memory_space<hbm>> -> memref<1024x1024xf32, #tpu.memory_space<hbm>>
    %dma_wait3A_928 = arith.constant 0 : i32
    %dma_wait3A_929 = arith.constant 0 : i32
    %dma_wait3A_930 = tpu.memref_slice %arg3[%dma_wait3A_919, %dma_wait3A_928, %dma_wait3A_929] : memref<8x1024x1024xf32, #tpu.memory_space<vmem>> -> memref<1x1024x1024xf32, #tpu.memory_space<vmem>>
    %dma_wait3A_931 = tpu.memref_squeeze %dma_wait3A_930 : memref<1x1024x1024xf32, #tpu.memory_space<vmem>> -> memref<1024x1024xf32, #tpu.memory_space<vmem>>
    tpu.wait_dma2 semaphore(%dma_wait3A_923 : memref<!tpu.dma_semaphore, #tpu.memory_space<semaphore_mem>>) src(%dma_wait3A_931 : memref<1024x1024xf32, #tpu.memory_space<vmem>>) dst(%dma_wait3A_927 : memref<1024x1024xf32, #tpu.memory_space<hbm>>)
    %get3A_932 = arith.constant 5 : index
    %get3A_933 = memref.load %arg0[%get3A_932] : memref<8xi32, #tpu.memory_space<smem>>
    %dma_start3A_934 = arith.constant 6 : i32
    %dma_start3A_935 = arith.constant 6 : i32
    %dma_start3A_936 = tpu.memref_slice %arg4[%dma_start3A_935] : memref<8x!tpu.dma_semaphore, #tpu.memory_space<semaphore_mem>> -> memref<1x!tpu.dma_semaphore, #tpu.memory_space<semaphore_mem>>
    %dma_start3A_937 = tpu.memref_squeeze %dma_start3A_936 : memref<1x!tpu.dma_semaphore, #tpu.memory_space<semaphore_mem>> -> memref<!tpu.dma_semaphore, #tpu.memory_space<semaphore_mem>>
    %dma_start3A_938 = arith.constant 0 : i32
    %dma_start3A_939 = arith.constant 0 : i32
    %dma_start3A_940 = tpu.memref_slice %arg3[%dma_start3A_934, %dma_start3A_938, %dma_start3A_939] : memref<8x1024x1024xf32, #tpu.memory_space<vmem>> -> memref<1x1024x1024xf32, #tpu.memory_space<vmem>>
    %dma_start3A_941 = tpu.memref_squeeze %dma_start3A_940 : memref<1x1024x1024xf32, #tpu.memory_space<vmem>> -> memref<1024x1024xf32, #tpu.memory_space<vmem>>
    %dma_start3A_942 = arith.constant 2048 : i32
    %dma_start3A_943 = arith.constant 0 : i32
    %dma_start3A_944 = tpu.memref_slice %arg1[%get3A_933, %dma_start3A_942, %dma_start3A_943] : memref<16x4096x1024xf32, #tpu.memory_space<hbm>> -> memref<1x1024x1024xf32, #tpu.memory_space<hbm>>
    %dma_start3A_945 = tpu.memref_squeeze %dma_start3A_944 : memref<1x1024x1024xf32, #tpu.memory_space<hbm>> -> memref<1024x1024xf32, #tpu.memory_space<hbm>>
    tpu.enqueue_dma source(%dma_start3A_945 : memref<1024x1024xf32, #tpu.memory_space<hbm>>) target(%dma_start3A_941 : memref<1024x1024xf32, #tpu.memory_space<vmem>>) target_semaphore(%dma_start3A_937 : memref<!tpu.dma_semaphore, #tpu.memory_space<semaphore_mem>>)
    %dma_wait3A_946 = arith.constant 7 : i32
    %dma_wait3A_947 = arith.constant 3 : i32
    %dma_wait3A_948 = arith.constant 7 : i32
    %dma_wait3A_949 = tpu.memref_slice %arg5[%dma_wait3A_948] : memref<8x!tpu.dma_semaphore, #tpu.memory_space<semaphore_mem>> -> memref<1x!tpu.dma_semaphore, #tpu.memory_space<semaphore_mem>>
    %dma_wait3A_950 = tpu.memref_squeeze %dma_wait3A_949 : memref<1x!tpu.dma_semaphore, #tpu.memory_space<semaphore_mem>> -> memref<!tpu.dma_semaphore, #tpu.memory_space<semaphore_mem>>
    %dma_wait3A_951 = arith.constant 3072 : i32
    %dma_wait3A_952 = arith.constant 0 : i32
    %dma_wait3A_953 = tpu.memref_slice %arg2[%dma_wait3A_947, %dma_wait3A_951, %dma_wait3A_952] : memref<8x4096x1024xf32, #tpu.memory_space<hbm>> -> memref<1x1024x1024xf32, #tpu.memory_space<hbm>>
    %dma_wait3A_954 = tpu.memref_squeeze %dma_wait3A_953 : memref<1x1024x1024xf32, #tpu.memory_space<hbm>> -> memref<1024x1024xf32, #tpu.memory_space<hbm>>
    %dma_wait3A_955 = arith.constant 0 : i32
    %dma_wait3A_956 = arith.constant 0 : i32
    %dma_wait3A_957 = tpu.memref_slice %arg3[%dma_wait3A_946, %dma_wait3A_955, %dma_wait3A_956] : memref<8x1024x1024xf32, #tpu.memory_space<vmem>> -> memref<1x1024x1024xf32, #tpu.memory_space<vmem>>
    %dma_wait3A_958 = tpu.memref_squeeze %dma_wait3A_957 : memref<1x1024x1024xf32, #tpu.memory_space<vmem>> -> memref<1024x1024xf32, #tpu.memory_space<vmem>>
    tpu.wait_dma2 semaphore(%dma_wait3A_950 : memref<!tpu.dma_semaphore, #tpu.memory_space<semaphore_mem>>) src(%dma_wait3A_958 : memref<1024x1024xf32, #tpu.memory_space<vmem>>) dst(%dma_wait3A_954 : memref<1024x1024xf32, #tpu.memory_space<hbm>>)
    %get3A_959 = arith.constant 5 : index
    %get3A_960 = memref.load %arg0[%get3A_959] : memref<8xi32, #tpu.memory_space<smem>>
    %dma_start3A_961 = arith.constant 7 : i32
    %dma_start3A_962 = arith.constant 7 : i32
    %dma_start3A_963 = tpu.memref_slice %arg4[%dma_start3A_962] : memref<8x!tpu.dma_semaphore, #tpu.memory_space<semaphore_mem>> -> memref<1x!tpu.dma_semaphore, #tpu.memory_space<semaphore_mem>>
    %dma_start3A_964 = tpu.memref_squeeze %dma_start3A_963 : memref<1x!tpu.dma_semaphore, #tpu.memory_space<semaphore_mem>> -> memref<!tpu.dma_semaphore, #tpu.memory_space<semaphore_mem>>
    %dma_start3A_965 = arith.constant 0 : i32
    %dma_start3A_966 = arith.constant 0 : i32
    %dma_start3A_967 = tpu.memref_slice %arg3[%dma_start3A_961, %dma_start3A_965, %dma_start3A_966] : memref<8x1024x1024xf32, #tpu.memory_space<vmem>> -> memref<1x1024x1024xf32, #tpu.memory_space<vmem>>
    %dma_start3A_968 = tpu.memref_squeeze %dma_start3A_967 : memref<1x1024x1024xf32, #tpu.memory_space<vmem>> -> memref<1024x1024xf32, #tpu.memory_space<vmem>>
    %dma_start3A_969 = arith.constant 3072 : i32
    %dma_start3A_970 = arith.constant 0 : i32
    %dma_start3A_971 = tpu.memref_slice %arg1[%get3A_960, %dma_start3A_969, %dma_start3A_970] : memref<16x4096x1024xf32, #tpu.memory_space<hbm>> -> memref<1x1024x1024xf32, #tpu.memory_space<hbm>>
    %dma_start3A_972 = tpu.memref_squeeze %dma_start3A_971 : memref<1x1024x1024xf32, #tpu.memory_space<hbm>> -> memref<1024x1024xf32, #tpu.memory_space<hbm>>
    tpu.enqueue_dma source(%dma_start3A_972 : memref<1024x1024xf32, #tpu.memory_space<hbm>>) target(%dma_start3A_968 : memref<1024x1024xf32, #tpu.memory_space<vmem>>) target_semaphore(%dma_start3A_964 : memref<!tpu.dma_semaphore, #tpu.memory_space<semaphore_mem>>)
    %get3A_973 = arith.constant 4 : index
    %get3A_974 = memref.load %arg0[%get3A_973] : memref<8xi32, #tpu.memory_space<smem>>
    %dma_wait3A_975 = arith.constant 0 : i32
    %dma_wait3A_976 = arith.constant 0 : i32
    %dma_wait3A_977 = tpu.memref_slice %arg4[%dma_wait3A_976] : memref<8x!tpu.dma_semaphore, #tpu.memory_space<semaphore_mem>> -> memref<1x!tpu.dma_semaphore, #tpu.memory_space<semaphore_mem>>
    %dma_wait3A_978 = tpu.memref_squeeze %dma_wait3A_977 : memref<1x!tpu.dma_semaphore, #tpu.memory_space<semaphore_mem>> -> memref<!tpu.dma_semaphore, #tpu.memory_space<semaphore_mem>>
    %dma_wait3A_979 = arith.constant 0 : i32
    %dma_wait3A_980 = arith.constant 0 : i32
    %dma_wait3A_981 = tpu.memref_slice %arg3[%dma_wait3A_975, %dma_wait3A_979, %dma_wait3A_980] : memref<8x1024x1024xf32, #tpu.memory_space<vmem>> -> memref<1x1024x1024xf32, #tpu.memory_space<vmem>>
    %dma_wait3A_982 = tpu.memref_squeeze %dma_wait3A_981 : memref<1x1024x1024xf32, #tpu.memory_space<vmem>> -> memref<1024x1024xf32, #tpu.memory_space<vmem>>
    %dma_wait3A_983 = arith.constant 0 : i32
    %dma_wait3A_984 = arith.constant 0 : i32
    %dma_wait3A_985 = tpu.memref_slice %arg1[%get3A_974, %dma_wait3A_983, %dma_wait3A_984] : memref<16x4096x1024xf32, #tpu.memory_space<hbm>> -> memref<1x1024x1024xf32, #tpu.memory_space<hbm>>
    %dma_wait3A_986 = tpu.memref_squeeze %dma_wait3A_985 : memref<1x1024x1024xf32, #tpu.memory_space<hbm>> -> memref<1024x1024xf32, #tpu.memory_space<hbm>>
    tpu.wait_dma2 semaphore(%dma_wait3A_978 : memref<!tpu.dma_semaphore, #tpu.memory_space<semaphore_mem>>) src(%dma_wait3A_986 : memref<1024x1024xf32, #tpu.memory_space<hbm>>) dst(%dma_wait3A_982 : memref<1024x1024xf32, #tpu.memory_space<vmem>>)
    %dma_start3A_987 = arith.constant 0 : i32
    %dma_start3A_988 = arith.constant 4 : i32
    %dma_start3A_989 = arith.constant 0 : i32
    %dma_start3A_990 = tpu.memref_slice %arg5[%dma_start3A_989] : memref<8x!tpu.dma_semaphore, #tpu.memory_space<semaphore_mem>> -> memref<1x!tpu.dma_semaphore, #tpu.memory_space<semaphore_mem>>
    %dma_start3A_991 = tpu.memref_squeeze %dma_start3A_990 : memref<1x!tpu.dma_semaphore, #tpu.memory_space<semaphore_mem>> -> memref<!tpu.dma_semaphore, #tpu.memory_space<semaphore_mem>>
    %dma_start3A_992 = arith.constant 0 : i32
    %dma_start3A_993 = arith.constant 0 : i32
    %dma_start3A_994 = tpu.memref_slice %arg2[%dma_start3A_988, %dma_start3A_992, %dma_start3A_993] : memref<8x4096x1024xf32, #tpu.memory_space<hbm>> -> memref<1x1024x1024xf32, #tpu.memory_space<hbm>>
    %dma_start3A_995 = tpu.memref_squeeze %dma_start3A_994 : memref<1x1024x1024xf32, #tpu.memory_space<hbm>> -> memref<1024x1024xf32, #tpu.memory_space<hbm>>
    %dma_start3A_996 = arith.constant 0 : i32
    %dma_start3A_997 = arith.constant 0 : i32
    %dma_start3A_998 = tpu.memref_slice %arg3[%dma_start3A_987, %dma_start3A_996, %dma_start3A_997] : memref<8x1024x1024xf32, #tpu.memory_space<vmem>> -> memref<1x1024x1024xf32, #tpu.memory_space<vmem>>
    %dma_start3A_999 = tpu.memref_squeeze %dma_start3A_998 : memref<1x1024x1024xf32, #tpu.memory_space<vmem>> -> memref<1024x1024xf32, #tpu.memory_space<vmem>>
    tpu.enqueue_dma source(%dma_start3A_999 : memref<1024x1024xf32, #tpu.memory_space<vmem>>) target(%dma_start3A_995 : memref<1024x1024xf32, #tpu.memory_space<hbm>>) target_semaphore(%dma_start3A_991 : memref<!tpu.dma_semaphore, #tpu.memory_space<semaphore_mem>>)
    %get3A_1000 = arith.constant 4 : index
    %get3A_1001 = memref.load %arg0[%get3A_1000] : memref<8xi32, #tpu.memory_space<smem>>
    %dma_wait3A_1002 = arith.constant 1 : i32
    %dma_wait3A_1003 = arith.constant 1 : i32
    %dma_wait3A_1004 = tpu.memref_slice %arg4[%dma_wait3A_1003] : memref<8x!tpu.dma_semaphore, #tpu.memory_space<semaphore_mem>> -> memref<1x!tpu.dma_semaphore, #tpu.memory_space<semaphore_mem>>
    %dma_wait3A_1005 = tpu.memref_squeeze %dma_wait3A_1004 : memref<1x!tpu.dma_semaphore, #tpu.memory_space<semaphore_mem>> -> memref<!tpu.dma_semaphore, #tpu.memory_space<semaphore_mem>>
    %dma_wait3A_1006 = arith.constant 0 : i32
    %dma_wait3A_1007 = arith.constant 0 : i32
    %dma_wait3A_1008 = tpu.memref_slice %arg3[%dma_wait3A_1002, %dma_wait3A_1006, %dma_wait3A_1007] : memref<8x1024x1024xf32, #tpu.memory_space<vmem>> -> memref<1x1024x1024xf32, #tpu.memory_space<vmem>>
    %dma_wait3A_1009 = tpu.memref_squeeze %dma_wait3A_1008 : memref<1x1024x1024xf32, #tpu.memory_space<vmem>> -> memref<1024x1024xf32, #tpu.memory_space<vmem>>
    %dma_wait3A_1010 = arith.constant 1024 : i32
    %dma_wait3A_1011 = arith.constant 0 : i32
    %dma_wait3A_1012 = tpu.memref_slice %arg1[%get3A_1001, %dma_wait3A_1010, %dma_wait3A_1011] : memref<16x4096x1024xf32, #tpu.memory_space<hbm>> -> memref<1x1024x1024xf32, #tpu.memory_space<hbm>>
    %dma_wait3A_1013 = tpu.memref_squeeze %dma_wait3A_1012 : memref<1x1024x1024xf32, #tpu.memory_space<hbm>> -> memref<1024x1024xf32, #tpu.memory_space<hbm>>
    tpu.wait_dma2 semaphore(%dma_wait3A_1005 : memref<!tpu.dma_semaphore, #tpu.memory_space<semaphore_mem>>) src(%dma_wait3A_1013 : memref<1024x1024xf32, #tpu.memory_space<hbm>>) dst(%dma_wait3A_1009 : memref<1024x1024xf32, #tpu.memory_space<vmem>>)
    %dma_start3A_1014 = arith.constant 1 : i32
    %dma_start3A_1015 = arith.constant 4 : i32
    %dma_start3A_1016 = arith.constant 1 : i32
    %dma_start3A_1017 = tpu.memref_slice %arg5[%dma_start3A_1016] : memref<8x!tpu.dma_semaphore, #tpu.memory_space<semaphore_mem>> -> memref<1x!tpu.dma_semaphore, #tpu.memory_space<semaphore_mem>>
    %dma_start3A_1018 = tpu.memref_squeeze %dma_start3A_1017 : memref<1x!tpu.dma_semaphore, #tpu.memory_space<semaphore_mem>> -> memref<!tpu.dma_semaphore, #tpu.memory_space<semaphore_mem>>
    %dma_start3A_1019 = arith.constant 1024 : i32
    %dma_start3A_1020 = arith.constant 0 : i32
    %dma_start3A_1021 = tpu.memref_slice %arg2[%dma_start3A_1015, %dma_start3A_1019, %dma_start3A_1020] : memref<8x4096x1024xf32, #tpu.memory_space<hbm>> -> memref<1x1024x1024xf32, #tpu.memory_space<hbm>>
    %dma_start3A_1022 = tpu.memref_squeeze %dma_start3A_1021 : memref<1x1024x1024xf32, #tpu.memory_space<hbm>> -> memref<1024x1024xf32, #tpu.memory_space<hbm>>
    %dma_start3A_1023 = arith.constant 0 : i32
    %dma_start3A_1024 = arith.constant 0 : i32
    %dma_start3A_1025 = tpu.memref_slice %arg3[%dma_start3A_1014, %dma_start3A_1023, %dma_start3A_1024] : memref<8x1024x1024xf32, #tpu.memory_space<vmem>> -> memref<1x1024x1024xf32, #tpu.memory_space<vmem>>
    %dma_start3A_1026 = tpu.memref_squeeze %dma_start3A_1025 : memref<1x1024x1024xf32, #tpu.memory_space<vmem>> -> memref<1024x1024xf32, #tpu.memory_space<vmem>>
    tpu.enqueue_dma source(%dma_start3A_1026 : memref<1024x1024xf32, #tpu.memory_space<vmem>>) target(%dma_start3A_1022 : memref<1024x1024xf32, #tpu.memory_space<hbm>>) target_semaphore(%dma_start3A_1018 : memref<!tpu.dma_semaphore, #tpu.memory_space<semaphore_mem>>)
    %get3A_1027 = arith.constant 4 : index
    %get3A_1028 = memref.load %arg0[%get3A_1027] : memref<8xi32, #tpu.memory_space<smem>>
    %dma_wait3A_1029 = arith.constant 2 : i32
    %dma_wait3A_1030 = arith.constant 2 : i32
    %dma_wait3A_1031 = tpu.memref_slice %arg4[%dma_wait3A_1030] : memref<8x!tpu.dma_semaphore, #tpu.memory_space<semaphore_mem>> -> memref<1x!tpu.dma_semaphore, #tpu.memory_space<semaphore_mem>>
    %dma_wait3A_1032 = tpu.memref_squeeze %dma_wait3A_1031 : memref<1x!tpu.dma_semaphore, #tpu.memory_space<semaphore_mem>> -> memref<!tpu.dma_semaphore, #tpu.memory_space<semaphore_mem>>
    %dma_wait3A_1033 = arith.constant 0 : i32
    %dma_wait3A_1034 = arith.constant 0 : i32
    %dma_wait3A_1035 = tpu.memref_slice %arg3[%dma_wait3A_1029, %dma_wait3A_1033, %dma_wait3A_1034] : memref<8x1024x1024xf32, #tpu.memory_space<vmem>> -> memref<1x1024x1024xf32, #tpu.memory_space<vmem>>
    %dma_wait3A_1036 = tpu.memref_squeeze %dma_wait3A_1035 : memref<1x1024x1024xf32, #tpu.memory_space<vmem>> -> memref<1024x1024xf32, #tpu.memory_space<vmem>>
    %dma_wait3A_1037 = arith.constant 2048 : i32
    %dma_wait3A_1038 = arith.constant 0 : i32
    %dma_wait3A_1039 = tpu.memref_slice %arg1[%get3A_1028, %dma_wait3A_1037, %dma_wait3A_1038] : memref<16x4096x1024xf32, #tpu.memory_space<hbm>> -> memref<1x1024x1024xf32, #tpu.memory_space<hbm>>
    %dma_wait3A_1040 = tpu.memref_squeeze %dma_wait3A_1039 : memref<1x1024x1024xf32, #tpu.memory_space<hbm>> -> memref<1024x1024xf32, #tpu.memory_space<hbm>>
    tpu.wait_dma2 semaphore(%dma_wait3A_1032 : memref<!tpu.dma_semaphore, #tpu.memory_space<semaphore_mem>>) src(%dma_wait3A_1040 : memref<1024x1024xf32, #tpu.memory_space<hbm>>) dst(%dma_wait3A_1036 : memref<1024x1024xf32, #tpu.memory_space<vmem>>)
    %dma_start3A_1041 = arith.constant 2 : i32
    %dma_start3A_1042 = arith.constant 4 : i32
    %dma_start3A_1043 = arith.constant 2 : i32
    %dma_start3A_1044 = tpu.memref_slice %arg5[%dma_start3A_1043] : memref<8x!tpu.dma_semaphore, #tpu.memory_space<semaphore_mem>> -> memref<1x!tpu.dma_semaphore, #tpu.memory_space<semaphore_mem>>
    %dma_start3A_1045 = tpu.memref_squeeze %dma_start3A_1044 : memref<1x!tpu.dma_semaphore, #tpu.memory_space<semaphore_mem>> -> memref<!tpu.dma_semaphore, #tpu.memory_space<semaphore_mem>>
    %dma_start3A_1046 = arith.constant 2048 : i32
    %dma_start3A_1047 = arith.constant 0 : i32
    %dma_start3A_1048 = tpu.memref_slice %arg2[%dma_start3A_1042, %dma_start3A_1046, %dma_start3A_1047] : memref<8x4096x1024xf32, #tpu.memory_space<hbm>> -> memref<1x1024x1024xf32, #tpu.memory_space<hbm>>
    %dma_start3A_1049 = tpu.memref_squeeze %dma_start3A_1048 : memref<1x1024x1024xf32, #tpu.memory_space<hbm>> -> memref<1024x1024xf32, #tpu.memory_space<hbm>>
    %dma_start3A_1050 = arith.constant 0 : i32
    %dma_start3A_1051 = arith.constant 0 : i32
    %dma_start3A_1052 = tpu.memref_slice %arg3[%dma_start3A_1041, %dma_start3A_1050, %dma_start3A_1051] : memref<8x1024x1024xf32, #tpu.memory_space<vmem>> -> memref<1x1024x1024xf32, #tpu.memory_space<vmem>>
    %dma_start3A_1053 = tpu.memref_squeeze %dma_start3A_1052 : memref<1x1024x1024xf32, #tpu.memory_space<vmem>> -> memref<1024x1024xf32, #tpu.memory_space<vmem>>
    tpu.enqueue_dma source(%dma_start3A_1053 : memref<1024x1024xf32, #tpu.memory_space<vmem>>) target(%dma_start3A_1049 : memref<1024x1024xf32, #tpu.memory_space<hbm>>) target_semaphore(%dma_start3A_1045 : memref<!tpu.dma_semaphore, #tpu.memory_space<semaphore_mem>>)
    %get3A_1054 = arith.constant 4 : index
    %get3A_1055 = memref.load %arg0[%get3A_1054] : memref<8xi32, #tpu.memory_space<smem>>
    %dma_wait3A_1056 = arith.constant 3 : i32
    %dma_wait3A_1057 = arith.constant 3 : i32
    %dma_wait3A_1058 = tpu.memref_slice %arg4[%dma_wait3A_1057] : memref<8x!tpu.dma_semaphore, #tpu.memory_space<semaphore_mem>> -> memref<1x!tpu.dma_semaphore, #tpu.memory_space<semaphore_mem>>
    %dma_wait3A_1059 = tpu.memref_squeeze %dma_wait3A_1058 : memref<1x!tpu.dma_semaphore, #tpu.memory_space<semaphore_mem>> -> memref<!tpu.dma_semaphore, #tpu.memory_space<semaphore_mem>>
    %dma_wait3A_1060 = arith.constant 0 : i32
    %dma_wait3A_1061 = arith.constant 0 : i32
    %dma_wait3A_1062 = tpu.memref_slice %arg3[%dma_wait3A_1056, %dma_wait3A_1060, %dma_wait3A_1061] : memref<8x1024x1024xf32, #tpu.memory_space<vmem>> -> memref<1x1024x1024xf32, #tpu.memory_space<vmem>>
    %dma_wait3A_1063 = tpu.memref_squeeze %dma_wait3A_1062 : memref<1x1024x1024xf32, #tpu.memory_space<vmem>> -> memref<1024x1024xf32, #tpu.memory_space<vmem>>
    %dma_wait3A_1064 = arith.constant 3072 : i32
    %dma_wait3A_1065 = arith.constant 0 : i32
    %dma_wait3A_1066 = tpu.memref_slice %arg1[%get3A_1055, %dma_wait3A_1064, %dma_wait3A_1065] : memref<16x4096x1024xf32, #tpu.memory_space<hbm>> -> memref<1x1024x1024xf32, #tpu.memory_space<hbm>>
    %dma_wait3A_1067 = tpu.memref_squeeze %dma_wait3A_1066 : memref<1x1024x1024xf32, #tpu.memory_space<hbm>> -> memref<1024x1024xf32, #tpu.memory_space<hbm>>
    tpu.wait_dma2 semaphore(%dma_wait3A_1059 : memref<!tpu.dma_semaphore, #tpu.memory_space<semaphore_mem>>) src(%dma_wait3A_1067 : memref<1024x1024xf32, #tpu.memory_space<hbm>>) dst(%dma_wait3A_1063 : memref<1024x1024xf32, #tpu.memory_space<vmem>>)
    %dma_start3A_1068 = arith.constant 3 : i32
    %dma_start3A_1069 = arith.constant 4 : i32
    %dma_start3A_1070 = arith.constant 3 : i32
    %dma_start3A_1071 = tpu.memref_slice %arg5[%dma_start3A_1070] : memref<8x!tpu.dma_semaphore, #tpu.memory_space<semaphore_mem>> -> memref<1x!tpu.dma_semaphore, #tpu.memory_space<semaphore_mem>>
    %dma_start3A_1072 = tpu.memref_squeeze %dma_start3A_1071 : memref<1x!tpu.dma_semaphore, #tpu.memory_space<semaphore_mem>> -> memref<!tpu.dma_semaphore, #tpu.memory_space<semaphore_mem>>
    %dma_start3A_1073 = arith.constant 3072 : i32
    %dma_start3A_1074 = arith.constant 0 : i32
    %dma_start3A_1075 = tpu.memref_slice %arg2[%dma_start3A_1069, %dma_start3A_1073, %dma_start3A_1074] : memref<8x4096x1024xf32, #tpu.memory_space<hbm>> -> memref<1x1024x1024xf32, #tpu.memory_space<hbm>>
    %dma_start3A_1076 = tpu.memref_squeeze %dma_start3A_1075 : memref<1x1024x1024xf32, #tpu.memory_space<hbm>> -> memref<1024x1024xf32, #tpu.memory_space<hbm>>
    %dma_start3A_1077 = arith.constant 0 : i32
    %dma_start3A_1078 = arith.constant 0 : i32
    %dma_start3A_1079 = tpu.memref_slice %arg3[%dma_start3A_1068, %dma_start3A_1077, %dma_start3A_1078] : memref<8x1024x1024xf32, #tpu.memory_space<vmem>> -> memref<1x1024x1024xf32, #tpu.memory_space<vmem>>
    %dma_start3A_1080 = tpu.memref_squeeze %dma_start3A_1079 : memref<1x1024x1024xf32, #tpu.memory_space<vmem>> -> memref<1024x1024xf32, #tpu.memory_space<vmem>>
    tpu.enqueue_dma source(%dma_start3A_1080 : memref<1024x1024xf32, #tpu.memory_space<vmem>>) target(%dma_start3A_1076 : memref<1024x1024xf32, #tpu.memory_space<hbm>>) target_semaphore(%dma_start3A_1072 : memref<!tpu.dma_semaphore, #tpu.memory_space<semaphore_mem>>)
    %get3A_1081 = arith.constant 5 : index
    %get3A_1082 = memref.load %arg0[%get3A_1081] : memref<8xi32, #tpu.memory_space<smem>>
    %dma_wait3A_1083 = arith.constant 4 : i32
    %dma_wait3A_1084 = arith.constant 4 : i32
    %dma_wait3A_1085 = tpu.memref_slice %arg4[%dma_wait3A_1084] : memref<8x!tpu.dma_semaphore, #tpu.memory_space<semaphore_mem>> -> memref<1x!tpu.dma_semaphore, #tpu.memory_space<semaphore_mem>>
    %dma_wait3A_1086 = tpu.memref_squeeze %dma_wait3A_1085 : memref<1x!tpu.dma_semaphore, #tpu.memory_space<semaphore_mem>> -> memref<!tpu.dma_semaphore, #tpu.memory_space<semaphore_mem>>
    %dma_wait3A_1087 = arith.constant 0 : i32
    %dma_wait3A_1088 = arith.constant 0 : i32
    %dma_wait3A_1089 = tpu.memref_slice %arg3[%dma_wait3A_1083, %dma_wait3A_1087, %dma_wait3A_1088] : memref<8x1024x1024xf32, #tpu.memory_space<vmem>> -> memref<1x1024x1024xf32, #tpu.memory_space<vmem>>
    %dma_wait3A_1090 = tpu.memref_squeeze %dma_wait3A_1089 : memref<1x1024x1024xf32, #tpu.memory_space<vmem>> -> memref<1024x1024xf32, #tpu.memory_space<vmem>>
    %dma_wait3A_1091 = arith.constant 0 : i32
    %dma_wait3A_1092 = arith.constant 0 : i32
    %dma_wait3A_1093 = tpu.memref_slice %arg1[%get3A_1082, %dma_wait3A_1091, %dma_wait3A_1092] : memref<16x4096x1024xf32, #tpu.memory_space<hbm>> -> memref<1x1024x1024xf32, #tpu.memory_space<hbm>>
    %dma_wait3A_1094 = tpu.memref_squeeze %dma_wait3A_1093 : memref<1x1024x1024xf32, #tpu.memory_space<hbm>> -> memref<1024x1024xf32, #tpu.memory_space<hbm>>
    tpu.wait_dma2 semaphore(%dma_wait3A_1086 : memref<!tpu.dma_semaphore, #tpu.memory_space<semaphore_mem>>) src(%dma_wait3A_1094 : memref<1024x1024xf32, #tpu.memory_space<hbm>>) dst(%dma_wait3A_1090 : memref<1024x1024xf32, #tpu.memory_space<vmem>>)
    %dma_start3A_1095 = arith.constant 4 : i32
    %dma_start3A_1096 = arith.constant 5 : i32
    %dma_start3A_1097 = arith.constant 4 : i32
    %dma_start3A_1098 = tpu.memref_slice %arg5[%dma_start3A_1097] : memref<8x!tpu.dma_semaphore, #tpu.memory_space<semaphore_mem>> -> memref<1x!tpu.dma_semaphore, #tpu.memory_space<semaphore_mem>>
    %dma_start3A_1099 = tpu.memref_squeeze %dma_start3A_1098 : memref<1x!tpu.dma_semaphore, #tpu.memory_space<semaphore_mem>> -> memref<!tpu.dma_semaphore, #tpu.memory_space<semaphore_mem>>
    %dma_start3A_1100 = arith.constant 0 : i32
    %dma_start3A_1101 = arith.constant 0 : i32
    %dma_start3A_1102 = tpu.memref_slice %arg2[%dma_start3A_1096, %dma_start3A_1100, %dma_start3A_1101] : memref<8x4096x1024xf32, #tpu.memory_space<hbm>> -> memref<1x1024x1024xf32, #tpu.memory_space<hbm>>
    %dma_start3A_1103 = tpu.memref_squeeze %dma_start3A_1102 : memref<1x1024x1024xf32, #tpu.memory_space<hbm>> -> memref<1024x1024xf32, #tpu.memory_space<hbm>>
    %dma_start3A_1104 = arith.constant 0 : i32
    %dma_start3A_1105 = arith.constant 0 : i32
    %dma_start3A_1106 = tpu.memref_slice %arg3[%dma_start3A_1095, %dma_start3A_1104, %dma_start3A_1105] : memref<8x1024x1024xf32, #tpu.memory_space<vmem>> -> memref<1x1024x1024xf32, #tpu.memory_space<vmem>>
    %dma_start3A_1107 = tpu.memref_squeeze %dma_start3A_1106 : memref<1x1024x1024xf32, #tpu.memory_space<vmem>> -> memref<1024x1024xf32, #tpu.memory_space<vmem>>
    tpu.enqueue_dma source(%dma_start3A_1107 : memref<1024x1024xf32, #tpu.memory_space<vmem>>) target(%dma_start3A_1103 : memref<1024x1024xf32, #tpu.memory_space<hbm>>) target_semaphore(%dma_start3A_1099 : memref<!tpu.dma_semaphore, #tpu.memory_space<semaphore_mem>>)
    %get3A_1108 = arith.constant 5 : index
    %get3A_1109 = memref.load %arg0[%get3A_1108] : memref<8xi32, #tpu.memory_space<smem>>
    %dma_wait3A_1110 = arith.constant 5 : i32
    %dma_wait3A_1111 = arith.constant 5 : i32
    %dma_wait3A_1112 = tpu.memref_slice %arg4[%dma_wait3A_1111] : memref<8x!tpu.dma_semaphore, #tpu.memory_space<semaphore_mem>> -> memref<1x!tpu.dma_semaphore, #tpu.memory_space<semaphore_mem>>
    %dma_wait3A_1113 = tpu.memref_squeeze %dma_wait3A_1112 : memref<1x!tpu.dma_semaphore, #tpu.memory_space<semaphore_mem>> -> memref<!tpu.dma_semaphore, #tpu.memory_space<semaphore_mem>>
    %dma_wait3A_1114 = arith.constant 0 : i32
    %dma_wait3A_1115 = arith.constant 0 : i32
    %dma_wait3A_1116 = tpu.memref_slice %arg3[%dma_wait3A_1110, %dma_wait3A_1114, %dma_wait3A_1115] : memref<8x1024x1024xf32, #tpu.memory_space<vmem>> -> memref<1x1024x1024xf32, #tpu.memory_space<vmem>>
    %dma_wait3A_1117 = tpu.memref_squeeze %dma_wait3A_1116 : memref<1x1024x1024xf32, #tpu.memory_space<vmem>> -> memref<1024x1024xf32, #tpu.memory_space<vmem>>
    %dma_wait3A_1118 = arith.constant 1024 : i32
    %dma_wait3A_1119 = arith.constant 0 : i32
    %dma_wait3A_1120 = tpu.memref_slice %arg1[%get3A_1109, %dma_wait3A_1118, %dma_wait3A_1119] : memref<16x4096x1024xf32, #tpu.memory_space<hbm>> -> memref<1x1024x1024xf32, #tpu.memory_space<hbm>>
    %dma_wait3A_1121 = tpu.memref_squeeze %dma_wait3A_1120 : memref<1x1024x1024xf32, #tpu.memory_space<hbm>> -> memref<1024x1024xf32, #tpu.memory_space<hbm>>
    tpu.wait_dma2 semaphore(%dma_wait3A_1113 : memref<!tpu.dma_semaphore, #tpu.memory_space<semaphore_mem>>) src(%dma_wait3A_1121 : memref<1024x1024xf32, #tpu.memory_space<hbm>>) dst(%dma_wait3A_1117 : memref<1024x1024xf32, #tpu.memory_space<vmem>>)
    %dma_start3A_1122 = arith.constant 5 : i32
    %dma_start3A_1123 = arith.constant 5 : i32
    %dma_start3A_1124 = arith.constant 5 : i32
    %dma_start3A_1125 = tpu.memref_slice %arg5[%dma_start3A_1124] : memref<8x!tpu.dma_semaphore, #tpu.memory_space<semaphore_mem>> -> memref<1x!tpu.dma_semaphore, #tpu.memory_space<semaphore_mem>>
    %dma_start3A_1126 = tpu.memref_squeeze %dma_start3A_1125 : memref<1x!tpu.dma_semaphore, #tpu.memory_space<semaphore_mem>> -> memref<!tpu.dma_semaphore, #tpu.memory_space<semaphore_mem>>
    %dma_start3A_1127 = arith.constant 1024 : i32
    %dma_start3A_1128 = arith.constant 0 : i32
    %dma_start3A_1129 = tpu.memref_slice %arg2[%dma_start3A_1123, %dma_start3A_1127, %dma_start3A_1128] : memref<8x4096x1024xf32, #tpu.memory_space<hbm>> -> memref<1x1024x1024xf32, #tpu.memory_space<hbm>>
    %dma_start3A_1130 = tpu.memref_squeeze %dma_start3A_1129 : memref<1x1024x1024xf32, #tpu.memory_space<hbm>> -> memref<1024x1024xf32, #tpu.memory_space<hbm>>
    %dma_start3A_1131 = arith.constant 0 : i32
    %dma_start3A_1132 = arith.constant 0 : i32
    %dma_start3A_1133 = tpu.memref_slice %arg3[%dma_start3A_1122, %dma_start3A_1131, %dma_start3A_1132] : memref<8x1024x1024xf32, #tpu.memory_space<vmem>> -> memref<1x1024x1024xf32, #tpu.memory_space<vmem>>
    %dma_start3A_1134 = tpu.memref_squeeze %dma_start3A_1133 : memref<1x1024x1024xf32, #tpu.memory_space<vmem>> -> memref<1024x1024xf32, #tpu.memory_space<vmem>>
    tpu.enqueue_dma source(%dma_start3A_1134 : memref<1024x1024xf32, #tpu.memory_space<vmem>>) target(%dma_start3A_1130 : memref<1024x1024xf32, #tpu.memory_space<hbm>>) target_semaphore(%dma_start3A_1126 : memref<!tpu.dma_semaphore, #tpu.memory_space<semaphore_mem>>)
    %get3A_1135 = arith.constant 5 : index
    %get3A_1136 = memref.load %arg0[%get3A_1135] : memref<8xi32, #tpu.memory_space<smem>>
    %dma_wait3A_1137 = arith.constant 6 : i32
    %dma_wait3A_1138 = arith.constant 6 : i32
    %dma_wait3A_1139 = tpu.memref_slice %arg4[%dma_wait3A_1138] : memref<8x!tpu.dma_semaphore, #tpu.memory_space<semaphore_mem>> -> memref<1x!tpu.dma_semaphore, #tpu.memory_space<semaphore_mem>>
    %dma_wait3A_1140 = tpu.memref_squeeze %dma_wait3A_1139 : memref<1x!tpu.dma_semaphore, #tpu.memory_space<semaphore_mem>> -> memref<!tpu.dma_semaphore, #tpu.memory_space<semaphore_mem>>
    %dma_wait3A_1141 = arith.constant 0 : i32
    %dma_wait3A_1142 = arith.constant 0 : i32
    %dma_wait3A_1143 = tpu.memref_slice %arg3[%dma_wait3A_1137, %dma_wait3A_1141, %dma_wait3A_1142] : memref<8x1024x1024xf32, #tpu.memory_space<vmem>> -> memref<1x1024x1024xf32, #tpu.memory_space<vmem>>
    %dma_wait3A_1144 = tpu.memref_squeeze %dma_wait3A_1143 : memref<1x1024x1024xf32, #tpu.memory_space<vmem>> -> memref<1024x1024xf32, #tpu.memory_space<vmem>>
    %dma_wait3A_1145 = arith.constant 2048 : i32
    %dma_wait3A_1146 = arith.constant 0 : i32
    %dma_wait3A_1147 = tpu.memref_slice %arg1[%get3A_1136, %dma_wait3A_1145, %dma_wait3A_1146] : memref<16x4096x1024xf32, #tpu.memory_space<hbm>> -> memref<1x1024x1024xf32, #tpu.memory_space<hbm>>
    %dma_wait3A_1148 = tpu.memref_squeeze %dma_wait3A_1147 : memref<1x1024x1024xf32, #tpu.memory_space<hbm>> -> memref<1024x1024xf32, #tpu.memory_space<hbm>>
    tpu.wait_dma2 semaphore(%dma_wait3A_1140 : memref<!tpu.dma_semaphore, #tpu.memory_space<semaphore_mem>>) src(%dma_wait3A_1148 : memref<1024x1024xf32, #tpu.memory_space<hbm>>) dst(%dma_wait3A_1144 : memref<1024x1024xf32, #tpu.memory_space<vmem>>)
    %dma_start3A_1149 = arith.constant 6 : i32
    %dma_start3A_1150 = arith.constant 5 : i32
    %dma_start3A_1151 = arith.constant 6 : i32
    %dma_start3A_1152 = tpu.memref_slice %arg5[%dma_start3A_1151] : memref<8x!tpu.dma_semaphore, #tpu.memory_space<semaphore_mem>> -> memref<1x!tpu.dma_semaphore, #tpu.memory_space<semaphore_mem>>
    %dma_start3A_1153 = tpu.memref_squeeze %dma_start3A_1152 : memref<1x!tpu.dma_semaphore, #tpu.memory_space<semaphore_mem>> -> memref<!tpu.dma_semaphore, #tpu.memory_space<semaphore_mem>>
    %dma_start3A_1154 = arith.constant 2048 : i32
    %dma_start3A_1155 = arith.constant 0 : i32
    %dma_start3A_1156 = tpu.memref_slice %arg2[%dma_start3A_1150, %dma_start3A_1154, %dma_start3A_1155] : memref<8x4096x1024xf32, #tpu.memory_space<hbm>> -> memref<1x1024x1024xf32, #tpu.memory_space<hbm>>
    %dma_start3A_1157 = tpu.memref_squeeze %dma_start3A_1156 : memref<1x1024x1024xf32, #tpu.memory_space<hbm>> -> memref<1024x1024xf32, #tpu.memory_space<hbm>>
    %dma_start3A_1158 = arith.constant 0 : i32
    %dma_start3A_1159 = arith.constant 0 : i32
    %dma_start3A_1160 = tpu.memref_slice %arg3[%dma_start3A_1149, %dma_start3A_1158, %dma_start3A_1159] : memref<8x1024x1024xf32, #tpu.memory_space<vmem>> -> memref<1x1024x1024xf32, #tpu.memory_space<vmem>>
    %dma_start3A_1161 = tpu.memref_squeeze %dma_start3A_1160 : memref<1x1024x1024xf32, #tpu.memory_space<vmem>> -> memref<1024x1024xf32, #tpu.memory_space<vmem>>
    tpu.enqueue_dma source(%dma_start3A_1161 : memref<1024x1024xf32, #tpu.memory_space<vmem>>) target(%dma_start3A_1157 : memref<1024x1024xf32, #tpu.memory_space<hbm>>) target_semaphore(%dma_start3A_1153 : memref<!tpu.dma_semaphore, #tpu.memory_space<semaphore_mem>>)
    %get3A_1162 = arith.constant 5 : index
    %get3A_1163 = memref.load %arg0[%get3A_1162] : memref<8xi32, #tpu.memory_space<smem>>
    %dma_wait3A_1164 = arith.constant 7 : i32
    %dma_wait3A_1165 = arith.constant 7 : i32
    %dma_wait3A_1166 = tpu.memref_slice %arg4[%dma_wait3A_1165] : memref<8x!tpu.dma_semaphore, #tpu.memory_space<semaphore_mem>> -> memref<1x!tpu.dma_semaphore, #tpu.memory_space<semaphore_mem>>
    %dma_wait3A_1167 = tpu.memref_squeeze %dma_wait3A_1166 : memref<1x!tpu.dma_semaphore, #tpu.memory_space<semaphore_mem>> -> memref<!tpu.dma_semaphore, #tpu.memory_space<semaphore_mem>>
    %dma_wait3A_1168 = arith.constant 0 : i32
    %dma_wait3A_1169 = arith.constant 0 : i32
    %dma_wait3A_1170 = tpu.memref_slice %arg3[%dma_wait3A_1164, %dma_wait3A_1168, %dma_wait3A_1169] : memref<8x1024x1024xf32, #tpu.memory_space<vmem>> -> memref<1x1024x1024xf32, #tpu.memory_space<vmem>>
    %dma_wait3A_1171 = tpu.memref_squeeze %dma_wait3A_1170 : memref<1x1024x1024xf32, #tpu.memory_space<vmem>> -> memref<1024x1024xf32, #tpu.memory_space<vmem>>
    %dma_wait3A_1172 = arith.constant 3072 : i32
    %dma_wait3A_1173 = arith.constant 0 : i32
    %dma_wait3A_1174 = tpu.memref_slice %arg1[%get3A_1163, %dma_wait3A_1172, %dma_wait3A_1173] : memref<16x4096x1024xf32, #tpu.memory_space<hbm>> -> memref<1x1024x1024xf32, #tpu.memory_space<hbm>>
    %dma_wait3A_1175 = tpu.memref_squeeze %dma_wait3A_1174 : memref<1x1024x1024xf32, #tpu.memory_space<hbm>> -> memref<1024x1024xf32, #tpu.memory_space<hbm>>
    tpu.wait_dma2 semaphore(%dma_wait3A_1167 : memref<!tpu.dma_semaphore, #tpu.memory_space<semaphore_mem>>) src(%dma_wait3A_1175 : memref<1024x1024xf32, #tpu.memory_space<hbm>>) dst(%dma_wait3A_1171 : memref<1024x1024xf32, #tpu.memory_space<vmem>>)
    %dma_start3A_1176 = arith.constant 7 : i32
    %dma_start3A_1177 = arith.constant 5 : i32
    %dma_start3A_1178 = arith.constant 7 : i32
    %dma_start3A_1179 = tpu.memref_slice %arg5[%dma_start3A_1178] : memref<8x!tpu.dma_semaphore, #tpu.memory_space<semaphore_mem>> -> memref<1x!tpu.dma_semaphore, #tpu.memory_space<semaphore_mem>>
    %dma_start3A_1180 = tpu.memref_squeeze %dma_start3A_1179 : memref<1x!tpu.dma_semaphore, #tpu.memory_space<semaphore_mem>> -> memref<!tpu.dma_semaphore, #tpu.memory_space<semaphore_mem>>
    %dma_start3A_1181 = arith.constant 3072 : i32
    %dma_start3A_1182 = arith.constant 0 : i32
    %dma_start3A_1183 = tpu.memref_slice %arg2[%dma_start3A_1177, %dma_start3A_1181, %dma_start3A_1182] : memref<8x4096x1024xf32, #tpu.memory_space<hbm>> -> memref<1x1024x1024xf32, #tpu.memory_space<hbm>>
    %dma_start3A_1184 = tpu.memref_squeeze %dma_start3A_1183 : memref<1x1024x1024xf32, #tpu.memory_space<hbm>> -> memref<1024x1024xf32, #tpu.memory_space<hbm>>
    %dma_start3A_1185 = arith.constant 0 : i32
    %dma_start3A_1186 = arith.constant 0 : i32
    %dma_start3A_1187 = tpu.memref_slice %arg3[%dma_start3A_1176, %dma_start3A_1185, %dma_start3A_1186] : memref<8x1024x1024xf32, #tpu.memory_space<vmem>> -> memref<1x1024x1024xf32, #tpu.memory_space<vmem>>
    %dma_start3A_1188 = tpu.memref_squeeze %dma_start3A_1187 : memref<1x1024x1024xf32, #tpu.memory_space<vmem>> -> memref<1024x1024xf32, #tpu.memory_space<vmem>>
    tpu.enqueue_dma source(%dma_start3A_1188 : memref<1024x1024xf32, #tpu.memory_space<vmem>>) target(%dma_start3A_1184 : memref<1024x1024xf32, #tpu.memory_space<hbm>>) target_semaphore(%dma_start3A_1180 : memref<!tpu.dma_semaphore, #tpu.memory_space<semaphore_mem>>)
    %dma_wait3A_1189 = arith.constant 0 : i32
    %dma_wait3A_1190 = arith.constant 4 : i32
    %dma_wait3A_1191 = arith.constant 0 : i32
    %dma_wait3A_1192 = tpu.memref_slice %arg5[%dma_wait3A_1191] : memref<8x!tpu.dma_semaphore, #tpu.memory_space<semaphore_mem>> -> memref<1x!tpu.dma_semaphore, #tpu.memory_space<semaphore_mem>>
    %dma_wait3A_1193 = tpu.memref_squeeze %dma_wait3A_1192 : memref<1x!tpu.dma_semaphore, #tpu.memory_space<semaphore_mem>> -> memref<!tpu.dma_semaphore, #tpu.memory_space<semaphore_mem>>
    %dma_wait3A_1194 = arith.constant 0 : i32
    %dma_wait3A_1195 = arith.constant 0 : i32
    %dma_wait3A_1196 = tpu.memref_slice %arg2[%dma_wait3A_1190, %dma_wait3A_1194, %dma_wait3A_1195] : memref<8x4096x1024xf32, #tpu.memory_space<hbm>> -> memref<1x1024x1024xf32, #tpu.memory_space<hbm>>
    %dma_wait3A_1197 = tpu.memref_squeeze %dma_wait3A_1196 : memref<1x1024x1024xf32, #tpu.memory_space<hbm>> -> memref<1024x1024xf32, #tpu.memory_space<hbm>>
    %dma_wait3A_1198 = arith.constant 0 : i32
    %dma_wait3A_1199 = arith.constant 0 : i32
    %dma_wait3A_1200 = tpu.memref_slice %arg3[%dma_wait3A_1189, %dma_wait3A_1198, %dma_wait3A_1199] : memref<8x1024x1024xf32, #tpu.memory_space<vmem>> -> memref<1x1024x1024xf32, #tpu.memory_space<vmem>>
    %dma_wait3A_1201 = tpu.memref_squeeze %dma_wait3A_1200 : memref<1x1024x1024xf32, #tpu.memory_space<vmem>> -> memref<1024x1024xf32, #tpu.memory_space<vmem>>
    tpu.wait_dma2 semaphore(%dma_wait3A_1193 : memref<!tpu.dma_semaphore, #tpu.memory_space<semaphore_mem>>) src(%dma_wait3A_1201 : memref<1024x1024xf32, #tpu.memory_space<vmem>>) dst(%dma_wait3A_1197 : memref<1024x1024xf32, #tpu.memory_space<hbm>>)
    %get3A_1202 = arith.constant 6 : index
    %get3A_1203 = memref.load %arg0[%get3A_1202] : memref<8xi32, #tpu.memory_space<smem>>
    %dma_start3A_1204 = arith.constant 0 : i32
    %dma_start3A_1205 = arith.constant 0 : i32
    %dma_start3A_1206 = tpu.memref_slice %arg4[%dma_start3A_1205] : memref<8x!tpu.dma_semaphore, #tpu.memory_space<semaphore_mem>> -> memref<1x!tpu.dma_semaphore, #tpu.memory_space<semaphore_mem>>
    %dma_start3A_1207 = tpu.memref_squeeze %dma_start3A_1206 : memref<1x!tpu.dma_semaphore, #tpu.memory_space<semaphore_mem>> -> memref<!tpu.dma_semaphore, #tpu.memory_space<semaphore_mem>>
    %dma_start3A_1208 = arith.constant 0 : i32
    %dma_start3A_1209 = arith.constant 0 : i32
    %dma_start3A_1210 = tpu.memref_slice %arg3[%dma_start3A_1204, %dma_start3A_1208, %dma_start3A_1209] : memref<8x1024x1024xf32, #tpu.memory_space<vmem>> -> memref<1x1024x1024xf32, #tpu.memory_space<vmem>>
    %dma_start3A_1211 = tpu.memref_squeeze %dma_start3A_1210 : memref<1x1024x1024xf32, #tpu.memory_space<vmem>> -> memref<1024x1024xf32, #tpu.memory_space<vmem>>
    %dma_start3A_1212 = arith.constant 0 : i32
    %dma_start3A_1213 = arith.constant 0 : i32
    %dma_start3A_1214 = tpu.memref_slice %arg1[%get3A_1203, %dma_start3A_1212, %dma_start3A_1213] : memref<16x4096x1024xf32, #tpu.memory_space<hbm>> -> memref<1x1024x1024xf32, #tpu.memory_space<hbm>>
    %dma_start3A_1215 = tpu.memref_squeeze %dma_start3A_1214 : memref<1x1024x1024xf32, #tpu.memory_space<hbm>> -> memref<1024x1024xf32, #tpu.memory_space<hbm>>
    tpu.enqueue_dma source(%dma_start3A_1215 : memref<1024x1024xf32, #tpu.memory_space<hbm>>) target(%dma_start3A_1211 : memref<1024x1024xf32, #tpu.memory_space<vmem>>) target_semaphore(%dma_start3A_1207 : memref<!tpu.dma_semaphore, #tpu.memory_space<semaphore_mem>>)
    %dma_wait3A_1216 = arith.constant 1 : i32
    %dma_wait3A_1217 = arith.constant 4 : i32
    %dma_wait3A_1218 = arith.constant 1 : i32
    %dma_wait3A_1219 = tpu.memref_slice %arg5[%dma_wait3A_1218] : memref<8x!tpu.dma_semaphore, #tpu.memory_space<semaphore_mem>> -> memref<1x!tpu.dma_semaphore, #tpu.memory_space<semaphore_mem>>
    %dma_wait3A_1220 = tpu.memref_squeeze %dma_wait3A_1219 : memref<1x!tpu.dma_semaphore, #tpu.memory_space<semaphore_mem>> -> memref<!tpu.dma_semaphore, #tpu.memory_space<semaphore_mem>>
    %dma_wait3A_1221 = arith.constant 1024 : i32
    %dma_wait3A_1222 = arith.constant 0 : i32
    %dma_wait3A_1223 = tpu.memref_slice %arg2[%dma_wait3A_1217, %dma_wait3A_1221, %dma_wait3A_1222] : memref<8x4096x1024xf32, #tpu.memory_space<hbm>> -> memref<1x1024x1024xf32, #tpu.memory_space<hbm>>
    %dma_wait3A_1224 = tpu.memref_squeeze %dma_wait3A_1223 : memref<1x1024x1024xf32, #tpu.memory_space<hbm>> -> memref<1024x1024xf32, #tpu.memory_space<hbm>>
    %dma_wait3A_1225 = arith.constant 0 : i32
    %dma_wait3A_1226 = arith.constant 0 : i32
    %dma_wait3A_1227 = tpu.memref_slice %arg3[%dma_wait3A_1216, %dma_wait3A_1225, %dma_wait3A_1226] : memref<8x1024x1024xf32, #tpu.memory_space<vmem>> -> memref<1x1024x1024xf32, #tpu.memory_space<vmem>>
    %dma_wait3A_1228 = tpu.memref_squeeze %dma_wait3A_1227 : memref<1x1024x1024xf32, #tpu.memory_space<vmem>> -> memref<1024x1024xf32, #tpu.memory_space<vmem>>
    tpu.wait_dma2 semaphore(%dma_wait3A_1220 : memref<!tpu.dma_semaphore, #tpu.memory_space<semaphore_mem>>) src(%dma_wait3A_1228 : memref<1024x1024xf32, #tpu.memory_space<vmem>>) dst(%dma_wait3A_1224 : memref<1024x1024xf32, #tpu.memory_space<hbm>>)
    %get3A_1229 = arith.constant 6 : index
    %get3A_1230 = memref.load %arg0[%get3A_1229] : memref<8xi32, #tpu.memory_space<smem>>
    %dma_start3A_1231 = arith.constant 1 : i32
    %dma_start3A_1232 = arith.constant 1 : i32
    %dma_start3A_1233 = tpu.memref_slice %arg4[%dma_start3A_1232] : memref<8x!tpu.dma_semaphore, #tpu.memory_space<semaphore_mem>> -> memref<1x!tpu.dma_semaphore, #tpu.memory_space<semaphore_mem>>
    %dma_start3A_1234 = tpu.memref_squeeze %dma_start3A_1233 : memref<1x!tpu.dma_semaphore, #tpu.memory_space<semaphore_mem>> -> memref<!tpu.dma_semaphore, #tpu.memory_space<semaphore_mem>>
    %dma_start3A_1235 = arith.constant 0 : i32
    %dma_start3A_1236 = arith.constant 0 : i32
    %dma_start3A_1237 = tpu.memref_slice %arg3[%dma_start3A_1231, %dma_start3A_1235, %dma_start3A_1236] : memref<8x1024x1024xf32, #tpu.memory_space<vmem>> -> memref<1x1024x1024xf32, #tpu.memory_space<vmem>>
    %dma_start3A_1238 = tpu.memref_squeeze %dma_start3A_1237 : memref<1x1024x1024xf32, #tpu.memory_space<vmem>> -> memref<1024x1024xf32, #tpu.memory_space<vmem>>
    %dma_start3A_1239 = arith.constant 1024 : i32
    %dma_start3A_1240 = arith.constant 0 : i32
    %dma_start3A_1241 = tpu.memref_slice %arg1[%get3A_1230, %dma_start3A_1239, %dma_start3A_1240] : memref<16x4096x1024xf32, #tpu.memory_space<hbm>> -> memref<1x1024x1024xf32, #tpu.memory_space<hbm>>
    %dma_start3A_1242 = tpu.memref_squeeze %dma_start3A_1241 : memref<1x1024x1024xf32, #tpu.memory_space<hbm>> -> memref<1024x1024xf32, #tpu.memory_space<hbm>>
    tpu.enqueue_dma source(%dma_start3A_1242 : memref<1024x1024xf32, #tpu.memory_space<hbm>>) target(%dma_start3A_1238 : memref<1024x1024xf32, #tpu.memory_space<vmem>>) target_semaphore(%dma_start3A_1234 : memref<!tpu.dma_semaphore, #tpu.memory_space<semaphore_mem>>)
    %dma_wait3A_1243 = arith.constant 2 : i32
    %dma_wait3A_1244 = arith.constant 4 : i32
    %dma_wait3A_1245 = arith.constant 2 : i32
    %dma_wait3A_1246 = tpu.memref_slice %arg5[%dma_wait3A_1245] : memref<8x!tpu.dma_semaphore, #tpu.memory_space<semaphore_mem>> -> memref<1x!tpu.dma_semaphore, #tpu.memory_space<semaphore_mem>>
    %dma_wait3A_1247 = tpu.memref_squeeze %dma_wait3A_1246 : memref<1x!tpu.dma_semaphore, #tpu.memory_space<semaphore_mem>> -> memref<!tpu.dma_semaphore, #tpu.memory_space<semaphore_mem>>
    %dma_wait3A_1248 = arith.constant 2048 : i32
    %dma_wait3A_1249 = arith.constant 0 : i32
    %dma_wait3A_1250 = tpu.memref_slice %arg2[%dma_wait3A_1244, %dma_wait3A_1248, %dma_wait3A_1249] : memref<8x4096x1024xf32, #tpu.memory_space<hbm>> -> memref<1x1024x1024xf32, #tpu.memory_space<hbm>>
    %dma_wait3A_1251 = tpu.memref_squeeze %dma_wait3A_1250 : memref<1x1024x1024xf32, #tpu.memory_space<hbm>> -> memref<1024x1024xf32, #tpu.memory_space<hbm>>
    %dma_wait3A_1252 = arith.constant 0 : i32
    %dma_wait3A_1253 = arith.constant 0 : i32
    %dma_wait3A_1254 = tpu.memref_slice %arg3[%dma_wait3A_1243, %dma_wait3A_1252, %dma_wait3A_1253] : memref<8x1024x1024xf32, #tpu.memory_space<vmem>> -> memref<1x1024x1024xf32, #tpu.memory_space<vmem>>
    %dma_wait3A_1255 = tpu.memref_squeeze %dma_wait3A_1254 : memref<1x1024x1024xf32, #tpu.memory_space<vmem>> -> memref<1024x1024xf32, #tpu.memory_space<vmem>>
    tpu.wait_dma2 semaphore(%dma_wait3A_1247 : memref<!tpu.dma_semaphore, #tpu.memory_space<semaphore_mem>>) src(%dma_wait3A_1255 : memref<1024x1024xf32, #tpu.memory_space<vmem>>) dst(%dma_wait3A_1251 : memref<1024x1024xf32, #tpu.memory_space<hbm>>)
    %get3A_1256 = arith.constant 6 : index
    %get3A_1257 = memref.load %arg0[%get3A_1256] : memref<8xi32, #tpu.memory_space<smem>>
    %dma_start3A_1258 = arith.constant 2 : i32
    %dma_start3A_1259 = arith.constant 2 : i32
    %dma_start3A_1260 = tpu.memref_slice %arg4[%dma_start3A_1259] : memref<8x!tpu.dma_semaphore, #tpu.memory_space<semaphore_mem>> -> memref<1x!tpu.dma_semaphore, #tpu.memory_space<semaphore_mem>>
    %dma_start3A_1261 = tpu.memref_squeeze %dma_start3A_1260 : memref<1x!tpu.dma_semaphore, #tpu.memory_space<semaphore_mem>> -> memref<!tpu.dma_semaphore, #tpu.memory_space<semaphore_mem>>
    %dma_start3A_1262 = arith.constant 0 : i32
    %dma_start3A_1263 = arith.constant 0 : i32
    %dma_start3A_1264 = tpu.memref_slice %arg3[%dma_start3A_1258, %dma_start3A_1262, %dma_start3A_1263] : memref<8x1024x1024xf32, #tpu.memory_space<vmem>> -> memref<1x1024x1024xf32, #tpu.memory_space<vmem>>
    %dma_start3A_1265 = tpu.memref_squeeze %dma_start3A_1264 : memref<1x1024x1024xf32, #tpu.memory_space<vmem>> -> memref<1024x1024xf32, #tpu.memory_space<vmem>>
    %dma_start3A_1266 = arith.constant 2048 : i32
    %dma_start3A_1267 = arith.constant 0 : i32
    %dma_start3A_1268 = tpu.memref_slice %arg1[%get3A_1257, %dma_start3A_1266, %dma_start3A_1267] : memref<16x4096x1024xf32, #tpu.memory_space<hbm>> -> memref<1x1024x1024xf32, #tpu.memory_space<hbm>>
    %dma_start3A_1269 = tpu.memref_squeeze %dma_start3A_1268 : memref<1x1024x1024xf32, #tpu.memory_space<hbm>> -> memref<1024x1024xf32, #tpu.memory_space<hbm>>
    tpu.enqueue_dma source(%dma_start3A_1269 : memref<1024x1024xf32, #tpu.memory_space<hbm>>) target(%dma_start3A_1265 : memref<1024x1024xf32, #tpu.memory_space<vmem>>) target_semaphore(%dma_start3A_1261 : memref<!tpu.dma_semaphore, #tpu.memory_space<semaphore_mem>>)
    %dma_wait3A_1270 = arith.constant 3 : i32
    %dma_wait3A_1271 = arith.constant 4 : i32
    %dma_wait3A_1272 = arith.constant 3 : i32
    %dma_wait3A_1273 = tpu.memref_slice %arg5[%dma_wait3A_1272] : memref<8x!tpu.dma_semaphore, #tpu.memory_space<semaphore_mem>> -> memref<1x!tpu.dma_semaphore, #tpu.memory_space<semaphore_mem>>
    %dma_wait3A_1274 = tpu.memref_squeeze %dma_wait3A_1273 : memref<1x!tpu.dma_semaphore, #tpu.memory_space<semaphore_mem>> -> memref<!tpu.dma_semaphore, #tpu.memory_space<semaphore_mem>>
    %dma_wait3A_1275 = arith.constant 3072 : i32
    %dma_wait3A_1276 = arith.constant 0 : i32
    %dma_wait3A_1277 = tpu.memref_slice %arg2[%dma_wait3A_1271, %dma_wait3A_1275, %dma_wait3A_1276] : memref<8x4096x1024xf32, #tpu.memory_space<hbm>> -> memref<1x1024x1024xf32, #tpu.memory_space<hbm>>
    %dma_wait3A_1278 = tpu.memref_squeeze %dma_wait3A_1277 : memref<1x1024x1024xf32, #tpu.memory_space<hbm>> -> memref<1024x1024xf32, #tpu.memory_space<hbm>>
    %dma_wait3A_1279 = arith.constant 0 : i32
    %dma_wait3A_1280 = arith.constant 0 : i32
    %dma_wait3A_1281 = tpu.memref_slice %arg3[%dma_wait3A_1270, %dma_wait3A_1279, %dma_wait3A_1280] : memref<8x1024x1024xf32, #tpu.memory_space<vmem>> -> memref<1x1024x1024xf32, #tpu.memory_space<vmem>>
    %dma_wait3A_1282 = tpu.memref_squeeze %dma_wait3A_1281 : memref<1x1024x1024xf32, #tpu.memory_space<vmem>> -> memref<1024x1024xf32, #tpu.memory_space<vmem>>
    tpu.wait_dma2 semaphore(%dma_wait3A_1274 : memref<!tpu.dma_semaphore, #tpu.memory_space<semaphore_mem>>) src(%dma_wait3A_1282 : memref<1024x1024xf32, #tpu.memory_space<vmem>>) dst(%dma_wait3A_1278 : memref<1024x1024xf32, #tpu.memory_space<hbm>>)
    %get3A_1283 = arith.constant 6 : index
    %get3A_1284 = memref.load %arg0[%get3A_1283] : memref<8xi32, #tpu.memory_space<smem>>
    %dma_start3A_1285 = arith.constant 3 : i32
    %dma_start3A_1286 = arith.constant 3 : i32
    %dma_start3A_1287 = tpu.memref_slice %arg4[%dma_start3A_1286] : memref<8x!tpu.dma_semaphore, #tpu.memory_space<semaphore_mem>> -> memref<1x!tpu.dma_semaphore, #tpu.memory_space<semaphore_mem>>
    %dma_start3A_1288 = tpu.memref_squeeze %dma_start3A_1287 : memref<1x!tpu.dma_semaphore, #tpu.memory_space<semaphore_mem>> -> memref<!tpu.dma_semaphore, #tpu.memory_space<semaphore_mem>>
    %dma_start3A_1289 = arith.constant 0 : i32
    %dma_start3A_1290 = arith.constant 0 : i32
    %dma_start3A_1291 = tpu.memref_slice %arg3[%dma_start3A_1285, %dma_start3A_1289, %dma_start3A_1290] : memref<8x1024x1024xf32, #tpu.memory_space<vmem>> -> memref<1x1024x1024xf32, #tpu.memory_space<vmem>>
    %dma_start3A_1292 = tpu.memref_squeeze %dma_start3A_1291 : memref<1x1024x1024xf32, #tpu.memory_space<vmem>> -> memref<1024x1024xf32, #tpu.memory_space<vmem>>
    %dma_start3A_1293 = arith.constant 3072 : i32
    %dma_start3A_1294 = arith.constant 0 : i32
    %dma_start3A_1295 = tpu.memref_slice %arg1[%get3A_1284, %dma_start3A_1293, %dma_start3A_1294] : memref<16x4096x1024xf32, #tpu.memory_space<hbm>> -> memref<1x1024x1024xf32, #tpu.memory_space<hbm>>
    %dma_start3A_1296 = tpu.memref_squeeze %dma_start3A_1295 : memref<1x1024x1024xf32, #tpu.memory_space<hbm>> -> memref<1024x1024xf32, #tpu.memory_space<hbm>>
    tpu.enqueue_dma source(%dma_start3A_1296 : memref<1024x1024xf32, #tpu.memory_space<hbm>>) target(%dma_start3A_1292 : memref<1024x1024xf32, #tpu.memory_space<vmem>>) target_semaphore(%dma_start3A_1288 : memref<!tpu.dma_semaphore, #tpu.memory_space<semaphore_mem>>)
    %dma_wait3A_1297 = arith.constant 4 : i32
    %dma_wait3A_1298 = arith.constant 5 : i32
    %dma_wait3A_1299 = arith.constant 4 : i32
    %dma_wait3A_1300 = tpu.memref_slice %arg5[%dma_wait3A_1299] : memref<8x!tpu.dma_semaphore, #tpu.memory_space<semaphore_mem>> -> memref<1x!tpu.dma_semaphore, #tpu.memory_space<semaphore_mem>>
    %dma_wait3A_1301 = tpu.memref_squeeze %dma_wait3A_1300 : memref<1x!tpu.dma_semaphore, #tpu.memory_space<semaphore_mem>> -> memref<!tpu.dma_semaphore, #tpu.memory_space<semaphore_mem>>
    %dma_wait3A_1302 = arith.constant 0 : i32
    %dma_wait3A_1303 = arith.constant 0 : i32
    %dma_wait3A_1304 = tpu.memref_slice %arg2[%dma_wait3A_1298, %dma_wait3A_1302, %dma_wait3A_1303] : memref<8x4096x1024xf32, #tpu.memory_space<hbm>> -> memref<1x1024x1024xf32, #tpu.memory_space<hbm>>
    %dma_wait3A_1305 = tpu.memref_squeeze %dma_wait3A_1304 : memref<1x1024x1024xf32, #tpu.memory_space<hbm>> -> memref<1024x1024xf32, #tpu.memory_space<hbm>>
    %dma_wait3A_1306 = arith.constant 0 : i32
    %dma_wait3A_1307 = arith.constant 0 : i32
    %dma_wait3A_1308 = tpu.memref_slice %arg3[%dma_wait3A_1297, %dma_wait3A_1306, %dma_wait3A_1307] : memref<8x1024x1024xf32, #tpu.memory_space<vmem>> -> memref<1x1024x1024xf32, #tpu.memory_space<vmem>>
    %dma_wait3A_1309 = tpu.memref_squeeze %dma_wait3A_1308 : memref<1x1024x1024xf32, #tpu.memory_space<vmem>> -> memref<1024x1024xf32, #tpu.memory_space<vmem>>
    tpu.wait_dma2 semaphore(%dma_wait3A_1301 : memref<!tpu.dma_semaphore, #tpu.memory_space<semaphore_mem>>) src(%dma_wait3A_1309 : memref<1024x1024xf32, #tpu.memory_space<vmem>>) dst(%dma_wait3A_1305 : memref<1024x1024xf32, #tpu.memory_space<hbm>>)
    %get3A_1310 = arith.constant 7 : index
    %get3A_1311 = memref.load %arg0[%get3A_1310] : memref<8xi32, #tpu.memory_space<smem>>
    %dma_start3A_1312 = arith.constant 4 : i32
    %dma_start3A_1313 = arith.constant 4 : i32
    %dma_start3A_1314 = tpu.memref_slice %arg4[%dma_start3A_1313] : memref<8x!tpu.dma_semaphore, #tpu.memory_space<semaphore_mem>> -> memref<1x!tpu.dma_semaphore, #tpu.memory_space<semaphore_mem>>
    %dma_start3A_1315 = tpu.memref_squeeze %dma_start3A_1314 : memref<1x!tpu.dma_semaphore, #tpu.memory_space<semaphore_mem>> -> memref<!tpu.dma_semaphore, #tpu.memory_space<semaphore_mem>>
    %dma_start3A_1316 = arith.constant 0 : i32
    %dma_start3A_1317 = arith.constant 0 : i32
    %dma_start3A_1318 = tpu.memref_slice %arg3[%dma_start3A_1312, %dma_start3A_1316, %dma_start3A_1317] : memref<8x1024x1024xf32, #tpu.memory_space<vmem>> -> memref<1x1024x1024xf32, #tpu.memory_space<vmem>>
    %dma_start3A_1319 = tpu.memref_squeeze %dma_start3A_1318 : memref<1x1024x1024xf32, #tpu.memory_space<vmem>> -> memref<1024x1024xf32, #tpu.memory_space<vmem>>
    %dma_start3A_1320 = arith.constant 0 : i32
    %dma_start3A_1321 = arith.constant 0 : i32
    %dma_start3A_1322 = tpu.memref_slice %arg1[%get3A_1311, %dma_start3A_1320, %dma_start3A_1321] : memref<16x4096x1024xf32, #tpu.memory_space<hbm>> -> memref<1x1024x1024xf32, #tpu.memory_space<hbm>>
    %dma_start3A_1323 = tpu.memref_squeeze %dma_start3A_1322 : memref<1x1024x1024xf32, #tpu.memory_space<hbm>> -> memref<1024x1024xf32, #tpu.memory_space<hbm>>
    tpu.enqueue_dma source(%dma_start3A_1323 : memref<1024x1024xf32, #tpu.memory_space<hbm>>) target(%dma_start3A_1319 : memref<1024x1024xf32, #tpu.memory_space<vmem>>) target_semaphore(%dma_start3A_1315 : memref<!tpu.dma_semaphore, #tpu.memory_space<semaphore_mem>>)
    %dma_wait3A_1324 = arith.constant 5 : i32
    %dma_wait3A_1325 = arith.constant 5 : i32
    %dma_wait3A_1326 = arith.constant 5 : i32
    %dma_wait3A_1327 = tpu.memref_slice %arg5[%dma_wait3A_1326] : memref<8x!tpu.dma_semaphore, #tpu.memory_space<semaphore_mem>> -> memref<1x!tpu.dma_semaphore, #tpu.memory_space<semaphore_mem>>
    %dma_wait3A_1328 = tpu.memref_squeeze %dma_wait3A_1327 : memref<1x!tpu.dma_semaphore, #tpu.memory_space<semaphore_mem>> -> memref<!tpu.dma_semaphore, #tpu.memory_space<semaphore_mem>>
    %dma_wait3A_1329 = arith.constant 1024 : i32
    %dma_wait3A_1330 = arith.constant 0 : i32
    %dma_wait3A_1331 = tpu.memref_slice %arg2[%dma_wait3A_1325, %dma_wait3A_1329, %dma_wait3A_1330] : memref<8x4096x1024xf32, #tpu.memory_space<hbm>> -> memref<1x1024x1024xf32, #tpu.memory_space<hbm>>
    %dma_wait3A_1332 = tpu.memref_squeeze %dma_wait3A_1331 : memref<1x1024x1024xf32, #tpu.memory_space<hbm>> -> memref<1024x1024xf32, #tpu.memory_space<hbm>>
    %dma_wait3A_1333 = arith.constant 0 : i32
    %dma_wait3A_1334 = arith.constant 0 : i32
    %dma_wait3A_1335 = tpu.memref_slice %arg3[%dma_wait3A_1324, %dma_wait3A_1333, %dma_wait3A_1334] : memref<8x1024x1024xf32, #tpu.memory_space<vmem>> -> memref<1x1024x1024xf32, #tpu.memory_space<vmem>>
    %dma_wait3A_1336 = tpu.memref_squeeze %dma_wait3A_1335 : memref<1x1024x1024xf32, #tpu.memory_space<vmem>> -> memref<1024x1024xf32, #tpu.memory_space<vmem>>
    tpu.wait_dma2 semaphore(%dma_wait3A_1328 : memref<!tpu.dma_semaphore, #tpu.memory_space<semaphore_mem>>) src(%dma_wait3A_1336 : memref<1024x1024xf32, #tpu.memory_space<vmem>>) dst(%dma_wait3A_1332 : memref<1024x1024xf32, #tpu.memory_space<hbm>>)
    %get3A_1337 = arith.constant 7 : index
    %get3A_1338 = memref.load %arg0[%get3A_1337] : memref<8xi32, #tpu.memory_space<smem>>
    %dma_start3A_1339 = arith.constant 5 : i32
    %dma_start3A_1340 = arith.constant 5 : i32
    %dma_start3A_1341 = tpu.memref_slice %arg4[%dma_start3A_1340] : memref<8x!tpu.dma_semaphore, #tpu.memory_space<semaphore_mem>> -> memref<1x!tpu.dma_semaphore, #tpu.memory_space<semaphore_mem>>
    %dma_start3A_1342 = tpu.memref_squeeze %dma_start3A_1341 : memref<1x!tpu.dma_semaphore, #tpu.memory_space<semaphore_mem>> -> memref<!tpu.dma_semaphore, #tpu.memory_space<semaphore_mem>>
    %dma_start3A_1343 = arith.constant 0 : i32
    %dma_start3A_1344 = arith.constant 0 : i32
    %dma_start3A_1345 = tpu.memref_slice %arg3[%dma_start3A_1339, %dma_start3A_1343, %dma_start3A_1344] : memref<8x1024x1024xf32, #tpu.memory_space<vmem>> -> memref<1x1024x1024xf32, #tpu.memory_space<vmem>>
    %dma_start3A_1346 = tpu.memref_squeeze %dma_start3A_1345 : memref<1x1024x1024xf32, #tpu.memory_space<vmem>> -> memref<1024x1024xf32, #tpu.memory_space<vmem>>
    %dma_start3A_1347 = arith.constant 1024 : i32
    %dma_start3A_1348 = arith.constant 0 : i32
    %dma_start3A_1349 = tpu.memref_slice %arg1[%get3A_1338, %dma_start3A_1347, %dma_start3A_1348] : memref<16x4096x1024xf32, #tpu.memory_space<hbm>> -> memref<1x1024x1024xf32, #tpu.memory_space<hbm>>
    %dma_start3A_1350 = tpu.memref_squeeze %dma_start3A_1349 : memref<1x1024x1024xf32, #tpu.memory_space<hbm>> -> memref<1024x1024xf32, #tpu.memory_space<hbm>>
    tpu.enqueue_dma source(%dma_start3A_1350 : memref<1024x1024xf32, #tpu.memory_space<hbm>>) target(%dma_start3A_1346 : memref<1024x1024xf32, #tpu.memory_space<vmem>>) target_semaphore(%dma_start3A_1342 : memref<!tpu.dma_semaphore, #tpu.memory_space<semaphore_mem>>)
    %dma_wait3A_1351 = arith.constant 6 : i32
    %dma_wait3A_1352 = arith.constant 5 : i32
    %dma_wait3A_1353 = arith.constant 6 : i32
    %dma_wait3A_1354 = tpu.memref_slice %arg5[%dma_wait3A_1353] : memref<8x!tpu.dma_semaphore, #tpu.memory_space<semaphore_mem>> -> memref<1x!tpu.dma_semaphore, #tpu.memory_space<semaphore_mem>>
    %dma_wait3A_1355 = tpu.memref_squeeze %dma_wait3A_1354 : memref<1x!tpu.dma_semaphore, #tpu.memory_space<semaphore_mem>> -> memref<!tpu.dma_semaphore, #tpu.memory_space<semaphore_mem>>
    %dma_wait3A_1356 = arith.constant 2048 : i32
    %dma_wait3A_1357 = arith.constant 0 : i32
    %dma_wait3A_1358 = tpu.memref_slice %arg2[%dma_wait3A_1352, %dma_wait3A_1356, %dma_wait3A_1357] : memref<8x4096x1024xf32, #tpu.memory_space<hbm>> -> memref<1x1024x1024xf32, #tpu.memory_space<hbm>>
    %dma_wait3A_1359 = tpu.memref_squeeze %dma_wait3A_1358 : memref<1x1024x1024xf32, #tpu.memory_space<hbm>> -> memref<1024x1024xf32, #tpu.memory_space<hbm>>
    %dma_wait3A_1360 = arith.constant 0 : i32
    %dma_wait3A_1361 = arith.constant 0 : i32
    %dma_wait3A_1362 = tpu.memref_slice %arg3[%dma_wait3A_1351, %dma_wait3A_1360, %dma_wait3A_1361] : memref<8x1024x1024xf32, #tpu.memory_space<vmem>> -> memref<1x1024x1024xf32, #tpu.memory_space<vmem>>
    %dma_wait3A_1363 = tpu.memref_squeeze %dma_wait3A_1362 : memref<1x1024x1024xf32, #tpu.memory_space<vmem>> -> memref<1024x1024xf32, #tpu.memory_space<vmem>>
    tpu.wait_dma2 semaphore(%dma_wait3A_1355 : memref<!tpu.dma_semaphore, #tpu.memory_space<semaphore_mem>>) src(%dma_wait3A_1363 : memref<1024x1024xf32, #tpu.memory_space<vmem>>) dst(%dma_wait3A_1359 : memref<1024x1024xf32, #tpu.memory_space<hbm>>)
    %get3A_1364 = arith.constant 7 : index
    %get3A_1365 = memref.load %arg0[%get3A_1364] : memref<8xi32, #tpu.memory_space<smem>>
    %dma_start3A_1366 = arith.constant 6 : i32
    %dma_start3A_1367 = arith.constant 6 : i32
    %dma_start3A_1368 = tpu.memref_slice %arg4[%dma_start3A_1367] : memref<8x!tpu.dma_semaphore, #tpu.memory_space<semaphore_mem>> -> memref<1x!tpu.dma_semaphore, #tpu.memory_space<semaphore_mem>>
    %dma_start3A_1369 = tpu.memref_squeeze %dma_start3A_1368 : memref<1x!tpu.dma_semaphore, #tpu.memory_space<semaphore_mem>> -> memref<!tpu.dma_semaphore, #tpu.memory_space<semaphore_mem>>
    %dma_start3A_1370 = arith.constant 0 : i32
    %dma_start3A_1371 = arith.constant 0 : i32
    %dma_start3A_1372 = tpu.memref_slice %arg3[%dma_start3A_1366, %dma_start3A_1370, %dma_start3A_1371] : memref<8x1024x1024xf32, #tpu.memory_space<vmem>> -> memref<1x1024x1024xf32, #tpu.memory_space<vmem>>
    %dma_start3A_1373 = tpu.memref_squeeze %dma_start3A_1372 : memref<1x1024x1024xf32, #tpu.memory_space<vmem>> -> memref<1024x1024xf32, #tpu.memory_space<vmem>>
    %dma_start3A_1374 = arith.constant 2048 : i32
    %dma_start3A_1375 = arith.constant 0 : i32
    %dma_start3A_1376 = tpu.memref_slice %arg1[%get3A_1365, %dma_start3A_1374, %dma_start3A_1375] : memref<16x4096x1024xf32, #tpu.memory_space<hbm>> -> memref<1x1024x1024xf32, #tpu.memory_space<hbm>>
    %dma_start3A_1377 = tpu.memref_squeeze %dma_start3A_1376 : memref<1x1024x1024xf32, #tpu.memory_space<hbm>> -> memref<1024x1024xf32, #tpu.memory_space<hbm>>
    tpu.enqueue_dma source(%dma_start3A_1377 : memref<1024x1024xf32, #tpu.memory_space<hbm>>) target(%dma_start3A_1373 : memref<1024x1024xf32, #tpu.memory_space<vmem>>) target_semaphore(%dma_start3A_1369 : memref<!tpu.dma_semaphore, #tpu.memory_space<semaphore_mem>>)
    %dma_wait3A_1378 = arith.constant 7 : i32
    %dma_wait3A_1379 = arith.constant 5 : i32
    %dma_wait3A_1380 = arith.constant 7 : i32
    %dma_wait3A_1381 = tpu.memref_slice %arg5[%dma_wait3A_1380] : memref<8x!tpu.dma_semaphore, #tpu.memory_space<semaphore_mem>> -> memref<1x!tpu.dma_semaphore, #tpu.memory_space<semaphore_mem>>
    %dma_wait3A_1382 = tpu.memref_squeeze %dma_wait3A_1381 : memref<1x!tpu.dma_semaphore, #tpu.memory_space<semaphore_mem>> -> memref<!tpu.dma_semaphore, #tpu.memory_space<semaphore_mem>>
    %dma_wait3A_1383 = arith.constant 3072 : i32
    %dma_wait3A_1384 = arith.constant 0 : i32
    %dma_wait3A_1385 = tpu.memref_slice %arg2[%dma_wait3A_1379, %dma_wait3A_1383, %dma_wait3A_1384] : memref<8x4096x1024xf32, #tpu.memory_space<hbm>> -> memref<1x1024x1024xf32, #tpu.memory_space<hbm>>
    %dma_wait3A_1386 = tpu.memref_squeeze %dma_wait3A_1385 : memref<1x1024x1024xf32, #tpu.memory_space<hbm>> -> memref<1024x1024xf32, #tpu.memory_space<hbm>>
    %dma_wait3A_1387 = arith.constant 0 : i32
    %dma_wait3A_1388 = arith.constant 0 : i32
    %dma_wait3A_1389 = tpu.memref_slice %arg3[%dma_wait3A_1378, %dma_wait3A_1387, %dma_wait3A_1388] : memref<8x1024x1024xf32, #tpu.memory_space<vmem>> -> memref<1x1024x1024xf32, #tpu.memory_space<vmem>>
    %dma_wait3A_1390 = tpu.memref_squeeze %dma_wait3A_1389 : memref<1x1024x1024xf32, #tpu.memory_space<vmem>> -> memref<1024x1024xf32, #tpu.memory_space<vmem>>
    tpu.wait_dma2 semaphore(%dma_wait3A_1382 : memref<!tpu.dma_semaphore, #tpu.memory_space<semaphore_mem>>) src(%dma_wait3A_1390 : memref<1024x1024xf32, #tpu.memory_space<vmem>>) dst(%dma_wait3A_1386 : memref<1024x1024xf32, #tpu.memory_space<hbm>>)
    %get3A_1391 = arith.constant 7 : index
    %get3A_1392 = memref.load %arg0[%get3A_1391] : memref<8xi32, #tpu.memory_space<smem>>
    %dma_start3A_1393 = arith.constant 7 : i32
    %dma_start3A_1394 = arith.constant 7 : i32
    %dma_start3A_1395 = tpu.memref_slice %arg4[%dma_start3A_1394] : memref<8x!tpu.dma_semaphore, #tpu.memory_space<semaphore_mem>> -> memref<1x!tpu.dma_semaphore, #tpu.memory_space<semaphore_mem>>
    %dma_start3A_1396 = tpu.memref_squeeze %dma_start3A_1395 : memref<1x!tpu.dma_semaphore, #tpu.memory_space<semaphore_mem>> -> memref<!tpu.dma_semaphore, #tpu.memory_space<semaphore_mem>>
    %dma_start3A_1397 = arith.constant 0 : i32
    %dma_start3A_1398 = arith.constant 0 : i32
    %dma_start3A_1399 = tpu.memref_slice %arg3[%dma_start3A_1393, %dma_start3A_1397, %dma_start3A_1398] : memref<8x1024x1024xf32, #tpu.memory_space<vmem>> -> memref<1x1024x1024xf32, #tpu.memory_space<vmem>>
    %dma_start3A_1400 = tpu.memref_squeeze %dma_start3A_1399 : memref<1x1024x1024xf32, #tpu.memory_space<vmem>> -> memref<1024x1024xf32, #tpu.memory_space<vmem>>
    %dma_start3A_1401 = arith.constant 3072 : i32
    %dma_start3A_1402 = arith.constant 0 : i32
    %dma_start3A_1403 = tpu.memref_slice %arg1[%get3A_1392, %dma_start3A_1401, %dma_start3A_1402] : memref<16x4096x1024xf32, #tpu.memory_space<hbm>> -> memref<1x1024x1024xf32, #tpu.memory_space<hbm>>
    %dma_start3A_1404 = tpu.memref_squeeze %dma_start3A_1403 : memref<1x1024x1024xf32, #tpu.memory_space<hbm>> -> memref<1024x1024xf32, #tpu.memory_space<hbm>>
    tpu.enqueue_dma source(%dma_start3A_1404 : memref<1024x1024xf32, #tpu.memory_space<hbm>>) target(%dma_start3A_1400 : memref<1024x1024xf32, #tpu.memory_space<vmem>>) target_semaphore(%dma_start3A_1396 : memref<!tpu.dma_semaphore, #tpu.memory_space<semaphore_mem>>)
    %get3A_1405 = arith.constant 6 : index
    %get3A_1406 = memref.load %arg0[%get3A_1405] : memref<8xi32, #tpu.memory_space<smem>>
    %dma_wait3A_1407 = arith.constant 0 : i32
    %dma_wait3A_1408 = arith.constant 0 : i32
    %dma_wait3A_1409 = tpu.memref_slice %arg4[%dma_wait3A_1408] : memref<8x!tpu.dma_semaphore, #tpu.memory_space<semaphore_mem>> -> memref<1x!tpu.dma_semaphore, #tpu.memory_space<semaphore_mem>>
    %dma_wait3A_1410 = tpu.memref_squeeze %dma_wait3A_1409 : memref<1x!tpu.dma_semaphore, #tpu.memory_space<semaphore_mem>> -> memref<!tpu.dma_semaphore, #tpu.memory_space<semaphore_mem>>
    %dma_wait3A_1411 = arith.constant 0 : i32
    %dma_wait3A_1412 = arith.constant 0 : i32
    %dma_wait3A_1413 = tpu.memref_slice %arg3[%dma_wait3A_1407, %dma_wait3A_1411, %dma_wait3A_1412] : memref<8x1024x1024xf32, #tpu.memory_space<vmem>> -> memref<1x1024x1024xf32, #tpu.memory_space<vmem>>
    %dma_wait3A_1414 = tpu.memref_squeeze %dma_wait3A_1413 : memref<1x1024x1024xf32, #tpu.memory_space<vmem>> -> memref<1024x1024xf32, #tpu.memory_space<vmem>>
    %dma_wait3A_1415 = arith.constant 0 : i32
    %dma_wait3A_1416 = arith.constant 0 : i32
    %dma_wait3A_1417 = tpu.memref_slice %arg1[%get3A_1406, %dma_wait3A_1415, %dma_wait3A_1416] : memref<16x4096x1024xf32, #tpu.memory_space<hbm>> -> memref<1x1024x1024xf32, #tpu.memory_space<hbm>>
    %dma_wait3A_1418 = tpu.memref_squeeze %dma_wait3A_1417 : memref<1x1024x1024xf32, #tpu.memory_space<hbm>> -> memref<1024x1024xf32, #tpu.memory_space<hbm>>
    tpu.wait_dma2 semaphore(%dma_wait3A_1410 : memref<!tpu.dma_semaphore, #tpu.memory_space<semaphore_mem>>) src(%dma_wait3A_1418 : memref<1024x1024xf32, #tpu.memory_space<hbm>>) dst(%dma_wait3A_1414 : memref<1024x1024xf32, #tpu.memory_space<vmem>>)
    %dma_start3A_1419 = arith.constant 0 : i32
    %dma_start3A_1420 = arith.constant 6 : i32
    %dma_start3A_1421 = arith.constant 0 : i32
    %dma_start3A_1422 = tpu.memref_slice %arg5[%dma_start3A_1421] : memref<8x!tpu.dma_semaphore, #tpu.memory_space<semaphore_mem>> -> memref<1x!tpu.dma_semaphore, #tpu.memory_space<semaphore_mem>>
    %dma_start3A_1423 = tpu.memref_squeeze %dma_start3A_1422 : memref<1x!tpu.dma_semaphore, #tpu.memory_space<semaphore_mem>> -> memref<!tpu.dma_semaphore, #tpu.memory_space<semaphore_mem>>
    %dma_start3A_1424 = arith.constant 0 : i32
    %dma_start3A_1425 = arith.constant 0 : i32
    %dma_start3A_1426 = tpu.memref_slice %arg2[%dma_start3A_1420, %dma_start3A_1424, %dma_start3A_1425] : memref<8x4096x1024xf32, #tpu.memory_space<hbm>> -> memref<1x1024x1024xf32, #tpu.memory_space<hbm>>
    %dma_start3A_1427 = tpu.memref_squeeze %dma_start3A_1426 : memref<1x1024x1024xf32, #tpu.memory_space<hbm>> -> memref<1024x1024xf32, #tpu.memory_space<hbm>>
    %dma_start3A_1428 = arith.constant 0 : i32
    %dma_start3A_1429 = arith.constant 0 : i32
    %dma_start3A_1430 = tpu.memref_slice %arg3[%dma_start3A_1419, %dma_start3A_1428, %dma_start3A_1429] : memref<8x1024x1024xf32, #tpu.memory_space<vmem>> -> memref<1x1024x1024xf32, #tpu.memory_space<vmem>>
    %dma_start3A_1431 = tpu.memref_squeeze %dma_start3A_1430 : memref<1x1024x1024xf32, #tpu.memory_space<vmem>> -> memref<1024x1024xf32, #tpu.memory_space<vmem>>
    tpu.enqueue_dma source(%dma_start3A_1431 : memref<1024x1024xf32, #tpu.memory_space<vmem>>) target(%dma_start3A_1427 : memref<1024x1024xf32, #tpu.memory_space<hbm>>) target_semaphore(%dma_start3A_1423 : memref<!tpu.dma_semaphore, #tpu.memory_space<semaphore_mem>>)
    %get3A_1432 = arith.constant 6 : index
    %get3A_1433 = memref.load %arg0[%get3A_1432] : memref<8xi32, #tpu.memory_space<smem>>
    %dma_wait3A_1434 = arith.constant 1 : i32
    %dma_wait3A_1435 = arith.constant 1 : i32
    %dma_wait3A_1436 = tpu.memref_slice %arg4[%dma_wait3A_1435] : memref<8x!tpu.dma_semaphore, #tpu.memory_space<semaphore_mem>> -> memref<1x!tpu.dma_semaphore, #tpu.memory_space<semaphore_mem>>
    %dma_wait3A_1437 = tpu.memref_squeeze %dma_wait3A_1436 : memref<1x!tpu.dma_semaphore, #tpu.memory_space<semaphore_mem>> -> memref<!tpu.dma_semaphore, #tpu.memory_space<semaphore_mem>>
    %dma_wait3A_1438 = arith.constant 0 : i32
    %dma_wait3A_1439 = arith.constant 0 : i32
    %dma_wait3A_1440 = tpu.memref_slice %arg3[%dma_wait3A_1434, %dma_wait3A_1438, %dma_wait3A_1439] : memref<8x1024x1024xf32, #tpu.memory_space<vmem>> -> memref<1x1024x1024xf32, #tpu.memory_space<vmem>>
    %dma_wait3A_1441 = tpu.memref_squeeze %dma_wait3A_1440 : memref<1x1024x1024xf32, #tpu.memory_space<vmem>> -> memref<1024x1024xf32, #tpu.memory_space<vmem>>
    %dma_wait3A_1442 = arith.constant 1024 : i32
    %dma_wait3A_1443 = arith.constant 0 : i32
    %dma_wait3A_1444 = tpu.memref_slice %arg1[%get3A_1433, %dma_wait3A_1442, %dma_wait3A_1443] : memref<16x4096x1024xf32, #tpu.memory_space<hbm>> -> memref<1x1024x1024xf32, #tpu.memory_space<hbm>>
    %dma_wait3A_1445 = tpu.memref_squeeze %dma_wait3A_1444 : memref<1x1024x1024xf32, #tpu.memory_space<hbm>> -> memref<1024x1024xf32, #tpu.memory_space<hbm>>
    tpu.wait_dma2 semaphore(%dma_wait3A_1437 : memref<!tpu.dma_semaphore, #tpu.memory_space<semaphore_mem>>) src(%dma_wait3A_1445 : memref<1024x1024xf32, #tpu.memory_space<hbm>>) dst(%dma_wait3A_1441 : memref<1024x1024xf32, #tpu.memory_space<vmem>>)
    %dma_start3A_1446 = arith.constant 1 : i32
    %dma_start3A_1447 = arith.constant 6 : i32
    %dma_start3A_1448 = arith.constant 1 : i32
    %dma_start3A_1449 = tpu.memref_slice %arg5[%dma_start3A_1448] : memref<8x!tpu.dma_semaphore, #tpu.memory_space<semaphore_mem>> -> memref<1x!tpu.dma_semaphore, #tpu.memory_space<semaphore_mem>>
    %dma_start3A_1450 = tpu.memref_squeeze %dma_start3A_1449 : memref<1x!tpu.dma_semaphore, #tpu.memory_space<semaphore_mem>> -> memref<!tpu.dma_semaphore, #tpu.memory_space<semaphore_mem>>
    %dma_start3A_1451 = arith.constant 1024 : i32
    %dma_start3A_1452 = arith.constant 0 : i32
    %dma_start3A_1453 = tpu.memref_slice %arg2[%dma_start3A_1447, %dma_start3A_1451, %dma_start3A_1452] : memref<8x4096x1024xf32, #tpu.memory_space<hbm>> -> memref<1x1024x1024xf32, #tpu.memory_space<hbm>>
    %dma_start3A_1454 = tpu.memref_squeeze %dma_start3A_1453 : memref<1x1024x1024xf32, #tpu.memory_space<hbm>> -> memref<1024x1024xf32, #tpu.memory_space<hbm>>
    %dma_start3A_1455 = arith.constant 0 : i32
    %dma_start3A_1456 = arith.constant 0 : i32
    %dma_start3A_1457 = tpu.memref_slice %arg3[%dma_start3A_1446, %dma_start3A_1455, %dma_start3A_1456] : memref<8x1024x1024xf32, #tpu.memory_space<vmem>> -> memref<1x1024x1024xf32, #tpu.memory_space<vmem>>
    %dma_start3A_1458 = tpu.memref_squeeze %dma_start3A_1457 : memref<1x1024x1024xf32, #tpu.memory_space<vmem>> -> memref<1024x1024xf32, #tpu.memory_space<vmem>>
    tpu.enqueue_dma source(%dma_start3A_1458 : memref<1024x1024xf32, #tpu.memory_space<vmem>>) target(%dma_start3A_1454 : memref<1024x1024xf32, #tpu.memory_space<hbm>>) target_semaphore(%dma_start3A_1450 : memref<!tpu.dma_semaphore, #tpu.memory_space<semaphore_mem>>)
    %get3A_1459 = arith.constant 6 : index
    %get3A_1460 = memref.load %arg0[%get3A_1459] : memref<8xi32, #tpu.memory_space<smem>>
    %dma_wait3A_1461 = arith.constant 2 : i32
    %dma_wait3A_1462 = arith.constant 2 : i32
    %dma_wait3A_1463 = tpu.memref_slice %arg4[%dma_wait3A_1462] : memref<8x!tpu.dma_semaphore, #tpu.memory_space<semaphore_mem>> -> memref<1x!tpu.dma_semaphore, #tpu.memory_space<semaphore_mem>>
    %dma_wait3A_1464 = tpu.memref_squeeze %dma_wait3A_1463 : memref<1x!tpu.dma_semaphore, #tpu.memory_space<semaphore_mem>> -> memref<!tpu.dma_semaphore, #tpu.memory_space<semaphore_mem>>
    %dma_wait3A_1465 = arith.constant 0 : i32
    %dma_wait3A_1466 = arith.constant 0 : i32
    %dma_wait3A_1467 = tpu.memref_slice %arg3[%dma_wait3A_1461, %dma_wait3A_1465, %dma_wait3A_1466] : memref<8x1024x1024xf32, #tpu.memory_space<vmem>> -> memref<1x1024x1024xf32, #tpu.memory_space<vmem>>
    %dma_wait3A_1468 = tpu.memref_squeeze %dma_wait3A_1467 : memref<1x1024x1024xf32, #tpu.memory_space<vmem>> -> memref<1024x1024xf32, #tpu.memory_space<vmem>>
    %dma_wait3A_1469 = arith.constant 2048 : i32
    %dma_wait3A_1470 = arith.constant 0 : i32
    %dma_wait3A_1471 = tpu.memref_slice %arg1[%get3A_1460, %dma_wait3A_1469, %dma_wait3A_1470] : memref<16x4096x1024xf32, #tpu.memory_space<hbm>> -> memref<1x1024x1024xf32, #tpu.memory_space<hbm>>
    %dma_wait3A_1472 = tpu.memref_squeeze %dma_wait3A_1471 : memref<1x1024x1024xf32, #tpu.memory_space<hbm>> -> memref<1024x1024xf32, #tpu.memory_space<hbm>>
    tpu.wait_dma2 semaphore(%dma_wait3A_1464 : memref<!tpu.dma_semaphore, #tpu.memory_space<semaphore_mem>>) src(%dma_wait3A_1472 : memref<1024x1024xf32, #tpu.memory_space<hbm>>) dst(%dma_wait3A_1468 : memref<1024x1024xf32, #tpu.memory_space<vmem>>)
    %dma_start3A_1473 = arith.constant 2 : i32
    %dma_start3A_1474 = arith.constant 6 : i32
    %dma_start3A_1475 = arith.constant 2 : i32
    %dma_start3A_1476 = tpu.memref_slice %arg5[%dma_start3A_1475] : memref<8x!tpu.dma_semaphore, #tpu.memory_space<semaphore_mem>> -> memref<1x!tpu.dma_semaphore, #tpu.memory_space<semaphore_mem>>
    %dma_start3A_1477 = tpu.memref_squeeze %dma_start3A_1476 : memref<1x!tpu.dma_semaphore, #tpu.memory_space<semaphore_mem>> -> memref<!tpu.dma_semaphore, #tpu.memory_space<semaphore_mem>>
    %dma_start3A_1478 = arith.constant 2048 : i32
    %dma_start3A_1479 = arith.constant 0 : i32
    %dma_start3A_1480 = tpu.memref_slice %arg2[%dma_start3A_1474, %dma_start3A_1478, %dma_start3A_1479] : memref<8x4096x1024xf32, #tpu.memory_space<hbm>> -> memref<1x1024x1024xf32, #tpu.memory_space<hbm>>
    %dma_start3A_1481 = tpu.memref_squeeze %dma_start3A_1480 : memref<1x1024x1024xf32, #tpu.memory_space<hbm>> -> memref<1024x1024xf32, #tpu.memory_space<hbm>>
    %dma_start3A_1482 = arith.constant 0 : i32
    %dma_start3A_1483 = arith.constant 0 : i32
    %dma_start3A_1484 = tpu.memref_slice %arg3[%dma_start3A_1473, %dma_start3A_1482, %dma_start3A_1483] : memref<8x1024x1024xf32, #tpu.memory_space<vmem>> -> memref<1x1024x1024xf32, #tpu.memory_space<vmem>>
    %dma_start3A_1485 = tpu.memref_squeeze %dma_start3A_1484 : memref<1x1024x1024xf32, #tpu.memory_space<vmem>> -> memref<1024x1024xf32, #tpu.memory_space<vmem>>
    tpu.enqueue_dma source(%dma_start3A_1485 : memref<1024x1024xf32, #tpu.memory_space<vmem>>) target(%dma_start3A_1481 : memref<1024x1024xf32, #tpu.memory_space<hbm>>) target_semaphore(%dma_start3A_1477 : memref<!tpu.dma_semaphore, #tpu.memory_space<semaphore_mem>>)
    %get3A_1486 = arith.constant 6 : index
    %get3A_1487 = memref.load %arg0[%get3A_1486] : memref<8xi32, #tpu.memory_space<smem>>
    %dma_wait3A_1488 = arith.constant 3 : i32
    %dma_wait3A_1489 = arith.constant 3 : i32
    %dma_wait3A_1490 = tpu.memref_slice %arg4[%dma_wait3A_1489] : memref<8x!tpu.dma_semaphore, #tpu.memory_space<semaphore_mem>> -> memref<1x!tpu.dma_semaphore, #tpu.memory_space<semaphore_mem>>
    %dma_wait3A_1491 = tpu.memref_squeeze %dma_wait3A_1490 : memref<1x!tpu.dma_semaphore, #tpu.memory_space<semaphore_mem>> -> memref<!tpu.dma_semaphore, #tpu.memory_space<semaphore_mem>>
    %dma_wait3A_1492 = arith.constant 0 : i32
    %dma_wait3A_1493 = arith.constant 0 : i32
    %dma_wait3A_1494 = tpu.memref_slice %arg3[%dma_wait3A_1488, %dma_wait3A_1492, %dma_wait3A_1493] : memref<8x1024x1024xf32, #tpu.memory_space<vmem>> -> memref<1x1024x1024xf32, #tpu.memory_space<vmem>>
    %dma_wait3A_1495 = tpu.memref_squeeze %dma_wait3A_1494 : memref<1x1024x1024xf32, #tpu.memory_space<vmem>> -> memref<1024x1024xf32, #tpu.memory_space<vmem>>
    %dma_wait3A_1496 = arith.constant 3072 : i32
    %dma_wait3A_1497 = arith.constant 0 : i32
    %dma_wait3A_1498 = tpu.memref_slice %arg1[%get3A_1487, %dma_wait3A_1496, %dma_wait3A_1497] : memref<16x4096x1024xf32, #tpu.memory_space<hbm>> -> memref<1x1024x1024xf32, #tpu.memory_space<hbm>>
    %dma_wait3A_1499 = tpu.memref_squeeze %dma_wait3A_1498 : memref<1x1024x1024xf32, #tpu.memory_space<hbm>> -> memref<1024x1024xf32, #tpu.memory_space<hbm>>
    tpu.wait_dma2 semaphore(%dma_wait3A_1491 : memref<!tpu.dma_semaphore, #tpu.memory_space<semaphore_mem>>) src(%dma_wait3A_1499 : memref<1024x1024xf32, #tpu.memory_space<hbm>>) dst(%dma_wait3A_1495 : memref<1024x1024xf32, #tpu.memory_space<vmem>>)
    %dma_start3A_1500 = arith.constant 3 : i32
    %dma_start3A_1501 = arith.constant 6 : i32
    %dma_start3A_1502 = arith.constant 3 : i32
    %dma_start3A_1503 = tpu.memref_slice %arg5[%dma_start3A_1502] : memref<8x!tpu.dma_semaphore, #tpu.memory_space<semaphore_mem>> -> memref<1x!tpu.dma_semaphore, #tpu.memory_space<semaphore_mem>>
    %dma_start3A_1504 = tpu.memref_squeeze %dma_start3A_1503 : memref<1x!tpu.dma_semaphore, #tpu.memory_space<semaphore_mem>> -> memref<!tpu.dma_semaphore, #tpu.memory_space<semaphore_mem>>
    %dma_start3A_1505 = arith.constant 3072 : i32
    %dma_start3A_1506 = arith.constant 0 : i32
    %dma_start3A_1507 = tpu.memref_slice %arg2[%dma_start3A_1501, %dma_start3A_1505, %dma_start3A_1506] : memref<8x4096x1024xf32, #tpu.memory_space<hbm>> -> memref<1x1024x1024xf32, #tpu.memory_space<hbm>>
    %dma_start3A_1508 = tpu.memref_squeeze %dma_start3A_1507 : memref<1x1024x1024xf32, #tpu.memory_space<hbm>> -> memref<1024x1024xf32, #tpu.memory_space<hbm>>
    %dma_start3A_1509 = arith.constant 0 : i32
    %dma_start3A_1510 = arith.constant 0 : i32
    %dma_start3A_1511 = tpu.memref_slice %arg3[%dma_start3A_1500, %dma_start3A_1509, %dma_start3A_1510] : memref<8x1024x1024xf32, #tpu.memory_space<vmem>> -> memref<1x1024x1024xf32, #tpu.memory_space<vmem>>
    %dma_start3A_1512 = tpu.memref_squeeze %dma_start3A_1511 : memref<1x1024x1024xf32, #tpu.memory_space<vmem>> -> memref<1024x1024xf32, #tpu.memory_space<vmem>>
    tpu.enqueue_dma source(%dma_start3A_1512 : memref<1024x1024xf32, #tpu.memory_space<vmem>>) target(%dma_start3A_1508 : memref<1024x1024xf32, #tpu.memory_space<hbm>>) target_semaphore(%dma_start3A_1504 : memref<!tpu.dma_semaphore, #tpu.memory_space<semaphore_mem>>)
    %get3A_1513 = arith.constant 7 : index
    %get3A_1514 = memref.load %arg0[%get3A_1513] : memref<8xi32, #tpu.memory_space<smem>>
    %dma_wait3A_1515 = arith.constant 4 : i32
    %dma_wait3A_1516 = arith.constant 4 : i32
    %dma_wait3A_1517 = tpu.memref_slice %arg4[%dma_wait3A_1516] : memref<8x!tpu.dma_semaphore, #tpu.memory_space<semaphore_mem>> -> memref<1x!tpu.dma_semaphore, #tpu.memory_space<semaphore_mem>>
    %dma_wait3A_1518 = tpu.memref_squeeze %dma_wait3A_1517 : memref<1x!tpu.dma_semaphore, #tpu.memory_space<semaphore_mem>> -> memref<!tpu.dma_semaphore, #tpu.memory_space<semaphore_mem>>
    %dma_wait3A_1519 = arith.constant 0 : i32
    %dma_wait3A_1520 = arith.constant 0 : i32
    %dma_wait3A_1521 = tpu.memref_slice %arg3[%dma_wait3A_1515, %dma_wait3A_1519, %dma_wait3A_1520] : memref<8x1024x1024xf32, #tpu.memory_space<vmem>> -> memref<1x1024x1024xf32, #tpu.memory_space<vmem>>
    %dma_wait3A_1522 = tpu.memref_squeeze %dma_wait3A_1521 : memref<1x1024x1024xf32, #tpu.memory_space<vmem>> -> memref<1024x1024xf32, #tpu.memory_space<vmem>>
    %dma_wait3A_1523 = arith.constant 0 : i32
    %dma_wait3A_1524 = arith.constant 0 : i32
    %dma_wait3A_1525 = tpu.memref_slice %arg1[%get3A_1514, %dma_wait3A_1523, %dma_wait3A_1524] : memref<16x4096x1024xf32, #tpu.memory_space<hbm>> -> memref<1x1024x1024xf32, #tpu.memory_space<hbm>>
    %dma_wait3A_1526 = tpu.memref_squeeze %dma_wait3A_1525 : memref<1x1024x1024xf32, #tpu.memory_space<hbm>> -> memref<1024x1024xf32, #tpu.memory_space<hbm>>
    tpu.wait_dma2 semaphore(%dma_wait3A_1518 : memref<!tpu.dma_semaphore, #tpu.memory_space<semaphore_mem>>) src(%dma_wait3A_1526 : memref<1024x1024xf32, #tpu.memory_space<hbm>>) dst(%dma_wait3A_1522 : memref<1024x1024xf32, #tpu.memory_space<vmem>>)
    %dma_start3A_1527 = arith.constant 4 : i32
    %dma_start3A_1528 = arith.constant 7 : i32
    %dma_start3A_1529 = arith.constant 4 : i32
    %dma_start3A_1530 = tpu.memref_slice %arg5[%dma_start3A_1529] : memref<8x!tpu.dma_semaphore, #tpu.memory_space<semaphore_mem>> -> memref<1x!tpu.dma_semaphore, #tpu.memory_space<semaphore_mem>>
    %dma_start3A_1531 = tpu.memref_squeeze %dma_start3A_1530 : memref<1x!tpu.dma_semaphore, #tpu.memory_space<semaphore_mem>> -> memref<!tpu.dma_semaphore, #tpu.memory_space<semaphore_mem>>
    %dma_start3A_1532 = arith.constant 0 : i32
    %dma_start3A_1533 = arith.constant 0 : i32
    %dma_start3A_1534 = tpu.memref_slice %arg2[%dma_start3A_1528, %dma_start3A_1532, %dma_start3A_1533] : memref<8x4096x1024xf32, #tpu.memory_space<hbm>> -> memref<1x1024x1024xf32, #tpu.memory_space<hbm>>
    %dma_start3A_1535 = tpu.memref_squeeze %dma_start3A_1534 : memref<1x1024x1024xf32, #tpu.memory_space<hbm>> -> memref<1024x1024xf32, #tpu.memory_space<hbm>>
    %dma_start3A_1536 = arith.constant 0 : i32
    %dma_start3A_1537 = arith.constant 0 : i32
    %dma_start3A_1538 = tpu.memref_slice %arg3[%dma_start3A_1527, %dma_start3A_1536, %dma_start3A_1537] : memref<8x1024x1024xf32, #tpu.memory_space<vmem>> -> memref<1x1024x1024xf32, #tpu.memory_space<vmem>>
    %dma_start3A_1539 = tpu.memref_squeeze %dma_start3A_1538 : memref<1x1024x1024xf32, #tpu.memory_space<vmem>> -> memref<1024x1024xf32, #tpu.memory_space<vmem>>
    tpu.enqueue_dma source(%dma_start3A_1539 : memref<1024x1024xf32, #tpu.memory_space<vmem>>) target(%dma_start3A_1535 : memref<1024x1024xf32, #tpu.memory_space<hbm>>) target_semaphore(%dma_start3A_1531 : memref<!tpu.dma_semaphore, #tpu.memory_space<semaphore_mem>>)
    %get3A_1540 = arith.constant 7 : index
    %get3A_1541 = memref.load %arg0[%get3A_1540] : memref<8xi32, #tpu.memory_space<smem>>
    %dma_wait3A_1542 = arith.constant 5 : i32
    %dma_wait3A_1543 = arith.constant 5 : i32
    %dma_wait3A_1544 = tpu.memref_slice %arg4[%dma_wait3A_1543] : memref<8x!tpu.dma_semaphore, #tpu.memory_space<semaphore_mem>> -> memref<1x!tpu.dma_semaphore, #tpu.memory_space<semaphore_mem>>
    %dma_wait3A_1545 = tpu.memref_squeeze %dma_wait3A_1544 : memref<1x!tpu.dma_semaphore, #tpu.memory_space<semaphore_mem>> -> memref<!tpu.dma_semaphore, #tpu.memory_space<semaphore_mem>>
    %dma_wait3A_1546 = arith.constant 0 : i32
    %dma_wait3A_1547 = arith.constant 0 : i32
    %dma_wait3A_1548 = tpu.memref_slice %arg3[%dma_wait3A_1542, %dma_wait3A_1546, %dma_wait3A_1547] : memref<8x1024x1024xf32, #tpu.memory_space<vmem>> -> memref<1x1024x1024xf32, #tpu.memory_space<vmem>>
    %dma_wait3A_1549 = tpu.memref_squeeze %dma_wait3A_1548 : memref<1x1024x1024xf32, #tpu.memory_space<vmem>> -> memref<1024x1024xf32, #tpu.memory_space<vmem>>
    %dma_wait3A_1550 = arith.constant 1024 : i32
    %dma_wait3A_1551 = arith.constant 0 : i32
    %dma_wait3A_1552 = tpu.memref_slice %arg1[%get3A_1541, %dma_wait3A_1550, %dma_wait3A_1551] : memref<16x4096x1024xf32, #tpu.memory_space<hbm>> -> memref<1x1024x1024xf32, #tpu.memory_space<hbm>>
    %dma_wait3A_1553 = tpu.memref_squeeze %dma_wait3A_1552 : memref<1x1024x1024xf32, #tpu.memory_space<hbm>> -> memref<1024x1024xf32, #tpu.memory_space<hbm>>
    tpu.wait_dma2 semaphore(%dma_wait3A_1545 : memref<!tpu.dma_semaphore, #tpu.memory_space<semaphore_mem>>) src(%dma_wait3A_1553 : memref<1024x1024xf32, #tpu.memory_space<hbm>>) dst(%dma_wait3A_1549 : memref<1024x1024xf32, #tpu.memory_space<vmem>>)
    %dma_start3A_1554 = arith.constant 5 : i32
    %dma_start3A_1555 = arith.constant 7 : i32
    %dma_start3A_1556 = arith.constant 5 : i32
    %dma_start3A_1557 = tpu.memref_slice %arg5[%dma_start3A_1556] : memref<8x!tpu.dma_semaphore, #tpu.memory_space<semaphore_mem>> -> memref<1x!tpu.dma_semaphore, #tpu.memory_space<semaphore_mem>>
    %dma_start3A_1558 = tpu.memref_squeeze %dma_start3A_1557 : memref<1x!tpu.dma_semaphore, #tpu.memory_space<semaphore_mem>> -> memref<!tpu.dma_semaphore, #tpu.memory_space<semaphore_mem>>
    %dma_start3A_1559 = arith.constant 1024 : i32
    %dma_start3A_1560 = arith.constant 0 : i32
    %dma_start3A_1561 = tpu.memref_slice %arg2[%dma_start3A_1555, %dma_start3A_1559, %dma_start3A_1560] : memref<8x4096x1024xf32, #tpu.memory_space<hbm>> -> memref<1x1024x1024xf32, #tpu.memory_space<hbm>>
    %dma_start3A_1562 = tpu.memref_squeeze %dma_start3A_1561 : memref<1x1024x1024xf32, #tpu.memory_space<hbm>> -> memref<1024x1024xf32, #tpu.memory_space<hbm>>
    %dma_start3A_1563 = arith.constant 0 : i32
    %dma_start3A_1564 = arith.constant 0 : i32
    %dma_start3A_1565 = tpu.memref_slice %arg3[%dma_start3A_1554, %dma_start3A_1563, %dma_start3A_1564] : memref<8x1024x1024xf32, #tpu.memory_space<vmem>> -> memref<1x1024x1024xf32, #tpu.memory_space<vmem>>
    %dma_start3A_1566 = tpu.memref_squeeze %dma_start3A_1565 : memref<1x1024x1024xf32, #tpu.memory_space<vmem>> -> memref<1024x1024xf32, #tpu.memory_space<vmem>>
    tpu.enqueue_dma source(%dma_start3A_1566 : memref<1024x1024xf32, #tpu.memory_space<vmem>>) target(%dma_start3A_1562 : memref<1024x1024xf32, #tpu.memory_space<hbm>>) target_semaphore(%dma_start3A_1558 : memref<!tpu.dma_semaphore, #tpu.memory_space<semaphore_mem>>)
    %get3A_1567 = arith.constant 7 : index
    %get3A_1568 = memref.load %arg0[%get3A_1567] : memref<8xi32, #tpu.memory_space<smem>>
    %dma_wait3A_1569 = arith.constant 6 : i32
    %dma_wait3A_1570 = arith.constant 6 : i32
    %dma_wait3A_1571 = tpu.memref_slice %arg4[%dma_wait3A_1570] : memref<8x!tpu.dma_semaphore, #tpu.memory_space<semaphore_mem>> -> memref<1x!tpu.dma_semaphore, #tpu.memory_space<semaphore_mem>>
    %dma_wait3A_1572 = tpu.memref_squeeze %dma_wait3A_1571 : memref<1x!tpu.dma_semaphore, #tpu.memory_space<semaphore_mem>> -> memref<!tpu.dma_semaphore, #tpu.memory_space<semaphore_mem>>
    %dma_wait3A_1573 = arith.constant 0 : i32
    %dma_wait3A_1574 = arith.constant 0 : i32
    %dma_wait3A_1575 = tpu.memref_slice %arg3[%dma_wait3A_1569, %dma_wait3A_1573, %dma_wait3A_1574] : memref<8x1024x1024xf32, #tpu.memory_space<vmem>> -> memref<1x1024x1024xf32, #tpu.memory_space<vmem>>
    %dma_wait3A_1576 = tpu.memref_squeeze %dma_wait3A_1575 : memref<1x1024x1024xf32, #tpu.memory_space<vmem>> -> memref<1024x1024xf32, #tpu.memory_space<vmem>>
    %dma_wait3A_1577 = arith.constant 2048 : i32
    %dma_wait3A_1578 = arith.constant 0 : i32
    %dma_wait3A_1579 = tpu.memref_slice %arg1[%get3A_1568, %dma_wait3A_1577, %dma_wait3A_1578] : memref<16x4096x1024xf32, #tpu.memory_space<hbm>> -> memref<1x1024x1024xf32, #tpu.memory_space<hbm>>
    %dma_wait3A_1580 = tpu.memref_squeeze %dma_wait3A_1579 : memref<1x1024x1024xf32, #tpu.memory_space<hbm>> -> memref<1024x1024xf32, #tpu.memory_space<hbm>>
    tpu.wait_dma2 semaphore(%dma_wait3A_1572 : memref<!tpu.dma_semaphore, #tpu.memory_space<semaphore_mem>>) src(%dma_wait3A_1580 : memref<1024x1024xf32, #tpu.memory_space<hbm>>) dst(%dma_wait3A_1576 : memref<1024x1024xf32, #tpu.memory_space<vmem>>)
    %dma_start3A_1581 = arith.constant 6 : i32
    %dma_start3A_1582 = arith.constant 7 : i32
    %dma_start3A_1583 = arith.constant 6 : i32
    %dma_start3A_1584 = tpu.memref_slice %arg5[%dma_start3A_1583] : memref<8x!tpu.dma_semaphore, #tpu.memory_space<semaphore_mem>> -> memref<1x!tpu.dma_semaphore, #tpu.memory_space<semaphore_mem>>
    %dma_start3A_1585 = tpu.memref_squeeze %dma_start3A_1584 : memref<1x!tpu.dma_semaphore, #tpu.memory_space<semaphore_mem>> -> memref<!tpu.dma_semaphore, #tpu.memory_space<semaphore_mem>>
    %dma_start3A_1586 = arith.constant 2048 : i32
    %dma_start3A_1587 = arith.constant 0 : i32
    %dma_start3A_1588 = tpu.memref_slice %arg2[%dma_start3A_1582, %dma_start3A_1586, %dma_start3A_1587] : memref<8x4096x1024xf32, #tpu.memory_space<hbm>> -> memref<1x1024x1024xf32, #tpu.memory_space<hbm>>
    %dma_start3A_1589 = tpu.memref_squeeze %dma_start3A_1588 : memref<1x1024x1024xf32, #tpu.memory_space<hbm>> -> memref<1024x1024xf32, #tpu.memory_space<hbm>>
    %dma_start3A_1590 = arith.constant 0 : i32
    %dma_start3A_1591 = arith.constant 0 : i32
    %dma_start3A_1592 = tpu.memref_slice %arg3[%dma_start3A_1581, %dma_start3A_1590, %dma_start3A_1591] : memref<8x1024x1024xf32, #tpu.memory_space<vmem>> -> memref<1x1024x1024xf32, #tpu.memory_space<vmem>>
    %dma_start3A_1593 = tpu.memref_squeeze %dma_start3A_1592 : memref<1x1024x1024xf32, #tpu.memory_space<vmem>> -> memref<1024x1024xf32, #tpu.memory_space<vmem>>
    tpu.enqueue_dma source(%dma_start3A_1593 : memref<1024x1024xf32, #tpu.memory_space<vmem>>) target(%dma_start3A_1589 : memref<1024x1024xf32, #tpu.memory_space<hbm>>) target_semaphore(%dma_start3A_1585 : memref<!tpu.dma_semaphore, #tpu.memory_space<semaphore_mem>>)
    %get3A_1594 = arith.constant 7 : index
    %get3A_1595 = memref.load %arg0[%get3A_1594] : memref<8xi32, #tpu.memory_space<smem>>
    %dma_wait3A_1596 = arith.constant 7 : i32
    %dma_wait3A_1597 = arith.constant 7 : i32
    %dma_wait3A_1598 = tpu.memref_slice %arg4[%dma_wait3A_1597] : memref<8x!tpu.dma_semaphore, #tpu.memory_space<semaphore_mem>> -> memref<1x!tpu.dma_semaphore, #tpu.memory_space<semaphore_mem>>
    %dma_wait3A_1599 = tpu.memref_squeeze %dma_wait3A_1598 : memref<1x!tpu.dma_semaphore, #tpu.memory_space<semaphore_mem>> -> memref<!tpu.dma_semaphore, #tpu.memory_space<semaphore_mem>>
    %dma_wait3A_1600 = arith.constant 0 : i32
    %dma_wait3A_1601 = arith.constant 0 : i32
    %dma_wait3A_1602 = tpu.memref_slice %arg3[%dma_wait3A_1596, %dma_wait3A_1600, %dma_wait3A_1601] : memref<8x1024x1024xf32, #tpu.memory_space<vmem>> -> memref<1x1024x1024xf32, #tpu.memory_space<vmem>>
    %dma_wait3A_1603 = tpu.memref_squeeze %dma_wait3A_1602 : memref<1x1024x1024xf32, #tpu.memory_space<vmem>> -> memref<1024x1024xf32, #tpu.memory_space<vmem>>
    %dma_wait3A_1604 = arith.constant 3072 : i32
    %dma_wait3A_1605 = arith.constant 0 : i32
    %dma_wait3A_1606 = tpu.memref_slice %arg1[%get3A_1595, %dma_wait3A_1604, %dma_wait3A_1605] : memref<16x4096x1024xf32, #tpu.memory_space<hbm>> -> memref<1x1024x1024xf32, #tpu.memory_space<hbm>>
    %dma_wait3A_1607 = tpu.memref_squeeze %dma_wait3A_1606 : memref<1x1024x1024xf32, #tpu.memory_space<hbm>> -> memref<1024x1024xf32, #tpu.memory_space<hbm>>
    tpu.wait_dma2 semaphore(%dma_wait3A_1599 : memref<!tpu.dma_semaphore, #tpu.memory_space<semaphore_mem>>) src(%dma_wait3A_1607 : memref<1024x1024xf32, #tpu.memory_space<hbm>>) dst(%dma_wait3A_1603 : memref<1024x1024xf32, #tpu.memory_space<vmem>>)
    %dma_start3A_1608 = arith.constant 7 : i32
    %dma_start3A_1609 = arith.constant 7 : i32
    %dma_start3A_1610 = arith.constant 7 : i32
    %dma_start3A_1611 = tpu.memref_slice %arg5[%dma_start3A_1610] : memref<8x!tpu.dma_semaphore, #tpu.memory_space<semaphore_mem>> -> memref<1x!tpu.dma_semaphore, #tpu.memory_space<semaphore_mem>>
    %dma_start3A_1612 = tpu.memref_squeeze %dma_start3A_1611 : memref<1x!tpu.dma_semaphore, #tpu.memory_space<semaphore_mem>> -> memref<!tpu.dma_semaphore, #tpu.memory_space<semaphore_mem>>
    %dma_start3A_1613 = arith.constant 3072 : i32
    %dma_start3A_1614 = arith.constant 0 : i32
    %dma_start3A_1615 = tpu.memref_slice %arg2[%dma_start3A_1609, %dma_start3A_1613, %dma_start3A_1614] : memref<8x4096x1024xf32, #tpu.memory_space<hbm>> -> memref<1x1024x1024xf32, #tpu.memory_space<hbm>>
    %dma_start3A_1616 = tpu.memref_squeeze %dma_start3A_1615 : memref<1x1024x1024xf32, #tpu.memory_space<hbm>> -> memref<1024x1024xf32, #tpu.memory_space<hbm>>
    %dma_start3A_1617 = arith.constant 0 : i32
    %dma_start3A_1618 = arith.constant 0 : i32
    %dma_start3A_1619 = tpu.memref_slice %arg3[%dma_start3A_1608, %dma_start3A_1617, %dma_start3A_1618] : memref<8x1024x1024xf32, #tpu.memory_space<vmem>> -> memref<1x1024x1024xf32, #tpu.memory_space<vmem>>
    %dma_start3A_1620 = tpu.memref_squeeze %dma_start3A_1619 : memref<1x1024x1024xf32, #tpu.memory_space<vmem>> -> memref<1024x1024xf32, #tpu.memory_space<vmem>>
    tpu.enqueue_dma source(%dma_start3A_1620 : memref<1024x1024xf32, #tpu.memory_space<vmem>>) target(%dma_start3A_1616 : memref<1024x1024xf32, #tpu.memory_space<hbm>>) target_semaphore(%dma_start3A_1612 : memref<!tpu.dma_semaphore, #tpu.memory_space<semaphore_mem>>)
    %dma_wait3A_1621 = arith.constant 0 : i32
    %dma_wait3A_1622 = arith.constant 6 : i32
    %dma_wait3A_1623 = arith.constant 0 : i32
    %dma_wait3A_1624 = tpu.memref_slice %arg5[%dma_wait3A_1623] : memref<8x!tpu.dma_semaphore, #tpu.memory_space<semaphore_mem>> -> memref<1x!tpu.dma_semaphore, #tpu.memory_space<semaphore_mem>>
    %dma_wait3A_1625 = tpu.memref_squeeze %dma_wait3A_1624 : memref<1x!tpu.dma_semaphore, #tpu.memory_space<semaphore_mem>> -> memref<!tpu.dma_semaphore, #tpu.memory_space<semaphore_mem>>
    %dma_wait3A_1626 = arith.constant 0 : i32
    %dma_wait3A_1627 = arith.constant 0 : i32
    %dma_wait3A_1628 = tpu.memref_slice %arg2[%dma_wait3A_1622, %dma_wait3A_1626, %dma_wait3A_1627] : memref<8x4096x1024xf32, #tpu.memory_space<hbm>> -> memref<1x1024x1024xf32, #tpu.memory_space<hbm>>
    %dma_wait3A_1629 = tpu.memref_squeeze %dma_wait3A_1628 : memref<1x1024x1024xf32, #tpu.memory_space<hbm>> -> memref<1024x1024xf32, #tpu.memory_space<hbm>>
    %dma_wait3A_1630 = arith.constant 0 : i32
    %dma_wait3A_1631 = arith.constant 0 : i32
    %dma_wait3A_1632 = tpu.memref_slice %arg3[%dma_wait3A_1621, %dma_wait3A_1630, %dma_wait3A_1631] : memref<8x1024x1024xf32, #tpu.memory_space<vmem>> -> memref<1x1024x1024xf32, #tpu.memory_space<vmem>>
    %dma_wait3A_1633 = tpu.memref_squeeze %dma_wait3A_1632 : memref<1x1024x1024xf32, #tpu.memory_space<vmem>> -> memref<1024x1024xf32, #tpu.memory_space<vmem>>
    tpu.wait_dma2 semaphore(%dma_wait3A_1625 : memref<!tpu.dma_semaphore, #tpu.memory_space<semaphore_mem>>) src(%dma_wait3A_1633 : memref<1024x1024xf32, #tpu.memory_space<vmem>>) dst(%dma_wait3A_1629 : memref<1024x1024xf32, #tpu.memory_space<hbm>>)
    %dma_wait3A_1634 = arith.constant 1 : i32
    %dma_wait3A_1635 = arith.constant 6 : i32
    %dma_wait3A_1636 = arith.constant 1 : i32
    %dma_wait3A_1637 = tpu.memref_slice %arg5[%dma_wait3A_1636] : memref<8x!tpu.dma_semaphore, #tpu.memory_space<semaphore_mem>> -> memref<1x!tpu.dma_semaphore, #tpu.memory_space<semaphore_mem>>
    %dma_wait3A_1638 = tpu.memref_squeeze %dma_wait3A_1637 : memref<1x!tpu.dma_semaphore, #tpu.memory_space<semaphore_mem>> -> memref<!tpu.dma_semaphore, #tpu.memory_space<semaphore_mem>>
    %dma_wait3A_1639 = arith.constant 1024 : i32
    %dma_wait3A_1640 = arith.constant 0 : i32
    %dma_wait3A_1641 = tpu.memref_slice %arg2[%dma_wait3A_1635, %dma_wait3A_1639, %dma_wait3A_1640] : memref<8x4096x1024xf32, #tpu.memory_space<hbm>> -> memref<1x1024x1024xf32, #tpu.memory_space<hbm>>
    %dma_wait3A_1642 = tpu.memref_squeeze %dma_wait3A_1641 : memref<1x1024x1024xf32, #tpu.memory_space<hbm>> -> memref<1024x1024xf32, #tpu.memory_space<hbm>>
    %dma_wait3A_1643 = arith.constant 0 : i32
    %dma_wait3A_1644 = arith.constant 0 : i32
    %dma_wait3A_1645 = tpu.memref_slice %arg3[%dma_wait3A_1634, %dma_wait3A_1643, %dma_wait3A_1644] : memref<8x1024x1024xf32, #tpu.memory_space<vmem>> -> memref<1x1024x1024xf32, #tpu.memory_space<vmem>>
    %dma_wait3A_1646 = tpu.memref_squeeze %dma_wait3A_1645 : memref<1x1024x1024xf32, #tpu.memory_space<vmem>> -> memref<1024x1024xf32, #tpu.memory_space<vmem>>
    tpu.wait_dma2 semaphore(%dma_wait3A_1638 : memref<!tpu.dma_semaphore, #tpu.memory_space<semaphore_mem>>) src(%dma_wait3A_1646 : memref<1024x1024xf32, #tpu.memory_space<vmem>>) dst(%dma_wait3A_1642 : memref<1024x1024xf32, #tpu.memory_space<hbm>>)
    %dma_wait3A_1647 = arith.constant 2 : i32
    %dma_wait3A_1648 = arith.constant 6 : i32
    %dma_wait3A_1649 = arith.constant 2 : i32
    %dma_wait3A_1650 = tpu.memref_slice %arg5[%dma_wait3A_1649] : memref<8x!tpu.dma_semaphore, #tpu.memory_space<semaphore_mem>> -> memref<1x!tpu.dma_semaphore, #tpu.memory_space<semaphore_mem>>
    %dma_wait3A_1651 = tpu.memref_squeeze %dma_wait3A_1650 : memref<1x!tpu.dma_semaphore, #tpu.memory_space<semaphore_mem>> -> memref<!tpu.dma_semaphore, #tpu.memory_space<semaphore_mem>>
    %dma_wait3A_1652 = arith.constant 2048 : i32
    %dma_wait3A_1653 = arith.constant 0 : i32
    %dma_wait3A_1654 = tpu.memref_slice %arg2[%dma_wait3A_1648, %dma_wait3A_1652, %dma_wait3A_1653] : memref<8x4096x1024xf32, #tpu.memory_space<hbm>> -> memref<1x1024x1024xf32, #tpu.memory_space<hbm>>
    %dma_wait3A_1655 = tpu.memref_squeeze %dma_wait3A_1654 : memref<1x1024x1024xf32, #tpu.memory_space<hbm>> -> memref<1024x1024xf32, #tpu.memory_space<hbm>>
    %dma_wait3A_1656 = arith.constant 0 : i32
    %dma_wait3A_1657 = arith.constant 0 : i32
    %dma_wait3A_1658 = tpu.memref_slice %arg3[%dma_wait3A_1647, %dma_wait3A_1656, %dma_wait3A_1657] : memref<8x1024x1024xf32, #tpu.memory_space<vmem>> -> memref<1x1024x1024xf32, #tpu.memory_space<vmem>>
    %dma_wait3A_1659 = tpu.memref_squeeze %dma_wait3A_1658 : memref<1x1024x1024xf32, #tpu.memory_space<vmem>> -> memref<1024x1024xf32, #tpu.memory_space<vmem>>
    tpu.wait_dma2 semaphore(%dma_wait3A_1651 : memref<!tpu.dma_semaphore, #tpu.memory_space<semaphore_mem>>) src(%dma_wait3A_1659 : memref<1024x1024xf32, #tpu.memory_space<vmem>>) dst(%dma_wait3A_1655 : memref<1024x1024xf32, #tpu.memory_space<hbm>>)
    %dma_wait3A_1660 = arith.constant 3 : i32
    %dma_wait3A_1661 = arith.constant 6 : i32
    %dma_wait3A_1662 = arith.constant 3 : i32
    %dma_wait3A_1663 = tpu.memref_slice %arg5[%dma_wait3A_1662] : memref<8x!tpu.dma_semaphore, #tpu.memory_space<semaphore_mem>> -> memref<1x!tpu.dma_semaphore, #tpu.memory_space<semaphore_mem>>
    %dma_wait3A_1664 = tpu.memref_squeeze %dma_wait3A_1663 : memref<1x!tpu.dma_semaphore, #tpu.memory_space<semaphore_mem>> -> memref<!tpu.dma_semaphore, #tpu.memory_space<semaphore_mem>>
    %dma_wait3A_1665 = arith.constant 3072 : i32
    %dma_wait3A_1666 = arith.constant 0 : i32
    %dma_wait3A_1667 = tpu.memref_slice %arg2[%dma_wait3A_1661, %dma_wait3A_1665, %dma_wait3A_1666] : memref<8x4096x1024xf32, #tpu.memory_space<hbm>> -> memref<1x1024x1024xf32, #tpu.memory_space<hbm>>
    %dma_wait3A_1668 = tpu.memref_squeeze %dma_wait3A_1667 : memref<1x1024x1024xf32, #tpu.memory_space<hbm>> -> memref<1024x1024xf32, #tpu.memory_space<hbm>>
    %dma_wait3A_1669 = arith.constant 0 : i32
    %dma_wait3A_1670 = arith.constant 0 : i32
    %dma_wait3A_1671 = tpu.memref_slice %arg3[%dma_wait3A_1660, %dma_wait3A_1669, %dma_wait3A_1670] : memref<8x1024x1024xf32, #tpu.memory_space<vmem>> -> memref<1x1024x1024xf32, #tpu.memory_space<vmem>>
    %dma_wait3A_1672 = tpu.memref_squeeze %dma_wait3A_1671 : memref<1x1024x1024xf32, #tpu.memory_space<vmem>> -> memref<1024x1024xf32, #tpu.memory_space<vmem>>
    tpu.wait_dma2 semaphore(%dma_wait3A_1664 : memref<!tpu.dma_semaphore, #tpu.memory_space<semaphore_mem>>) src(%dma_wait3A_1672 : memref<1024x1024xf32, #tpu.memory_space<vmem>>) dst(%dma_wait3A_1668 : memref<1024x1024xf32, #tpu.memory_space<hbm>>)
    %dma_wait3A_1673 = arith.constant 4 : i32
    %dma_wait3A_1674 = arith.constant 7 : i32
    %dma_wait3A_1675 = arith.constant 4 : i32
    %dma_wait3A_1676 = tpu.memref_slice %arg5[%dma_wait3A_1675] : memref<8x!tpu.dma_semaphore, #tpu.memory_space<semaphore_mem>> -> memref<1x!tpu.dma_semaphore, #tpu.memory_space<semaphore_mem>>
    %dma_wait3A_1677 = tpu.memref_squeeze %dma_wait3A_1676 : memref<1x!tpu.dma_semaphore, #tpu.memory_space<semaphore_mem>> -> memref<!tpu.dma_semaphore, #tpu.memory_space<semaphore_mem>>
    %dma_wait3A_1678 = arith.constant 0 : i32
    %dma_wait3A_1679 = arith.constant 0 : i32
    %dma_wait3A_1680 = tpu.memref_slice %arg2[%dma_wait3A_1674, %dma_wait3A_1678, %dma_wait3A_1679] : memref<8x4096x1024xf32, #tpu.memory_space<hbm>> -> memref<1x1024x1024xf32, #tpu.memory_space<hbm>>
    %dma_wait3A_1681 = tpu.memref_squeeze %dma_wait3A_1680 : memref<1x1024x1024xf32, #tpu.memory_space<hbm>> -> memref<1024x1024xf32, #tpu.memory_space<hbm>>
    %dma_wait3A_1682 = arith.constant 0 : i32
    %dma_wait3A_1683 = arith.constant 0 : i32
    %dma_wait3A_1684 = tpu.memref_slice %arg3[%dma_wait3A_1673, %dma_wait3A_1682, %dma_wait3A_1683] : memref<8x1024x1024xf32, #tpu.memory_space<vmem>> -> memref<1x1024x1024xf32, #tpu.memory_space<vmem>>
    %dma_wait3A_1685 = tpu.memref_squeeze %dma_wait3A_1684 : memref<1x1024x1024xf32, #tpu.memory_space<vmem>> -> memref<1024x1024xf32, #tpu.memory_space<vmem>>
    tpu.wait_dma2 semaphore(%dma_wait3A_1677 : memref<!tpu.dma_semaphore, #tpu.memory_space<semaphore_mem>>) src(%dma_wait3A_1685 : memref<1024x1024xf32, #tpu.memory_space<vmem>>) dst(%dma_wait3A_1681 : memref<1024x1024xf32, #tpu.memory_space<hbm>>)
    %dma_wait3A_1686 = arith.constant 5 : i32
    %dma_wait3A_1687 = arith.constant 7 : i32
    %dma_wait3A_1688 = arith.constant 5 : i32
    %dma_wait3A_1689 = tpu.memref_slice %arg5[%dma_wait3A_1688] : memref<8x!tpu.dma_semaphore, #tpu.memory_space<semaphore_mem>> -> memref<1x!tpu.dma_semaphore, #tpu.memory_space<semaphore_mem>>
    %dma_wait3A_1690 = tpu.memref_squeeze %dma_wait3A_1689 : memref<1x!tpu.dma_semaphore, #tpu.memory_space<semaphore_mem>> -> memref<!tpu.dma_semaphore, #tpu.memory_space<semaphore_mem>>
    %dma_wait3A_1691 = arith.constant 1024 : i32
    %dma_wait3A_1692 = arith.constant 0 : i32
    %dma_wait3A_1693 = tpu.memref_slice %arg2[%dma_wait3A_1687, %dma_wait3A_1691, %dma_wait3A_1692] : memref<8x4096x1024xf32, #tpu.memory_space<hbm>> -> memref<1x1024x1024xf32, #tpu.memory_space<hbm>>
    %dma_wait3A_1694 = tpu.memref_squeeze %dma_wait3A_1693 : memref<1x1024x1024xf32, #tpu.memory_space<hbm>> -> memref<1024x1024xf32, #tpu.memory_space<hbm>>
    %dma_wait3A_1695 = arith.constant 0 : i32
    %dma_wait3A_1696 = arith.constant 0 : i32
    %dma_wait3A_1697 = tpu.memref_slice %arg3[%dma_wait3A_1686, %dma_wait3A_1695, %dma_wait3A_1696] : memref<8x1024x1024xf32, #tpu.memory_space<vmem>> -> memref<1x1024x1024xf32, #tpu.memory_space<vmem>>
    %dma_wait3A_1698 = tpu.memref_squeeze %dma_wait3A_1697 : memref<1x1024x1024xf32, #tpu.memory_space<vmem>> -> memref<1024x1024xf32, #tpu.memory_space<vmem>>
    tpu.wait_dma2 semaphore(%dma_wait3A_1690 : memref<!tpu.dma_semaphore, #tpu.memory_space<semaphore_mem>>) src(%dma_wait3A_1698 : memref<1024x1024xf32, #tpu.memory_space<vmem>>) dst(%dma_wait3A_1694 : memref<1024x1024xf32, #tpu.memory_space<hbm>>)
    %dma_wait3A_1699 = arith.constant 6 : i32
    %dma_wait3A_1700 = arith.constant 7 : i32
    %dma_wait3A_1701 = arith.constant 6 : i32
    %dma_wait3A_1702 = tpu.memref_slice %arg5[%dma_wait3A_1701] : memref<8x!tpu.dma_semaphore, #tpu.memory_space<semaphore_mem>> -> memref<1x!tpu.dma_semaphore, #tpu.memory_space<semaphore_mem>>
    %dma_wait3A_1703 = tpu.memref_squeeze %dma_wait3A_1702 : memref<1x!tpu.dma_semaphore, #tpu.memory_space<semaphore_mem>> -> memref<!tpu.dma_semaphore, #tpu.memory_space<semaphore_mem>>
    %dma_wait3A_1704 = arith.constant 2048 : i32
    %dma_wait3A_1705 = arith.constant 0 : i32
    %dma_wait3A_1706 = tpu.memref_slice %arg2[%dma_wait3A_1700, %dma_wait3A_1704, %dma_wait3A_1705] : memref<8x4096x1024xf32, #tpu.memory_space<hbm>> -> memref<1x1024x1024xf32, #tpu.memory_space<hbm>>
    %dma_wait3A_1707 = tpu.memref_squeeze %dma_wait3A_1706 : memref<1x1024x1024xf32, #tpu.memory_space<hbm>> -> memref<1024x1024xf32, #tpu.memory_space<hbm>>
    %dma_wait3A_1708 = arith.constant 0 : i32
    %dma_wait3A_1709 = arith.constant 0 : i32
    %dma_wait3A_1710 = tpu.memref_slice %arg3[%dma_wait3A_1699, %dma_wait3A_1708, %dma_wait3A_1709] : memref<8x1024x1024xf32, #tpu.memory_space<vmem>> -> memref<1x1024x1024xf32, #tpu.memory_space<vmem>>
    %dma_wait3A_1711 = tpu.memref_squeeze %dma_wait3A_1710 : memref<1x1024x1024xf32, #tpu.memory_space<vmem>> -> memref<1024x1024xf32, #tpu.memory_space<vmem>>
    tpu.wait_dma2 semaphore(%dma_wait3A_1703 : memref<!tpu.dma_semaphore, #tpu.memory_space<semaphore_mem>>) src(%dma_wait3A_1711 : memref<1024x1024xf32, #tpu.memory_space<vmem>>) dst(%dma_wait3A_1707 : memref<1024x1024xf32, #tpu.memory_space<hbm>>)
    %dma_wait3A_1712 = arith.constant 7 : i32
    %dma_wait3A_1713 = arith.constant 7 : i32
    %dma_wait3A_1714 = arith.constant 7 : i32
    %dma_wait3A_1715 = tpu.memref_slice %arg5[%dma_wait3A_1714] : memref<8x!tpu.dma_semaphore, #tpu.memory_space<semaphore_mem>> -> memref<1x!tpu.dma_semaphore, #tpu.memory_space<semaphore_mem>>
    %dma_wait3A_1716 = tpu.memref_squeeze %dma_wait3A_1715 : memref<1x!tpu.dma_semaphore, #tpu.memory_space<semaphore_mem>> -> memref<!tpu.dma_semaphore, #tpu.memory_space<semaphore_mem>>
    %dma_wait3A_1717 = arith.constant 3072 : i32
    %dma_wait3A_1718 = arith.constant 0 : i32
    %dma_wait3A_1719 = tpu.memref_slice %arg2[%dma_wait3A_1713, %dma_wait3A_1717, %dma_wait3A_1718] : memref<8x4096x1024xf32, #tpu.memory_space<hbm>> -> memref<1x1024x1024xf32, #tpu.memory_space<hbm>>
    %dma_wait3A_1720 = tpu.memref_squeeze %dma_wait3A_1719 : memref<1x1024x1024xf32, #tpu.memory_space<hbm>> -> memref<1024x1024xf32, #tpu.memory_space<hbm>>
    %dma_wait3A_1721 = arith.constant 0 : i32
    %dma_wait3A_1722 = arith.constant 0 : i32
    %dma_wait3A_1723 = tpu.memref_slice %arg3[%dma_wait3A_1712, %dma_wait3A_1721, %dma_wait3A_1722] : memref<8x1024x1024xf32, #tpu.memory_space<vmem>> -> memref<1x1024x1024xf32, #tpu.memory_space<vmem>>
    %dma_wait3A_1724 = tpu.memref_squeeze %dma_wait3A_1723 : memref<1x1024x1024xf32, #tpu.memory_space<vmem>> -> memref<1024x1024xf32, #tpu.memory_space<vmem>>
    tpu.wait_dma2 semaphore(%dma_wait3A_1716 : memref<!tpu.dma_semaphore, #tpu.memory_space<semaphore_mem>>) src(%dma_wait3A_1724 : memref<1024x1024xf32, #tpu.memory_space<vmem>>) dst(%dma_wait3A_1720 : memref<1024x1024xf32, #tpu.memory_space<hbm>>)
    return
  }
}

</mosaic_0001>

<sc_bundles>
// kernel: kernel.4.cloned.1.call-start
scs
__scs_entry_jumppad:
0x0: {  	(pc) =	sbr.rel $0x88, $3  }
0x1: {  	(tag) =	ssettag $0x0;
	lr =	simm.s32 $0x1  }
0x2: {  	[smem:$0x3F9E] =	sst lr;
	_ =	strace $0xD0000000  }
0x3: {  	_ = 	snop  }
0x4: {  	_ = 	snop  }
0x5: {  	_ = 	snop  }
0x6: {  	_ = 	snop  }
0x7: {  	_ = 	snop  }
__scs_overlays_trampoline_lowered:
0x8: {  	[smem:$0x3FAD] =	sst s0  }
0x9: {  	[smem:$0x3FAE] =	sst s1  }
0xa: {  	[smem:$0x3FAF] =	sst s2  }
0xb: {  	[smem:$0x3FB0] =	sst s3  }
0xc: {  	[smem:$0x3FB1] =	sst s4  }
0xd: {  	[smem:$0x3FB2] =	sst s5  }
0xe: {  	[smem:$0x3FB3] =	sst s6  }
0xf: {  	[smem:$0x3FB4] =	sst s7  }
0x10: {  	[smem:$0x3FB5] =	sst s8  }
0x11: {  	[smem:$0x3FB6] =	sst s9;
	s0 =	simm.s32 @!p0 $0x0  }
0x12: {  	s1 =	sld [smem:$0x3F9C];
	s0 =	simm.s32 @p0 $0x1  }
0x13: {  	[smem:$0x3FB7] =	sst s0;
	s0 =	simm.s32 @!p1 $0x0  }
0x14: {  	s2 =	sld [smem:$0x3F9B];
	s0 =	simm.s32 @p1 $0x1  }
0x15: {  	[smem:$0x3FB8] =	sst s0;
	s0 =	simm.s32 @!p2 $0x0  }
0x16: {  	s3 =	sld [smem:$0x3FDB];
	s0 =	simm.s32 @p2 $0x1  }
0x17: {  	s4 =	simm.s32 $0x1BF5;
	[smem:$0x3FBA] =	sst s0  }
0x18: {  	s0 =	sld [smem:$0x3F9D];
	_ =	swait.ge [sflag:s4], $0x0  }
0x19: {  	s7 =	sld [smem:$0x3F9E]  }
0x1a: {  	s8 =	sadd.s32 $0xFFFFE003, lr  }
0x1b: {  	s9 =	sadd.s32 $0xFFFFFEF7, lr;
	s5 =	simm.s32 $0xFFFFFFFF;
	p2 =	slt.u32 s8, $0xFFFFF086  }
0x1c: {  	p1 =	slt.u32 s9, $0xF7A;
	s5 =	simm.s32 @!p2 $0x0  }
0x1d: {  	s5 =	simm.s32 @p1 $0x1;
	p0 =	seq.s32 s7, s2  }
0x1e: {  	s7 =	smul.u32 @!p0 $0xF7A, s2;
	p2 =	seq.s32 @!p0 s5, $0x0  }
0x1f: {  	s9 =	smul.u32 $0xF7A, s1;
	s8 =	simm.s32 @!p0 $0x1BF5;
	p2 =	por !p2, p0  }
0x20: {  	[sflag:s8] =	ssyncset.s32 @!p0 $0xFFFFF086;
	s6 =	sadd.s32 @!p0 s3, s7;
	s7 =	simm.s32 @!p0 $0x108  }
0x21: {  	s3 =	sadd.s32 s3, s9;
	s6 =	sadd.s32 @!p0 $0x88, s6;
	s7 =	simm.s32 @p2 $0x1082  }
0x22: {  	[simem:s7], [sflag:s8] =	dma.local @!p0 [hbm:s6], $0xF7A  }
0x23: {  	s9 =	sor.u32 $0xD0000000, s2;
	s6 =	simm.s32 $0x108;
	_ =	swait.ge @!p0 [sflag:s8], $0x0  }
0x24: {  	s3 =	sadd.s32 $0x88, s3;
	s6 =	simm.s32 @!p1 $0x1082;
	[sflag:s4] =	ssyncset.s32 $0xFFFFF086  }
0x25: {  	[simem:s6], [sflag:s4] =	dma.local [hbm:s3], $0xF7A  }
0x26: {  	[smem:$0x3F9E] =	sst s1;
	(tag) =	ssettag s2;
	_ =	strace s9  }
0x27: {  	s1 =	sld [smem:$0x3FAE]  }
0x28: {  	s2 =	sld [smem:$0x3FAF]  }
0x29: {  	s4 =	sld [smem:$0x3FB1]  }
0x2a: {  	p0 =	seq.s32 s5, $0x0;
	s5 =	sld [smem:$0x3FB2]  }
0x2b: {  	s6 =	sld [smem:$0x3FB3]  }
0x2c: {  	s7 =	sld [smem:$0x3FB4]  }
0x2d: {  	s3 =	simm.s32 $0x108;
	s8 =	sld [smem:$0x3FB5]  }
0x2e: {  	s3 =	simm.s32 @!p0 $0x1082;
	s9 =	sld [smem:$0x3FB6]  }
0x2f: {  	lr =	sadd.s32 s0, s3;
	s0 =	sld [smem:$0x3FAD]  }
0x30: {  	s3 =	sld [smem:$0x3FB0]  }
0x31: {  	[smem:$0x3FB9] =	sst s10  }
0x32: {  	s10 =	sld [smem:$0x3FB7];
	_ =	sdelay $0x3  }
0x33: {  	p0 =	seq.s32 s10, $0x1;
	s10 =	sld [smem:$0x3FB9];
	_ =	sdelay $0x3  }
0x34: {  	[smem:$0x3FB9] =	sst s10  }
0x35: {  	s10 =	sld [smem:$0x3FB8];
	_ =	sdelay $0x3  }
0x36: {  	p1 =	seq.s32 s10, $0x1;
	s10 =	sld [smem:$0x3FB9];
	_ =	sdelay $0x3  }
0x37: {  	[smem:$0x3FB9] =	sst s10  }
0x38: {  	s10 =	sld [smem:$0x3FBA]  }
0x39: {  	_ = 	snop;
	(pc) =	sbr.ind lr, $3  }
0x3a: {  	_ = 	snop  }
0x3b: {  	_ = 	snop  }
0x3c: {  	p2 =	seq.s32 s10, $0x1;
	s10 =	sld [smem:$0x3FB9]  }
0x3d: {  	_ =	shalt  }
0x3e: {  	_ =	shalt  }
0x3f: {  	_ =	shalt  }
0x40: {  	_ =	shalt  }
0x41: {  	_ =	shalt  }
0x42: {  	_ =	shalt  }
0x43: {  	_ =	shalt  }
0x44: {  	_ =	shalt  }
0x45: {  	_ =	shalt  }
0x46: {  	_ =	shalt  }
0x47: {  	_ =	shalt  }
0x48: {  	_ =	shalt  }
0x49: {  	_ =	shalt  }
0x4a: {  	_ =	shalt  }
0x4b: {  	_ =	shalt  }
0x4c: {  	_ =	shalt  }
0x4d: {  	_ =	shalt  }
0x4e: {  	_ =	shalt  }
0x4f: {  	_ =	shalt  }
0x50: {  	_ =	shalt  }
0x51: {  	_ =	shalt  }
0x52: {  	_ =	shalt  }
0x53: {  	_ =	shalt  }
0x54: {  	_ =	shalt  }
0x55: {  	_ =	shalt  }
0x56: {  	_ =	shalt  }
0x57: {  	_ =	shalt  }
0x58: {  	_ =	shalt  }
0x59: {  	_ =	shalt  }
0x5a: {  	_ =	shalt  }
0x5b: {  	_ =	shalt  }
0x5c: {  	_ =	shalt  }
0x5d: {  	_ =	shalt  }
0x5e: {  	_ =	shalt  }
0x5f: {  	_ =	shalt  }
0x60: {  	_ =	shalt  }
0x61: {  	_ =	shalt  }
0x62: {  	_ =	shalt  }
0x63: {  	_ =	shalt  }
0x64: {  	_ =	shalt  }
0x65: {  	_ =	shalt  }
0x66: {  	_ =	shalt  }
0x67: {  	_ =	shalt  }
0x68: {  	_ =	shalt  }
0x69: {  	_ =	shalt  }
0x6a: {  	_ =	shalt  }
0x6b: {  	_ =	shalt  }
0x6c: {  	_ =	shalt  }
0x6d: {  	_ =	shalt  }
0x6e: {  	_ =	shalt  }
0x6f: {  	_ =	shalt  }
0x70: {  	_ =	shalt  }
0x71: {  	_ =	shalt  }
0x72: {  	_ =	shalt  }
0x73: {  	_ =	shalt  }
0x74: {  	_ =	shalt  }
0x75: {  	_ =	shalt  }
0x76: {  	_ =	shalt  }
0x77: {  	_ =	shalt  }
0x78: {  	_ =	shalt  }
0x79: {  	_ =	shalt  }
0x7a: {  	_ =	shalt  }
0x7b: {  	_ =	shalt  }
0x7c: {  	_ =	shalt  }
0x7d: {  	_ =	shalt  }
0x7e: {  	_ =	shalt  }
0x7f: {  	_ =	shalt  }
0x80: {  	_ =	shalt  }
0x81: {  	_ =	shalt  }
0x82: {  	_ =	shalt  }
0x83: {  	_ =	shalt  }
0x84: {  	_ =	shalt  }
0x85: {  	_ =	shalt  }
0x86: {  	_ =	shalt  }
0x87: {  	_ =	shalt  }
.Lfunc_end0:
.L_simem_size_0:
called_computation_lowered:
.L_overlay_start_0:
0x88: {  	s2 =	sld [smem:$0x3FD9]  }
0x89: {  	s3 =	sld [smem:$0x3FFE];
	_ =	sdelay $0x1  }
0x8a: {  	s1 =	srdreg.scid  }
0x8b: {  	s0 =	sand.u32 $0x1, s1  }
0x8c: {  	s15 =	sshll.u32 s0, $0xA;
	s2 =	sadd.s32 s3, s2  }
0x8d: {  	s2 =	sadd.s32 s2, s15  }
0x8e: {  	[smem:$0x3FC5] =	sst s2  }
0x8f: {  	_ = 	snop  }
0x90: {  	s2 =	sld [smem:$0x3FD0];
	_ =	sdelay $0x1  }
0x91: {  	s16 =	sld [smem:$0x3FC8]  }
0x92: {  	s5 =	simm.s32 $0xA;
	s6 =	simm.s32 $0x10;
	s4 =	sld [smem:$0x3FC7]  }
0x93: {  	[smem:s6], [sflag:s5] =	dma.local [hbm:s2], $0x1  }
0x94: {  	_ =	swait.eq [sflag:s5], $0x1  }
0x95: {  	[sflag:s5] =	ssyncset.done $0x0  }
0x96: {  	[sflag:s5] =	ssyncadd.s32 $0xFFFFFFFF  }
0x97: {  	s17 =	sld [smem:$0x11];
	(tm) =	ssettm $0x1  }
0x98: {  	s18 =	sld [smem:$0x3FFB];
	_ =	sdelay $0x3  }
0x99: {  	_ =	strace s18  }
0x9a: {  	s5 =	sld [smem:$0x3FFC];
	_ =	sdelay $0x3  }
0x9b: {  	_ =	strace s5  }
0x9c: {  	s5 =	sld [smem:$0x3FFD];
	_ =	sdelay $0x3  }
0x9d: {  	_ =	strace s5  }
0x9e: {  	_ =	strace $0x8FFFFFFF  }
0x9f: {  	s19 =	sld [smem:$0x3FDB];
	_ =	sdelay $0x1  }
0xa0: {  	s20 =	simm.s32 $_scs_section_size  }
0xa1: {  	s7 =	simm.s32 $_size__tile_overlayer_lowered;
	s8 =	simm.s32 $_tile_overlayer_lowered  }
0xa2: {  	s23 =	simm.s32 $0x1BFF;
	s22 =	sshll.u32 s8, $0x1;
	s5 =	sadd.s32 s20, s19  }
0xa3: {  	s9 =	simm.s32 $0x0;
	s21 =	sshll.u32 s7, $0x1;
	s7 =	sadd.s32 s22, s5  }
0xa4: {  	[timem:s9], [sflag:s23] =	dma.local [hbm:s7], s21  }
0xa5: {  	_ =	swait.ge [sflag:s23], s21  }
0xa6: {  	s6 =	ssub.s32 $0x0, s21;
	[sflag:s23] =	ssyncset.done $0x0  }
0xa7: {  	[sflag:s23] =	ssyncadd.s32 s6;
	_ =	sdelay $0x1  }
0xa8: {  	s24 =	simm.s32 $0x1B8B  }
0xa9: {  	_ =	swait.ge [sflag:s24], $0x1  }
0xaa: {  	[sflag:s24] =	ssyncset.done $0x0  }
0xab: {  	s25 =	simm.s32 $0x1B8E;
	[sflag:s24] =	ssyncadd.s32 $0xFFFFFFFF  }
0xac: {  	s26 =	simm.s32 $execute0_lowered;
	[smem:$0x3FD2] =	sst s25  }
0xad: {  	s6 =	sshll.u32 s26, $0x1;
	_ =	strace $0x80000046;
	[dreg:$0x1] =	wrdreg $0xFFFFFFFF  }
0xae: {  	s28 =	simm.s32 $_size_execute0_lowered;
	s5 =	sadd.s32 s5, s6;
	[dreg:$0x0] =	wrdreg $0x0  }
0xaf: {  	s6 =	sshll.u32 s28, $0x1;
	[dreg:$0x2] =	wrdreg s5  }
0xb0: {  	[dreg:$0x3] =	wrdreg s6  }
0xb1: {  	[dreg:$0x4] =	wrdreg $0xC0  }
0xb2: {  	_ =	task [dreg:s9], $0x5FFFF  }
0xb3: {  	[dreg:$0x1] =	wrdreg $0xFFFFFFFF  }
0xb4: {  	[dreg:$0x0] =	wrdreg $0x60  }
0xb5: {  	[dreg:$0x2] =	wrdreg s16  }
0xb6: {  	[dreg:$0x3] =	wrdreg s4  }
0xb7: {  	[dreg:$0x4] =	wrdreg s17  }
0xb8: {  	[dreg:$0x5] =	wrdreg $0x9  }
0xb9: {  	_ =	task.clear_ibuf [dreg:s9], $0x6FFFF;
	_ =	strace $0x90000046  }
0xba: {  	s29 =	simm.s32 $0x9;
	_ =	strace $0x80000048  }
0xbb: {  	_ =	swait.ge [sflag:s29], $0x1  }
0xbc: {  	[sflag:s29] =	ssyncadd.s32 $0xFFFFFFFF  }
0xbd: {  	_ =	strace $0x90000048  }
0xbe: {  	_ =	sfence  }
0xbf: {  	s30 =	sld [smem:$0x0];
	_ =	sdelay $0x2  }
0xc0: {  	s31 =	sshll.u32 s1, $0xD;
	s1 =	sshrl.u32 s1, $0x2  }
0xc1: {  	s3 =	sand.u32 $0x4000, s31;
	s1 =	sadd.s32 s1, s30  }
0xc2: {  	s0 =	sor.u32 s3, s0;
	s1 =	sshll.u32 s1, $0x11  }
0xc3: {  	s0 =	sor.u32 s1, s0  }
0xc4: {  	s0 =	sadd.s32 $0x8F2B, s0  }
0xc5: {  	[sflag:s0] =	ssyncadd.remote.s32 $0x1  }
0xc6: {  	_ =	sfence.sel $0xFFFF  }
0xc7: {  	[dreg:$0x0] =	wrdreg $0xFFFFFFFF;
	(pc) =	sbr.abs _section_cstart, $3  }
0xc8: {  	[dreg:$0x1] =	wrdreg $0xFFFFFFFF  }
0xc9: {  	_ =	task.clear_ibuf [dreg:s9], $0x2FFFF;
	_ =	strace $0x9FFFFFFF  }
0xca: {  	(tm) =	ssettm $0x7FFFFFFF  }
0xcb: {  	_ =	shalt  }
tec
execute0_lowered:
.L_overlay_start_1:
0x0: {  	(tag) =	ssettag $0x1  }
0x1: {  	s1 =	rddreg [dreg:$0x0];
	s10 =	stileid.u32  }
0x2: {  	s0 =	srdreg.scid;
	s3 =	rddreg [dreg:$0x2]  }
0x3: {  	s4 =	simm.s32 $0x0;
	s28 =	simm.s32 $0x4;
	s29 =	simm.s32 $0x5  }
0x4: {  	s30 =	simm.s32 $0x6;
	s31 =	simm.s32 $0x0;
	s2 =	sshll.u32 s10, $0x1  }
0x5: {  	s0 =	sand.u32 $0x1, s0;
	s6 =	sshrl.u32 s10, $0x1;
	[smem:$0x7FF] =	sst s4  }
0x6: {  	s12 =	sand.u32 $0x1, s10;
	s2 =	sand.u32 $0x2, s2;
	s17 =	sshll.u32 s6, $0x15  }
0x7: {  	s7 =	ssub.s32 $0x2, s0;
	_ =	strace $0x80000047;
	s14 =	sshll.u32 s12, $0x14  }
0x8: {  	s2 =	sor.u32 s0, s2;
	s9 =	sshrl.u32 s7, $0x1;
	s0 =	sshll.u32 s0, $0x13  }
0x9: {  	s5 =	sshll.u32 s2, $0x13;
	s7 =	ssub.s32 s7, s9;
	s0 =	sor.u32 s0, s14  }
0xa: {  	s8 =	sor.u32 s5, s17;
	s18 =	sor.u32 $0x8000, s5;
	s19 =	sor.u32 $0x10000, s5  }
0xb: {  	s9 =	sor.u32 $0x78000, s5;
	s14 =	sor.u32 $0x28000, s0;
	s2 =	sor.u32 s17, s0  }
0xc: {  	s15 =	sor.u32 $0x20000, s0;
	s16 =	sor.u32 $0x18000, s0;
	[dreg:$0x4] =	wrdreg s18  }
0xd: {  	s8 =	sshrl.u32 s8, $0x3;
	[dreg:$0x5] =	wrdreg s19;
	s21 =	sor.u32 s17, s9  }
0xe: {  	s22 =	sor.u32 $0x10000, s2;
	s23 =	sor.u32 $0x8000, s2;
	s26 =	sshrl.u32 s2, $0x3  }
0xf: {  	s8 =	sadd.s32 s8, s3;
	s13 =	sshrl.u32 s21, $0x3;
	s24 =	sshrl.u32 s22, $0x3  }
0x10: {  	s25 =	sshrl.u32 s23, $0x3;
	s19 =	sadd.s32 s26, s3;
	s21 =	simm.s32 $0x80  }
0x11: {  	s22 =	simm.s32 $0x8080;
	s23 =	simm.s32 $0x10080;
	s26 =	simm.s32 $0x3  }
0x12: {  	s20 =	sadd.s32 $0xC000, s8;
	s11 =	sadd.s32 $0xD000, s8;
	s12 =	sadd.s32 s3, s13  }
0x13: {  	s13 =	smax.u32 s7, $0x1;
	s17 =	sadd.s32 s24, s3;
	s18 =	sadd.s32 s25, s3  }
0x14: {  	s24 =	simm.s32 $0x1;
	s25 =	simm.s32 $0x2;
	[dreg:$0x6] =	wrdreg s20  }
0x15: {  	v0 =	vmov s6;
	[dreg:$0x7] =	wrdreg s11;
	s11 =	sadd.s32 $0xE000, s8;
	s20 =	simm.s32 $0x7  }
.LBB2_1:
0x16: {  	s0 =	rddreg [dreg:$0x1]  }
0x17: {  	[tilespmem:s4], [sflag:$0x7] =	stream.linear.gather [hbm4b:s0+s4], $0x8, $0x38;
	[tilespmem:$0x18080] =	vst v63  }
0x18: {  	_ =	swait.ge [sflag:s20], $0x8  }
0x19: {  	[sflag:s20] =	ssyncset.done $0x0  }
0x1a: {  	[sflag:s20] =	ssyncadd.s32 $0xFFFFFFF8  }
0x1b: {  	v1 =	vld.idx.msk [tilespmem:v0+s4+$0x0], $0xffff;
	_ =	sdelay $0x4  }
0x1c: {  	v1 =	vxor.u32 $0x80000000, v1  }
0x1d: {  	(xrf0) =	vmax.scan.msk.u32 $0xffff, v1;
	_ =	sdelay $0x5  }
0x1e: {  	v1, _, _ =	vpop (xrf0)  }
0x1f: {  	(v2sf) =	vpush v1, $0xF;
	_ =	sdelay $0xe  }
0x20: {  	s7 =	spop (v2sf)  }
0x21: {  	s2 =	sshll.u32 s7, $0x15  }
0x22: {  	s0 =	sor.u32 s5, s2  }
0x23: {  	s0 =	sshrl.u32 s0, $0x3  }
0x24: {  	s8 =	rddreg [dreg:$0x4];
	s0 =	sadd.s32 s1, s0  }
0x25: {  	[tilespmem:s21], [sflag:$0x1] =	stream.linear.gather [hbm4b:s0+s4], $0x8000, $0x38;
	[tilespmem:$0x18080] =	vst v63  }
0x26: {  	s0 =	sor.u32 s8, s2  }
0x27: {  	s0 =	sshrl.u32 s0, $0x3  }
0x28: {  	s10 =	rddreg [dreg:$0x5];
	s0 =	sadd.s32 s1, s0  }
0x29: {  	[tilespmem:s22], [sflag:$0x2] =	stream.linear.gather [hbm4b:s0+s4], $0x8000, $0x38;
	[tilespmem:$0x18080] =	vst v63  }
0x2a: {  	s0 =	sor.u32 s10, s2  }
0x2b: {  	s0 =	sshrl.u32 s0, $0x3  }
0x2c: {  	s0 =	sadd.s32 s1, s0  }
0x2d: {  	[tilespmem:s23], [sflag:$0x3] =	stream.linear.gather [hbm4b:s0+s4], $0x8000, $0x38;
	[tilespmem:$0x18080] =	vst v63  }
0x2e: {  	_ =	swait.ge [sflag:s24], $0x8000  }
0x2f: {  	[sflag:s24] =	ssyncset.done $0x0  }
0x30: {  	s3 =	sadd.s32 $0x0, s19;
	[sflag:s24] =	ssyncadd.s32 $0xFFFF8000  }
0x31: {  	[hbm4b:s3+s4] =	stream.linear.scatter [tilespmem:s21], [sflag:$0x4], $0x8000, $0x38;
	[tilespmem:$0x18080] =	vst v63  }
0x32: {  	_ =	swait.ge [sflag:s25], $0x8000  }
0x33: {  	[sflag:s25] =	ssyncset.done $0x0  }
0x34: {  	s6 =	sadd.s32 $0x0, s18;
	[sflag:s25] =	ssyncadd.s32 $0xFFFF8000  }
0x35: {  	[hbm4b:s6+s4] =	stream.linear.scatter [tilespmem:s22], [sflag:$0x5], $0x8000, $0x38;
	[tilespmem:$0x18080] =	vst v63  }
0x36: {  	_ =	swait.ge [sflag:s26], $0x8000  }
0x37: {  	[sflag:s26] =	ssyncset.done $0x0  }
0x38: {  	s7 =	sor.u32 s2, s16;
	s3 =	sadd.s32 $0x0, s17;
	[sflag:s26] =	ssyncadd.s32 $0xFFFF8000  }
0x39: {  	[hbm4b:s3+s4] =	stream.linear.scatter [tilespmem:s23], [sflag:$0x6], $0x8000, $0x38;
	[tilespmem:$0x18080] =	vst v63  }
0x3a: {  	s0 =	sshrl.u32 s7, $0x3;
	_ =	swait.ge [sflag:s28], $0x8000  }
0x3b: {  	s0 =	sadd.s32 s0, s1;
	[sflag:s28] =	ssyncset.done $0x0  }
0x3c: {  	s8 =	sor.u32 s2, s15;
	s6 =	sadd.s32 $0x0, s0;
	[sflag:s28] =	ssyncadd.s32 $0xFFFF8000  }
0x3d: {  	[tilespmem:s21], [sflag:$0x1] =	stream.linear.gather [hbm4b:s6+s4], $0x8000, $0x38;
	[tilespmem:$0x18080] =	vst v63  }
0x3e: {  	s3 =	sshrl.u32 s8, $0x3;
	_ =	swait.ge [sflag:s29], $0x8000  }
0x3f: {  	s3 =	sadd.s32 s3, s1;
	[sflag:s29] =	ssyncset.done $0x0  }
0x40: {  	s10 =	sor.u32 s2, s14;
	s7 =	sadd.s32 $0x0, s3;
	[sflag:s29] =	ssyncadd.s32 $0xFFFF8000  }
0x41: {  	[tilespmem:s22], [sflag:$0x2] =	stream.linear.gather [hbm4b:s7+s4], $0x8000, $0x38;
	[tilespmem:$0x18080] =	vst v63  }
0x42: {  	s6 =	sshrl.u32 s10, $0x3;
	_ =	swait.ge [sflag:s30], $0x8000  }
0x43: {  	s6 =	sadd.s32 s6, s1;
	[sflag:s30] =	ssyncset.done $0x0  }
0x44: {  	s8 =	sadd.s32 $0x0, s6;
	s7 =	simm.s32 $0x3000;
	[sflag:s30] =	ssyncadd.s32 $0xFFFF8000  }
.LBB2_2:
0x45: {  	[tilespmem:s23], [sflag:$0x3] =	stream.linear.gather [hbm4b:s8+s4], $0x8000, $0x38;
	[tilespmem:$0x18080] =	vst v63  }
0x46: {  	s8 =	smov.u32 s7  }
0x47: {  	p0 =	sne.s32 s7, $0x9000;
	s7 =	sadd.s32 $0x3000, s7;
	_ =	swait.ge [sflag:s24], $0x8000  }
0x48: {  	[sflag:s24] =	ssyncset.done $0x0  }
0x49: {  	s10 =	sadd.s32 s8, s19;
	[sflag:s24] =	ssyncadd.s32 $0xFFFF8000  }
0x4a: {  	[hbm4b:s10+s4] =	stream.linear.scatter [tilespmem:s21], [sflag:$0x4], $0x8000, $0x38;
	[tilespmem:$0x18080] =	vst v63  }
0x4b: {  	_ =	swait.ge [sflag:s25], $0x8000  }
0x4c: {  	[sflag:s25] =	ssyncset.done $0x0  }
0x4d: {  	s10 =	sadd.s32 s8, s18;
	[sflag:s25] =	ssyncadd.s32 $0xFFFF8000  }
0x4e: {  	[hbm4b:s10+s4] =	stream.linear.scatter [tilespmem:s22], [sflag:$0x5], $0x8000, $0x38;
	[tilespmem:$0x18080] =	vst v63  }
0x4f: {  	_ =	swait.ge [sflag:s26], $0x8000  }
0x50: {  	[sflag:s26] =	ssyncset.done $0x0  }
0x51: {  	s10 =	sadd.s32 s8, s17;
	[sflag:s26] =	ssyncadd.s32 $0xFFFF8000  }
0x52: {  	[hbm4b:s10+s4] =	stream.linear.scatter [tilespmem:s23], [sflag:$0x6], $0x8000, $0x38;
	[tilespmem:$0x18080] =	vst v63  }
0x53: {  	_ =	swait.ge [sflag:s28], $0x8000  }
0x54: {  	[sflag:s28] =	ssyncset.done $0x0  }
0x55: {  	s10 =	sadd.s32 s8, s0;
	[sflag:s28] =	ssyncadd.s32 $0xFFFF8000  }
0x56: {  	[tilespmem:s21], [sflag:$0x1] =	stream.linear.gather [hbm4b:s10+s4], $0x8000, $0x38;
	[tilespmem:$0x18080] =	vst v63  }
0x57: {  	_ =	swait.ge [sflag:s29], $0x8000  }
0x58: {  	[sflag:s29] =	ssyncset.done $0x0  }
.Ltmp0:
0x59: {  	s10 =	sadd.s32 s8, s3;
	[sflag:s29] =	ssyncadd.s32 $0xFFFF8000;
	(pc) =	sbr.rel @p0 .LBB2_2-.Ltmp0, $4  }
0x5a: {  	[tilespmem:s22], [sflag:$0x2] =	stream.linear.gather [hbm4b:s10+s4], $0x8000, $0x38;
	[tilespmem:$0x18080] =	vst v63  }
0x5b: {  	_ =	swait.ge [sflag:s30], $0x8000  }
0x5c: {  	[sflag:s30] =	ssyncset.done $0x0  }
0x5d: {  	s8 =	sadd.s32 s8, s6;
	[sflag:s30] =	ssyncadd.s32 $0xFFFF8000  }
0x5e: {  	[tilespmem:s23], [sflag:$0x3] =	stream.linear.gather [hbm4b:s8+s4], $0x8000, $0x38;
	[tilespmem:$0x18080] =	vst v63  }
0x5f: {  	_ =	swait.ge [sflag:s24], $0x8000  }
0x60: {  	[sflag:s24] =	ssyncset.done $0x0  }
0x61: {  	s0 =	rddreg [dreg:$0x6];
	[sflag:s24] =	ssyncadd.s32 $0xFFFF8000  }
0x62: {  	[hbm4b:s0+s4] =	stream.linear.scatter [tilespmem:s21], [sflag:$0x4], $0x8000, $0x38;
	[tilespmem:$0x18080] =	vst v63  }
0x63: {  	_ =	swait.ge [sflag:s25], $0x8000  }
0x64: {  	[sflag:s25] =	ssyncset.done $0x0  }
0x65: {  	s8 =	rddreg [dreg:$0x7];
	[sflag:s25] =	ssyncadd.s32 $0xFFFF8000  }
0x66: {  	[hbm4b:s8+s4] =	stream.linear.scatter [tilespmem:s22], [sflag:$0x5], $0x8000, $0x38;
	[tilespmem:$0x18080] =	vst v63  }
0x67: {  	_ =	swait.ge [sflag:s26], $0x8000  }
0x68: {  	[sflag:s26] =	ssyncset.done $0x0  }
0x69: {  	[sflag:s26] =	ssyncadd.s32 $0xFFFF8000  }
0x6a: {  	[hbm4b:s11+s4] =	stream.linear.scatter [tilespmem:s23], [sflag:$0x6], $0x8000, $0x38;
	[tilespmem:$0x18080] =	vst v63  }
0x6b: {  	s10 =	sor.u32 s9, s2;
	_ =	swait.ge [sflag:s28], $0x8000  }
0x6c: {  	s0 =	sshrl.u32 s10, $0x3;
	[sflag:s28] =	ssyncset.done $0x0  }
0x6d: {  	s0 =	sadd.s32 s1, s0;
	[sflag:s28] =	ssyncadd.s32 $0xFFFF8000  }
0x6e: {  	[tilespmem:s21], [sflag:$0x1] =	stream.linear.gather [hbm4b:s0+s4], $0x8000, $0x38;
	[tilespmem:$0x18080] =	vst v63  }
0x6f: {  	_ =	swait.ge [sflag:s29], $0x8000  }
0x70: {  	[sflag:s29] =	ssyncset.done $0x0  }
0x71: {  	[sflag:s29] =	ssyncadd.s32 $0xFFFF8000  }
0x72: {  	_ =	swait.ge [sflag:s30], $0x8000  }
0x73: {  	[sflag:s30] =	ssyncset.done $0x0  }
0x74: {  	[sflag:s30] =	ssyncadd.s32 $0xFFFF8000  }
0x75: {  	s31 =	sadd.s32 $0x1, s31;
	_ =	swait.ge [sflag:s24], $0x8000  }
0x76: {  	p0 =	sne.s32 s31, s13;
	[sflag:s24] =	ssyncset.done $0x0  }
.Ltmp1:
0x77: {  	[sflag:s24] =	ssyncadd.s32 $0xFFFF8000;
	(pc) =	sbr.rel @p0 .LBB2_1-.Ltmp1, $4  }
0x78: {  	[hbm4b:s12+s4] =	stream.linear.scatter [tilespmem:s21], [sflag:$0x4], $0x8000, $0x38;
	[tilespmem:$0x18080] =	vst v63  }
0x79: {  	_ =	swait.ge [sflag:s28], $0x8000  }
0x7a: {  	[sflag:s28] =	ssyncset.done $0x0  }
0x7b: {  	[sflag:s28] =	ssyncadd.s32 $0xFFFF8000  }
0x7c: {  	_ =	sfence.sel $0x180000  }
0x7d: {  	[bflag:$0x0] =	sbarrier.arrive $0xFFFF  }
0x7e: {  	_ =	strace $0x90000047  }
0x7f: {  	s0 =	stileid.u32;
	[bflag:$0x2] =	sbarrier.arrive $0xFFFF  }
0x80: {  	p0 =	sne.s32 s0, $0x0;
	s0 =	rddreg [dreg:$0x3]  }
0x81: {  	s0 =	sadd.s32 @!p0 $0x100000, s0  }
0x82: {  	[sflag:s0] =	ssyncadd.tile.s32 @!p0 $0x1;
	_ =	shalt  }
.Lfunc_end2:
_tile_overlayer_lowered:
.L_overlay_start_2:
0x83: {  	(tag) =	ssettag $0x2  }
0x84: {  	s0 =	rddreg [dreg:$0x0];
	s2 =	stileid.u32  }
0x85: {  	s1 =	rddreg [dreg:$0x1];
	p0 =	sne.s32 s2, $0x0  }
0x86: {  	s3 =	rddreg [dreg:$0x2];
	[bflag:$0x3] =	sbarrier.arrive $0xFFFF;
	s2 =	simm.s32 @!p0 $0x1C07  }
0x87: {  	[timem:s3], [sflag:s2] =	dma.local @!p0 [hbm:s0], s1  }
0x88: {  	s0 =	simm.s32 @!p0 $0x7  }
0x89: {  	_ =	swait.ge @!p0 [sflag:s0], s1  }
0x8a: {  	s1 =	ssub.s32 @!p0 $0x0, s1;
	[sflag:s0] =	ssyncset.done @!p0 $0x0  }
0x8b: {  	[sflag:s0] =	ssyncadd.s32 @!p0 s1  }
0x8c: {  	[bflag:$0x3] =	sbarrier.arrive $0xFFFF  }
0x8d: {  	_ =	shalt  }

</sc_bundles>
